<compile_context>
chip_gen: v7x
topology: tpu7x:2x2x1
jax: 0.10.2.dev20260603
libtpu: 0.0.44.dev20260713+nightly
codegen_flags: <defaults>
</compile_context>

<pallas_src>
import functools

import jax
import jax.numpy as jnp
from jax import lax
from jax.experimental import pallas as pl
from jax.experimental.pallas import tpu as pltpu
from jax.experimental.pallas import tpu_sc as plsc

N = 10000
E = 320000
F = 128
DE = 16
HID = 128
R = 10

NC = 2
NS = 16
CH = 96
GS = 2
NCH_PER_TEC = 106
E_PAD = NC * NS * CH * NCH_PER_TEC
N_TBL = 10112
N_PAD = 10240


_mesh = plsc.VectorSubcoreMesh(core_axis_name="c", subcore_axis_name="s")


@functools.partial(
    pl.kernel,
    out_type=jax.ShapeDtypeStruct((NC, N_PAD, F), jnp.float32),
    mesh=_mesh,
    scratch_types=[
        pltpu.VMEM((2, CH), jnp.int32),
        pltpu.VMEM((2, CH), jnp.int32),
        pltpu.VMEM((2, CH, F), jnp.float32),
        pltpu.VMEM((2, CH, F), jnp.float32),
        pltpu.VMEM_SHARED((N_TBL, F), jnp.float32),
        pltpu.SemaphoreType.DMA,
        pltpu.SemaphoreType.DMA,
        pltpu.SemaphoreType.DMA,
        pltpu.SemaphoreType.DMA,
    ],
)
def _msg_pass(h_hbm, w_hbm, src_hbm, dst_hbm, out_hbm,
              sidx, didx, wbuf, rbuf, agg_sh, sem0, sem1, isem0, isem1):
    c = lax.axis_index("c")
    s = lax.axis_index("s")
    sems = (sem0, sem1)
    isems = (isem0, isem1)
    tec = c * NS + s
    chunk0 = tec * NCH_PER_TEC

    def _start_idx(i, b):
        pltpu.async_copy(src_hbm.at[chunk0 + i], sidx.at[b], isems[b])
        pltpu.async_copy(dst_hbm.at[chunk0 + i], didx.at[b], isems[b])

    def _zrow(r, _):
        for k in range(F // 16):
            wbuf[0, r, pl.ds(k * 16, 16)] = jnp.zeros((16,), jnp.float32)
        return 0
    lax.fori_loop(0, CH, _zrow, 0)
    rows_per_tec = N_TBL // NS
    base_row = s * rows_per_tec
    nfull, rem = divmod(rows_per_tec, CH)
    for b in range(nfull):
        pltpu.sync_copy(wbuf.at[0], agg_sh.at[pl.ds(base_row + b * CH, CH)])
    if rem:
        pltpu.sync_copy(wbuf.at[0, pl.ds(0, rem)],
                        agg_sh.at[pl.ds(base_row + nfull * CH, rem)])
    plsc.subcore_barrier()

    GC = CH // GS

    def _wait_idx(b):
        pltpu.make_async_copy(src_hbm.at[0], sidx.at[b], isems[b]).wait()
        pltpu.make_async_copy(src_hbm.at[0], didx.at[b], isems[b]).wait()

    def _start(i, b):
        e0 = (chunk0 + i) * CH
        pltpu.async_copy(w_hbm.at[pl.ds(e0, CH)], wbuf.at[b], sems[b])
        for gsp in range(GS):
            pltpu.async_copy(h_hbm.at[sidx.at[b, pl.ds(gsp * GC, GC)]],
                             rbuf.at[b, pl.ds(gsp * GC, GC)], sems[b])

    def _wait(b):
        pltpu.make_async_copy(w_hbm.at[pl.ds(0, CH)], wbuf.at[b], sems[b]).wait()
        for _ in range(GS):
            pltpu.make_async_copy(w_hbm.at[pl.ds(0, GC)],
                                  rbuf.at[b, pl.ds(0, GC)], sems[b]).wait()

    _start_idx(0, 0)
    _start_idx(1, 1)
    _wait_idx(0)
    _start(0, 0)

    def _g(g, _):
        for b in range(2):
            i = g * 2 + b

            @pl.when(i + 1 < NCH_PER_TEC)
            def _():
                _wait_idx(1 - b)
                _start(i + 1, 1 - b)

            _wait(b)

            def _mrow(r, _):
                for k in range(F // 16):
                    sl = pl.ds(k * 16, 16)
                    rbuf[b, r, sl] = rbuf[b, r, sl] * wbuf[b, r, sl]
                return 0
            lax.fori_loop(0, CH, _mrow, 0)
            pltpu.sync_copy(rbuf.at[b], agg_sh.at[didx.at[b]], add=True)

            @pl.when(i + 2 < NCH_PER_TEC)
            def _():
                _start_idx(i + 2, b)
        return 0

    lax.fori_loop(0, NCH_PER_TEC // 2, _g, 0)
    plsc.subcore_barrier()

    for b in range(nfull):
        r0 = base_row + b * CH
        pltpu.sync_copy(agg_sh.at[pl.ds(r0, CH)], out_hbm.at[c, pl.ds(r0, CH)])
    if rem:
        r0 = base_row + nfull * CH
        pltpu.sync_copy(agg_sh.at[pl.ds(r0, rem)], out_hbm.at[c, pl.ds(r0, rem)])


@functools.partial(
    pl.kernel,
    out_type=jax.ShapeDtypeStruct((NC, N_PAD, F), jnp.float32),
    mesh=_mesh,
    scratch_types=[
        pltpu.VMEM((CH,), jnp.int32),
        pltpu.VMEM((CH, F), jnp.float32),
        pltpu.VMEM((CH, F), jnp.float32),
        pltpu.VMEM_SHARED((N_TBL, F), jnp.float32),
    ],
)
def _degree(dst_hbm, out_hbm, didx, ones_b, zero_b, deg_sh):
    c = lax.axis_index("c")
    s = lax.axis_index("s")
    tec = c * NS + s

    def _fill(r, _):
        for k in range(F // 16):
            ones_b[r, pl.ds(k * 16, 16)] = jnp.ones((16,), jnp.float32)
            zero_b[r, pl.ds(k * 16, 16)] = jnp.zeros((16,), jnp.float32)
        return 0
    lax.fori_loop(0, CH, _fill, 0)
    rows_per_tec = N_TBL // NS
    base_row = s * rows_per_tec
    nfull, rem = divmod(rows_per_tec, CH)
    for b in range(nfull):
        pltpu.sync_copy(zero_b, deg_sh.at[pl.ds(base_row + b * CH, CH)])
    if rem:
        pltpu.sync_copy(zero_b.at[pl.ds(0, rem)],
                        deg_sh.at[pl.ds(base_row + nfull * CH, rem)])
    plsc.subcore_barrier()

    chunk0 = tec * NCH_PER_TEC

    def _chunk(i, _):
        pltpu.sync_copy(dst_hbm.at[chunk0 + i], didx)
        pltpu.sync_copy(ones_b, deg_sh.at[didx], add=True)
        return 0
    lax.fori_loop(0, NCH_PER_TEC, _chunk, 0)
    plsc.subcore_barrier()

    for b in range(nfull):
        r0 = base_row + b * CH
        pltpu.sync_copy(deg_sh.at[pl.ds(r0, CH)], out_hbm.at[c, pl.ds(r0, CH)])
    if rem:
        r0 = base_row + nfull * CH
        pltpu.sync_copy(deg_sh.at[pl.ds(r0, rem)], out_hbm.at[c, pl.ds(r0, rem)])


_BE = 512


def _filter_body(ef_ref, w1_ref, b1_ref, w2_ref, b2_ref, out_ref):
    hmid = jnp.maximum(
        jnp.dot(ef_ref[...], w1_ref[...], preferred_element_type=jnp.float32)
        + b1_ref[...], 0.0)
    out_ref[...] = (
        jnp.dot(hmid, w2_ref[...], preferred_element_type=jnp.float32)
        + b2_ref[...])


_filter_call = pl.pallas_call(
    _filter_body,
    out_shape=jax.ShapeDtypeStruct((E_PAD, F), jnp.float32),
    grid=(E_PAD // _BE,),
    in_specs=[
        pl.BlockSpec((_BE, DE), lambda i: (i, 0)),
        pl.BlockSpec((DE, HID), lambda i: (0, 0)),
        pl.BlockSpec((1, HID), lambda i: (0, 0)),
        pl.BlockSpec((HID, F), lambda i: (0, 0)),
        pl.BlockSpec((1, F), lambda i: (0, 0)),
    ],
    out_specs=pl.BlockSpec((_BE, F), lambda i: (i, 0)),
)


_BN = 256


def _gru_body(agg_ref, deg_ref, h_ref, wih_ref, whh_ref, bih_ref, bhh_ref,
              out_ref):
    a = agg_ref[0] + agg_ref[1]
    dg = deg_ref[0, :, :1] + deg_ref[1, :, :1]
    x = a / jnp.maximum(dg, 1.0)
    h = h_ref[...]
    gi = jnp.dot(x, wih_ref[...], preferred_element_type=jnp.float32) + bih_ref[...]
    gh = jnp.dot(h, whh_ref[...], preferred_element_type=jnp.float32) + bhh_ref[...]
    r = jax.nn.sigmoid(gi[:, :F] + gh[:, :F])
    z = jax.nn.sigmoid(gi[:, F:2 * F] + gh[:, F:2 * F])
    n = jnp.tanh(gi[:, 2 * F:] + r * gh[:, 2 * F:])
    out_ref[...] = (1.0 - z) * n + z * h


_gru_call = pl.pallas_call(
    _gru_body,
    out_shape=jax.ShapeDtypeStruct((N_PAD, F), jnp.float32),
    grid=(N_PAD // _BN,),
    in_specs=[
        pl.BlockSpec((NC, _BN, F), lambda i: (0, i, 0)),
        pl.BlockSpec((NC, _BN, F), lambda i: (0, i, 0)),
        pl.BlockSpec((_BN, F), lambda i: (i, 0)),
        pl.BlockSpec((F, 3 * F), lambda i: (0, 0)),
        pl.BlockSpec((F, 3 * F), lambda i: (0, 0)),
        pl.BlockSpec((1, 3 * F), lambda i: (0, 0)),
        pl.BlockSpec((1, 3 * F), lambda i: (0, 0)),
    ],
    out_specs=pl.BlockSpec((_BN, F), lambda i: (i, 0)),
)


def kernel(hx, edge_index, edgefeats, W1, b1, W2, b2, W_ih, W_hh, b_ih, b_hh):
    src = edge_index[0].astype(jnp.int32)
    dst = edge_index[1].astype(jnp.int32)
    pad = E_PAD - E
    src_p = jnp.concatenate([src, jnp.zeros((pad,), jnp.int32)])
    dst_p = jnp.concatenate([dst, jnp.full((pad,), N, jnp.int32)])
    src2d = src_p.reshape(E_PAD // CH, CH)
    dst2d = dst_p.reshape(E_PAD // CH, CH)
    ef_p = jnp.pad(edgefeats, ((0, pad), (0, 0)))

    weights = _filter_call(ef_p, W1, b1.reshape(1, HID), W2, b2.reshape(1, F))
    deg = _degree(dst2d)

    h0 = jnp.pad(hx, ((0, N_PAD - N), (0, 0)))
    bih2 = b_ih.reshape(1, 3 * F)
    bhh2 = b_hh.reshape(1, 3 * F)

    def _body(_, h):
        agg = _msg_pass(h, weights, src2d, dst2d)
        return _gru_call(agg, deg, h, W_ih, W_hh, bih2, bhh2)

    h = lax.fori_loop(0, R, _body, h0)
    return h[:N]

# --- scband reference (transcript-rebuilt; emitter-appended) ---
"""Pipeline reference for scband-rnngraph-conv-module-19791209300764 (READ-ONLY COPY).

The authoritative reference and input builder live on the scoring server;
editing this copy changes nothing except your own understanding.
"""

import jax, jax.numpy as jnp
import numpy as np

N = 10000
E = 320000
F = 128
DE = 16
HID = 128
R = 10


def setup_inputs(seed: int = 0) -> dict:
    key = jax.random.key(seed)
    ks = jax.random.split(key, 12)
    s = 0.05
    hx = jax.random.normal(ks[0], (N, F), dtype=jnp.float32)
    edge_index = jax.random.randint(ks[1], (2, E), 0, N, dtype=jnp.int64)
    edgefeats = jax.random.normal(ks[2], (E, DE), dtype=jnp.float32)
    # filter_net: Linear(DE, HID) -> ReLU -> Linear(HID, F)   (vv=True => per-edge vector weights)
    W1 = jax.random.normal(ks[3], (DE, HID), dtype=jnp.float32) * s
    b1 = jnp.zeros((HID,), dtype=jnp.float32)
    W2 = jax.random.normal(ks[4], (HID, F), dtype=jnp.float32) * s
    b2 = jnp.zeros((F,), dtype=jnp.float32)
    # GRUCell(F, F) params (torch layout transposed to [in, 3*F])
    W_ih = jax.random.normal(ks[5], (F, 3 * F), dtype=jnp.float32) * s
    W_hh = jax.random.normal(ks[6], (F, 3 * F), dtype=jnp.float32) * s
    b_ih = jnp.zeros((3 * F,), dtype=jnp.float32)
    b_hh = jnp.zeros((3 * F,), dtype=jnp.float32)
    return {"hx": hx, "edge_index": edge_index, "edgefeats": edgefeats,
            "W1": W1, "b1": b1, "W2": W2, "b2": b2,
            "W_ih": W_ih, "W_hh": W_hh, "b_ih": b_ih, "b_hh": b_hh}


def _gru_cell(x, h, W_ih, W_hh, b_ih, b_hh):
    gi = x @ W_ih + b_ih
    gh = h @ W_hh + b_hh
    i_r, i_z, i_n = jnp.split(gi, 3, axis=1)
    h_r, h_z, h_n = jnp.split(gh, 3, axis=1)
    r = jax.nn.sigmoid(i_r + h_r)
    z = jax.nn.sigmoid(i_z + h_z)
    n = jnp.tanh(i_n + r * h_n)
    return (1.0 - z) * n + z * h


def reference(hx, edge_index, edgefeats, W1, b1, W2, b2, W_ih, W_hh, b_ih, b_hh):
    # filter generating network (weights shared across iterations)
    weights = jnp.maximum(edgefeats @ W1 + b1, 0.0) @ W2 + b2  # [E, F]
    src = edge_index[0]
    dst = edge_index[1]
    deg = jax.ops.segment_sum(jnp.ones((E,), dtype=jnp.float32), dst, num_segments=N)
    deg = jnp.maximum(deg, 1.0)
    h = hx
    for _ in range(R):
        # NNConv with vv=True: message = x_src * w_edge, mean-aggregated at dst
        msg = jnp.take(h, src, axis=0) * weights            # gather + elementwise
        agg = jax.ops.segment_sum(msg, dst, num_segments=N)  # scatter-add
        agg = agg / deg[:, None]                             # mean aggregation
        h = _gru_cell(agg, h, W_ih, W_hh, b_ih, b_hh)        # shared GRU cell
    return h  # cat_all=False -> final hidden state [N, F]

if __name__ == "__main__":
    import jax
    _d = setup_inputs()
    print(jax.jit(kernel)(*tuple(_d.values())))

</pallas_src>

<mosaic_0001>
#map = affine_map<(d0, d1) -> (0, 0)>
#map1 = affine_map<(d0, d1) -> (0, 0, 0)>
module attributes {stable_mosaic.version = 14 : i64} {
  func.func @_degree(%arg0: i32, %arg1: i32, %arg2: memref<3392x96xi32, #tpu.memory_space<hbm>>, %arg3: memref<2x10240x128xf32, #tpu.memory_space<hbm>>, %arg4: memref<96xi32, #tpu.memory_space<vmem>>, %arg5: memref<96x128xf32, #tpu.memory_space<vmem>>, %arg6: memref<96x128xf32, #tpu.memory_space<vmem>>, %arg7: memref<10112x128xf32, #tpu.memory_space<vmem_shared>>) attributes {dimension_semantics = [#tpu.dimension_semantics<core_parallel>, #tpu.dimension_semantics<subcore_parallel>], iteration_bounds = array<i64: 2, 16>, scalar_prefetch = 0 : i64, scratch_operands = 4 : i64, tpu.core_type = #tpu.core_type<sc_vector_subcore>, window_params = [{transform_indices = #map}, {transform_indices = #map1}]} {
    %mul3A = arith.constant 16 : i32
    %mul3A_0 = arith.muli %arg0, %mul3A : i32
    %add3A = arith.addi %mul3A_0, %arg1 : i32
    %scan3A = arith.constant 0 : i32
    %scan3A_1 = arith.constant 0 : i32
    %scan3A_2 = arith.constant 96 : i32
    %scan3A_3 = arith.addi %scan3A_1, %scan3A_2 : i32
    %scan3A_4 = arith.constant 1 : i32
    %scan3A_5 = scf.for %scan3A_47 = %scan3A_1 to %scan3A_3 step %scan3A_4 iter_args(%scan3A_48 = %scan3A) -> (i32)  : i32 {
      %broadcast_in_dim3A = arith.constant 1.000000e+00 : f32
      %broadcast_in_dim3A_49 = vector.broadcast %broadcast_in_dim3A : f32 to vector<16xf32>
      %swap3A = arith.index_cast %scan3A_47 : i32 to index
      %swap3A_50 = arith.constant 0 : index
      %swap3A_51 = tpu.vector_load %arg5[%swap3A, %swap3A_50] {strides = array<i32>} : memref<96x128xf32, #tpu.memory_space<vmem>>, vector<1x16xf32>,
      %swap3A_52 = vector.shape_cast %swap3A_51 : vector<1x16xf32> to vector<16xf32>
      %swap3A_53 = vector.shape_cast %broadcast_in_dim3A_49 : vector<16xf32> to vector<1x16xf32>
      tpu.vector_store %arg5[%swap3A, %swap3A_50], %swap3A_53 {strides = array<i32>} : memref<96x128xf32, #tpu.memory_space<vmem>>, vector<1x16xf32>,
      %broadcast_in_dim3A_54 = arith.constant 0.000000e+00 : f32
      %broadcast_in_dim3A_55 = vector.broadcast %broadcast_in_dim3A_54 : f32 to vector<16xf32>
      %swap3A_56 = arith.index_cast %scan3A_47 : i32 to index
      %swap3A_57 = arith.constant 0 : index
      %swap3A_58 = tpu.vector_load %arg6[%swap3A_56, %swap3A_57] {strides = array<i32>} : memref<96x128xf32, #tpu.memory_space<vmem>>, vector<1x16xf32>,
      %swap3A_59 = vector.shape_cast %swap3A_58 : vector<1x16xf32> to vector<16xf32>
      %swap3A_60 = vector.shape_cast %broadcast_in_dim3A_55 : vector<16xf32> to vector<1x16xf32>
      tpu.vector_store %arg6[%swap3A_56, %swap3A_57], %swap3A_60 {strides = array<i32>} : memref<96x128xf32, #tpu.memory_space<vmem>>, vector<1x16xf32>,
      %broadcast_in_dim3A_61 = arith.constant 1.000000e+00 : f32
      %broadcast_in_dim3A_62 = vector.broadcast %broadcast_in_dim3A_61 : f32 to vector<16xf32>
      %swap3A_63 = arith.index_cast %scan3A_47 : i32 to index
      %swap3A_64 = arith.constant 16 : index
      %swap3A_65 = tpu.vector_load %arg5[%swap3A_63, %swap3A_64] {strides = array<i32>} : memref<96x128xf32, #tpu.memory_space<vmem>>, vector<1x16xf32>,
      %swap3A_66 = vector.shape_cast %swap3A_65 : vector<1x16xf32> to vector<16xf32>
      %swap3A_67 = vector.shape_cast %broadcast_in_dim3A_62 : vector<16xf32> to vector<1x16xf32>
      tpu.vector_store %arg5[%swap3A_63, %swap3A_64], %swap3A_67 {strides = array<i32>} : memref<96x128xf32, #tpu.memory_space<vmem>>, vector<1x16xf32>,
      %broadcast_in_dim3A_68 = arith.constant 0.000000e+00 : f32
      %broadcast_in_dim3A_69 = vector.broadcast %broadcast_in_dim3A_68 : f32 to vector<16xf32>
      %swap3A_70 = arith.index_cast %scan3A_47 : i32 to index
      %swap3A_71 = arith.constant 16 : index
      %swap3A_72 = tpu.vector_load %arg6[%swap3A_70, %swap3A_71] {strides = array<i32>} : memref<96x128xf32, #tpu.memory_space<vmem>>, vector<1x16xf32>,
      %swap3A_73 = vector.shape_cast %swap3A_72 : vector<1x16xf32> to vector<16xf32>
      %swap3A_74 = vector.shape_cast %broadcast_in_dim3A_69 : vector<16xf32> to vector<1x16xf32>
      tpu.vector_store %arg6[%swap3A_70, %swap3A_71], %swap3A_74 {strides = array<i32>} : memref<96x128xf32, #tpu.memory_space<vmem>>, vector<1x16xf32>,
      %broadcast_in_dim3A_75 = arith.constant 1.000000e+00 : f32
      %broadcast_in_dim3A_76 = vector.broadcast %broadcast_in_dim3A_75 : f32 to vector<16xf32>
      %swap3A_77 = arith.index_cast %scan3A_47 : i32 to index
      %swap3A_78 = arith.constant 32 : index
      %swap3A_79 = tpu.vector_load %arg5[%swap3A_77, %swap3A_78] {strides = array<i32>} : memref<96x128xf32, #tpu.memory_space<vmem>>, vector<1x16xf32>,
      %swap3A_80 = vector.shape_cast %swap3A_79 : vector<1x16xf32> to vector<16xf32>
      %swap3A_81 = vector.shape_cast %broadcast_in_dim3A_76 : vector<16xf32> to vector<1x16xf32>
      tpu.vector_store %arg5[%swap3A_77, %swap3A_78], %swap3A_81 {strides = array<i32>} : memref<96x128xf32, #tpu.memory_space<vmem>>, vector<1x16xf32>,
      %broadcast_in_dim3A_82 = arith.constant 0.000000e+00 : f32
      %broadcast_in_dim3A_83 = vector.broadcast %broadcast_in_dim3A_82 : f32 to vector<16xf32>
      %swap3A_84 = arith.index_cast %scan3A_47 : i32 to index
      %swap3A_85 = arith.constant 32 : index
      %swap3A_86 = tpu.vector_load %arg6[%swap3A_84, %swap3A_85] {strides = array<i32>} : memref<96x128xf32, #tpu.memory_space<vmem>>, vector<1x16xf32>,
      %swap3A_87 = vector.shape_cast %swap3A_86 : vector<1x16xf32> to vector<16xf32>
      %swap3A_88 = vector.shape_cast %broadcast_in_dim3A_83 : vector<16xf32> to vector<1x16xf32>
      tpu.vector_store %arg6[%swap3A_84, %swap3A_85], %swap3A_88 {strides = array<i32>} : memref<96x128xf32, #tpu.memory_space<vmem>>, vector<1x16xf32>,
      %broadcast_in_dim3A_89 = arith.constant 1.000000e+00 : f32
      %broadcast_in_dim3A_90 = vector.broadcast %broadcast_in_dim3A_89 : f32 to vector<16xf32>
      %swap3A_91 = arith.index_cast %scan3A_47 : i32 to index
      %swap3A_92 = arith.constant 48 : index
      %swap3A_93 = tpu.vector_load %arg5[%swap3A_91, %swap3A_92] {strides = array<i32>} : memref<96x128xf32, #tpu.memory_space<vmem>>, vector<1x16xf32>,
      %swap3A_94 = vector.shape_cast %swap3A_93 : vector<1x16xf32> to vector<16xf32>
      %swap3A_95 = vector.shape_cast %broadcast_in_dim3A_90 : vector<16xf32> to vector<1x16xf32>
      tpu.vector_store %arg5[%swap3A_91, %swap3A_92], %swap3A_95 {strides = array<i32>} : memref<96x128xf32, #tpu.memory_space<vmem>>, vector<1x16xf32>,
      %broadcast_in_dim3A_96 = arith.constant 0.000000e+00 : f32
      %broadcast_in_dim3A_97 = vector.broadcast %broadcast_in_dim3A_96 : f32 to vector<16xf32>
      %swap3A_98 = arith.index_cast %scan3A_47 : i32 to index
      %swap3A_99 = arith.constant 48 : index
      %swap3A_100 = tpu.vector_load %arg6[%swap3A_98, %swap3A_99] {strides = array<i32>} : memref<96x128xf32, #tpu.memory_space<vmem>>, vector<1x16xf32>,
      %swap3A_101 = vector.shape_cast %swap3A_100 : vector<1x16xf32> to vector<16xf32>
      %swap3A_102 = vector.shape_cast %broadcast_in_dim3A_97 : vector<16xf32> to vector<1x16xf32>
      tpu.vector_store %arg6[%swap3A_98, %swap3A_99], %swap3A_102 {strides = array<i32>} : memref<96x128xf32, #tpu.memory_space<vmem>>, vector<1x16xf32>,
      %broadcast_in_dim3A_103 = arith.constant 1.000000e+00 : f32
      %broadcast_in_dim3A_104 = vector.broadcast %broadcast_in_dim3A_103 : f32 to vector<16xf32>
      %swap3A_105 = arith.index_cast %scan3A_47 : i32 to index
      %swap3A_106 = arith.constant 64 : index
      %swap3A_107 = tpu.vector_load %arg5[%swap3A_105, %swap3A_106] {strides = array<i32>} : memref<96x128xf32, #tpu.memory_space<vmem>>, vector<1x16xf32>,
      %swap3A_108 = vector.shape_cast %swap3A_107 : vector<1x16xf32> to vector<16xf32>
      %swap3A_109 = vector.shape_cast %broadcast_in_dim3A_104 : vector<16xf32> to vector<1x16xf32>
      tpu.vector_store %arg5[%swap3A_105, %swap3A_106], %swap3A_109 {strides = array<i32>} : memref<96x128xf32, #tpu.memory_space<vmem>>, vector<1x16xf32>,
      %broadcast_in_dim3A_110 = arith.constant 0.000000e+00 : f32
      %broadcast_in_dim3A_111 = vector.broadcast %broadcast_in_dim3A_110 : f32 to vector<16xf32>
      %swap3A_112 = arith.index_cast %scan3A_47 : i32 to index
      %swap3A_113 = arith.constant 64 : index
      %swap3A_114 = tpu.vector_load %arg6[%swap3A_112, %swap3A_113] {strides = array<i32>} : memref<96x128xf32, #tpu.memory_space<vmem>>, vector<1x16xf32>,
      %swap3A_115 = vector.shape_cast %swap3A_114 : vector<1x16xf32> to vector<16xf32>
      %swap3A_116 = vector.shape_cast %broadcast_in_dim3A_111 : vector<16xf32> to vector<1x16xf32>
      tpu.vector_store %arg6[%swap3A_112, %swap3A_113], %swap3A_116 {strides = array<i32>} : memref<96x128xf32, #tpu.memory_space<vmem>>, vector<1x16xf32>,
      %broadcast_in_dim3A_117 = arith.constant 1.000000e+00 : f32
      %broadcast_in_dim3A_118 = vector.broadcast %broadcast_in_dim3A_117 : f32 to vector<16xf32>
      %swap3A_119 = arith.index_cast %scan3A_47 : i32 to index
      %swap3A_120 = arith.constant 80 : index
      %swap3A_121 = tpu.vector_load %arg5[%swap3A_119, %swap3A_120] {strides = array<i32>} : memref<96x128xf32, #tpu.memory_space<vmem>>, vector<1x16xf32>,
      %swap3A_122 = vector.shape_cast %swap3A_121 : vector<1x16xf32> to vector<16xf32>
      %swap3A_123 = vector.shape_cast %broadcast_in_dim3A_118 : vector<16xf32> to vector<1x16xf32>
      tpu.vector_store %arg5[%swap3A_119, %swap3A_120], %swap3A_123 {strides = array<i32>} : memref<96x128xf32, #tpu.memory_space<vmem>>, vector<1x16xf32>,
      %broadcast_in_dim3A_124 = arith.constant 0.000000e+00 : f32
      %broadcast_in_dim3A_125 = vector.broadcast %broadcast_in_dim3A_124 : f32 to vector<16xf32>
      %swap3A_126 = arith.index_cast %scan3A_47 : i32 to index
      %swap3A_127 = arith.constant 80 : index
      %swap3A_128 = tpu.vector_load %arg6[%swap3A_126, %swap3A_127] {strides = array<i32>} : memref<96x128xf32, #tpu.memory_space<vmem>>, vector<1x16xf32>,
      %swap3A_129 = vector.shape_cast %swap3A_128 : vector<1x16xf32> to vector<16xf32>
      %swap3A_130 = vector.shape_cast %broadcast_in_dim3A_125 : vector<16xf32> to vector<1x16xf32>
      tpu.vector_store %arg6[%swap3A_126, %swap3A_127], %swap3A_130 {strides = array<i32>} : memref<96x128xf32, #tpu.memory_space<vmem>>, vector<1x16xf32>,
      %broadcast_in_dim3A_131 = arith.constant 1.000000e+00 : f32
      %broadcast_in_dim3A_132 = vector.broadcast %broadcast_in_dim3A_131 : f32 to vector<16xf32>
      %swap3A_133 = arith.index_cast %scan3A_47 : i32 to index
      %swap3A_134 = arith.constant 96 : index
      %swap3A_135 = tpu.vector_load %arg5[%swap3A_133, %swap3A_134] {strides = array<i32>} : memref<96x128xf32, #tpu.memory_space<vmem>>, vector<1x16xf32>,
      %swap3A_136 = vector.shape_cast %swap3A_135 : vector<1x16xf32> to vector<16xf32>
      %swap3A_137 = vector.shape_cast %broadcast_in_dim3A_132 : vector<16xf32> to vector<1x16xf32>
      tpu.vector_store %arg5[%swap3A_133, %swap3A_134], %swap3A_137 {strides = array<i32>} : memref<96x128xf32, #tpu.memory_space<vmem>>, vector<1x16xf32>,
      %broadcast_in_dim3A_138 = arith.constant 0.000000e+00 : f32
      %broadcast_in_dim3A_139 = vector.broadcast %broadcast_in_dim3A_138 : f32 to vector<16xf32>
      %swap3A_140 = arith.index_cast %scan3A_47 : i32 to index
      %swap3A_141 = arith.constant 96 : index
      %swap3A_142 = tpu.vector_load %arg6[%swap3A_140, %swap3A_141] {strides = array<i32>} : memref<96x128xf32, #tpu.memory_space<vmem>>, vector<1x16xf32>,
      %swap3A_143 = vector.shape_cast %swap3A_142 : vector<1x16xf32> to vector<16xf32>
      %swap3A_144 = vector.shape_cast %broadcast_in_dim3A_139 : vector<16xf32> to vector<1x16xf32>
      tpu.vector_store %arg6[%swap3A_140, %swap3A_141], %swap3A_144 {strides = array<i32>} : memref<96x128xf32, #tpu.memory_space<vmem>>, vector<1x16xf32>,
      %broadcast_in_dim3A_145 = arith.constant 1.000000e+00 : f32
      %broadcast_in_dim3A_146 = vector.broadcast %broadcast_in_dim3A_145 : f32 to vector<16xf32>
      %swap3A_147 = arith.index_cast %scan3A_47 : i32 to index
      %swap3A_148 = arith.constant 112 : index
      %swap3A_149 = tpu.vector_load %arg5[%swap3A_147, %swap3A_148] {strides = array<i32>} : memref<96x128xf32, #tpu.memory_space<vmem>>, vector<1x16xf32>,
      %swap3A_150 = vector.shape_cast %swap3A_149 : vector<1x16xf32> to vector<16xf32>
      %swap3A_151 = vector.shape_cast %broadcast_in_dim3A_146 : vector<16xf32> to vector<1x16xf32>
      tpu.vector_store %arg5[%swap3A_147, %swap3A_148], %swap3A_151 {strides = array<i32>} : memref<96x128xf32, #tpu.memory_space<vmem>>, vector<1x16xf32>,
      %broadcast_in_dim3A_152 = arith.constant 0.000000e+00 : f32
      %broadcast_in_dim3A_153 = vector.broadcast %broadcast_in_dim3A_152 : f32 to vector<16xf32>
      %swap3A_154 = arith.index_cast %scan3A_47 : i32 to index
      %swap3A_155 = arith.constant 112 : index
      %swap3A_156 = tpu.vector_load %arg6[%swap3A_154, %swap3A_155] {strides = array<i32>} : memref<96x128xf32, #tpu.memory_space<vmem>>, vector<1x16xf32>,
      %swap3A_157 = vector.shape_cast %swap3A_156 : vector<1x16xf32> to vector<16xf32>
      %swap3A_158 = vector.shape_cast %broadcast_in_dim3A_153 : vector<16xf32> to vector<1x16xf32>
      tpu.vector_store %arg6[%swap3A_154, %swap3A_155], %swap3A_158 {strides = array<i32>} : memref<96x128xf32, #tpu.memory_space<vmem>>, vector<1x16xf32>,
      %scan3A_159 = arith.constant 0 : i32
      scf.yield %scan3A_159 : i32
    }
    %scan3A_6 = arith.constant 96 : i32
    %mul3A_7 = arith.constant 632 : i32
    %mul3A_8 = arith.muli %arg1, %mul3A_7 : i32
    %add3A_9 = arith.constant 0 : i32
    %add3A_10 = arith.addi %mul3A_8, %add3A_9 : i32
    "tpu.region"() ({
      %run_scoped3A = tpu.sem_alloc : memref<!tpu.dma_semaphore, #tpu.memory_space<semaphore_mem>>
      %dma_start3A = arith.constant 0 : i32
      %dma_start3A_47 = tpu.memref_slice %arg7[%add3A_10, %dma_start3A] : memref<10112x128xf32, #tpu.memory_space<vmem_shared>> -> memref<96x128xf32, #tpu.memory_space<vmem_shared>>
      %dma_start3A_48 = arith.constant 0 : i32
      %dma_start3A_49 = tpu.memref_slice %arg7[%add3A_10, %dma_start3A_48] : memref<10112x128xf32, #tpu.memory_space<vmem_shared>> -> memref<96x128xf32, #tpu.memory_space<vmem_shared>>
      tpu.enqueue_dma source(%arg6 : memref<96x128xf32, #tpu.memory_space<vmem>>) target(%dma_start3A_49 : memref<96x128xf32, #tpu.memory_space<vmem_shared>>) target_semaphore(%run_scoped3A : memref<!tpu.dma_semaphore, #tpu.memory_space<semaphore_mem>>)
      %dma_wait3A = arith.constant 0 : i32
      %dma_wait3A_50 = tpu.memref_slice %arg7[%add3A_10, %dma_wait3A] : memref<10112x128xf32, #tpu.memory_space<vmem_shared>> -> memref<96x128xf32, #tpu.memory_space<vmem_shared>>
      %dma_wait3A_51 = arith.constant 0 : i32
      %dma_wait3A_52 = tpu.memref_slice %arg7[%add3A_10, %dma_wait3A_51] : memref<10112x128xf32, #tpu.memory_space<vmem_shared>> -> memref<96x128xf32, #tpu.memory_space<vmem_shared>>
      tpu.wait_dma2 semaphore(%run_scoped3A : memref<!tpu.dma_semaphore, #tpu.memory_space<semaphore_mem>>) src(%arg6 : memref<96x128xf32, #tpu.memory_space<vmem>>) dst(%dma_wait3A_52 : memref<96x128xf32, #tpu.memory_space<vmem_shared>>)
      tpu.yield
    }) : () -> ()
    %add3A_11 = arith.constant 96 : i32
    %add3A_12 = arith.addi %mul3A_8, %add3A_11 : i32
    "tpu.region"() ({
      %run_scoped3A = tpu.sem_alloc : memref<!tpu.dma_semaphore, #tpu.memory_space<semaphore_mem>>
      %dma_start3A = arith.constant 0 : i32
      %dma_start3A_47 = tpu.memref_slice %arg7[%add3A_12, %dma_start3A] : memref<10112x128xf32, #tpu.memory_space<vmem_shared>> -> memref<96x128xf32, #tpu.memory_space<vmem_shared>>
      %dma_start3A_48 = arith.constant 0 : i32
      %dma_start3A_49 = tpu.memref_slice %arg7[%add3A_12, %dma_start3A_48] : memref<10112x128xf32, #tpu.memory_space<vmem_shared>> -> memref<96x128xf32, #tpu.memory_space<vmem_shared>>
      tpu.enqueue_dma source(%arg6 : memref<96x128xf32, #tpu.memory_space<vmem>>) target(%dma_start3A_49 : memref<96x128xf32, #tpu.memory_space<vmem_shared>>) target_semaphore(%run_scoped3A : memref<!tpu.dma_semaphore, #tpu.memory_space<semaphore_mem>>)
      %dma_wait3A = arith.constant 0 : i32
      %dma_wait3A_50 = tpu.memref_slice %arg7[%add3A_12, %dma_wait3A] : memref<10112x128xf32, #tpu.memory_space<vmem_shared>> -> memref<96x128xf32, #tpu.memory_space<vmem_shared>>
      %dma_wait3A_51 = arith.constant 0 : i32
      %dma_wait3A_52 = tpu.memref_slice %arg7[%add3A_12, %dma_wait3A_51] : memref<10112x128xf32, #tpu.memory_space<vmem_shared>> -> memref<96x128xf32, #tpu.memory_space<vmem_shared>>
      tpu.wait_dma2 semaphore(%run_scoped3A : memref<!tpu.dma_semaphore, #tpu.memory_space<semaphore_mem>>) src(%arg6 : memref<96x128xf32, #tpu.memory_space<vmem>>) dst(%dma_wait3A_52 : memref<96x128xf32, #tpu.memory_space<vmem_shared>>)
      tpu.yield
    }) : () -> ()
    %add3A_13 = arith.constant 192 : i32
    %add3A_14 = arith.addi %mul3A_8, %add3A_13 : i32
    "tpu.region"() ({
      %run_scoped3A = tpu.sem_alloc : memref<!tpu.dma_semaphore, #tpu.memory_space<semaphore_mem>>
      %dma_start3A = arith.constant 0 : i32
      %dma_start3A_47 = tpu.memref_slice %arg7[%add3A_14, %dma_start3A] : memref<10112x128xf32, #tpu.memory_space<vmem_shared>> -> memref<96x128xf32, #tpu.memory_space<vmem_shared>>
      %dma_start3A_48 = arith.constant 0 : i32
      %dma_start3A_49 = tpu.memref_slice %arg7[%add3A_14, %dma_start3A_48] : memref<10112x128xf32, #tpu.memory_space<vmem_shared>> -> memref<96x128xf32, #tpu.memory_space<vmem_shared>>
      tpu.enqueue_dma source(%arg6 : memref<96x128xf32, #tpu.memory_space<vmem>>) target(%dma_start3A_49 : memref<96x128xf32, #tpu.memory_space<vmem_shared>>) target_semaphore(%run_scoped3A : memref<!tpu.dma_semaphore, #tpu.memory_space<semaphore_mem>>)
      %dma_wait3A = arith.constant 0 : i32
      %dma_wait3A_50 = tpu.memref_slice %arg7[%add3A_14, %dma_wait3A] : memref<10112x128xf32, #tpu.memory_space<vmem_shared>> -> memref<96x128xf32, #tpu.memory_space<vmem_shared>>
      %dma_wait3A_51 = arith.constant 0 : i32
      %dma_wait3A_52 = tpu.memref_slice %arg7[%add3A_14, %dma_wait3A_51] : memref<10112x128xf32, #tpu.memory_space<vmem_shared>> -> memref<96x128xf32, #tpu.memory_space<vmem_shared>>
      tpu.wait_dma2 semaphore(%run_scoped3A : memref<!tpu.dma_semaphore, #tpu.memory_space<semaphore_mem>>) src(%arg6 : memref<96x128xf32, #tpu.memory_space<vmem>>) dst(%dma_wait3A_52 : memref<96x128xf32, #tpu.memory_space<vmem_shared>>)
      tpu.yield
    }) : () -> ()
    %add3A_15 = arith.constant 288 : i32
    %add3A_16 = arith.addi %mul3A_8, %add3A_15 : i32
    "tpu.region"() ({
      %run_scoped3A = tpu.sem_alloc : memref<!tpu.dma_semaphore, #tpu.memory_space<semaphore_mem>>
      %dma_start3A = arith.constant 0 : i32
      %dma_start3A_47 = tpu.memref_slice %arg7[%add3A_16, %dma_start3A] : memref<10112x128xf32, #tpu.memory_space<vmem_shared>> -> memref<96x128xf32, #tpu.memory_space<vmem_shared>>
      %dma_start3A_48 = arith.constant 0 : i32
      %dma_start3A_49 = tpu.memref_slice %arg7[%add3A_16, %dma_start3A_48] : memref<10112x128xf32, #tpu.memory_space<vmem_shared>> -> memref<96x128xf32, #tpu.memory_space<vmem_shared>>
      tpu.enqueue_dma source(%arg6 : memref<96x128xf32, #tpu.memory_space<vmem>>) target(%dma_start3A_49 : memref<96x128xf32, #tpu.memory_space<vmem_shared>>) target_semaphore(%run_scoped3A : memref<!tpu.dma_semaphore, #tpu.memory_space<semaphore_mem>>)
      %dma_wait3A = arith.constant 0 : i32
      %dma_wait3A_50 = tpu.memref_slice %arg7[%add3A_16, %dma_wait3A] : memref<10112x128xf32, #tpu.memory_space<vmem_shared>> -> memref<96x128xf32, #tpu.memory_space<vmem_shared>>
      %dma_wait3A_51 = arith.constant 0 : i32
      %dma_wait3A_52 = tpu.memref_slice %arg7[%add3A_16, %dma_wait3A_51] : memref<10112x128xf32, #tpu.memory_space<vmem_shared>> -> memref<96x128xf32, #tpu.memory_space<vmem_shared>>
      tpu.wait_dma2 semaphore(%run_scoped3A : memref<!tpu.dma_semaphore, #tpu.memory_space<semaphore_mem>>) src(%arg6 : memref<96x128xf32, #tpu.memory_space<vmem>>) dst(%dma_wait3A_52 : memref<96x128xf32, #tpu.memory_space<vmem_shared>>)
      tpu.yield
    }) : () -> ()
    %add3A_17 = arith.constant 384 : i32
    %add3A_18 = arith.addi %mul3A_8, %add3A_17 : i32
    "tpu.region"() ({
      %run_scoped3A = tpu.sem_alloc : memref<!tpu.dma_semaphore, #tpu.memory_space<semaphore_mem>>
      %dma_start3A = arith.constant 0 : i32
      %dma_start3A_47 = tpu.memref_slice %arg7[%add3A_18, %dma_start3A] : memref<10112x128xf32, #tpu.memory_space<vmem_shared>> -> memref<96x128xf32, #tpu.memory_space<vmem_shared>>
      %dma_start3A_48 = arith.constant 0 : i32
      %dma_start3A_49 = tpu.memref_slice %arg7[%add3A_18, %dma_start3A_48] : memref<10112x128xf32, #tpu.memory_space<vmem_shared>> -> memref<96x128xf32, #tpu.memory_space<vmem_shared>>
      tpu.enqueue_dma source(%arg6 : memref<96x128xf32, #tpu.memory_space<vmem>>) target(%dma_start3A_49 : memref<96x128xf32, #tpu.memory_space<vmem_shared>>) target_semaphore(%run_scoped3A : memref<!tpu.dma_semaphore, #tpu.memory_space<semaphore_mem>>)
      %dma_wait3A = arith.constant 0 : i32
      %dma_wait3A_50 = tpu.memref_slice %arg7[%add3A_18, %dma_wait3A] : memref<10112x128xf32, #tpu.memory_space<vmem_shared>> -> memref<96x128xf32, #tpu.memory_space<vmem_shared>>
      %dma_wait3A_51 = arith.constant 0 : i32
      %dma_wait3A_52 = tpu.memref_slice %arg7[%add3A_18, %dma_wait3A_51] : memref<10112x128xf32, #tpu.memory_space<vmem_shared>> -> memref<96x128xf32, #tpu.memory_space<vmem_shared>>
      tpu.wait_dma2 semaphore(%run_scoped3A : memref<!tpu.dma_semaphore, #tpu.memory_space<semaphore_mem>>) src(%arg6 : memref<96x128xf32, #tpu.memory_space<vmem>>) dst(%dma_wait3A_52 : memref<96x128xf32, #tpu.memory_space<vmem_shared>>)
      tpu.yield
    }) : () -> ()
    %add3A_19 = arith.constant 480 : i32
    %add3A_20 = arith.addi %mul3A_8, %add3A_19 : i32
    "tpu.region"() ({
      %run_scoped3A = tpu.sem_alloc : memref<!tpu.dma_semaphore, #tpu.memory_space<semaphore_mem>>
      %dma_start3A = arith.constant 0 : i32
      %dma_start3A_47 = tpu.memref_slice %arg7[%add3A_20, %dma_start3A] : memref<10112x128xf32, #tpu.memory_space<vmem_shared>> -> memref<96x128xf32, #tpu.memory_space<vmem_shared>>
      %dma_start3A_48 = arith.constant 0 : i32
      %dma_start3A_49 = tpu.memref_slice %arg7[%add3A_20, %dma_start3A_48] : memref<10112x128xf32, #tpu.memory_space<vmem_shared>> -> memref<96x128xf32, #tpu.memory_space<vmem_shared>>
      tpu.enqueue_dma source(%arg6 : memref<96x128xf32, #tpu.memory_space<vmem>>) target(%dma_start3A_49 : memref<96x128xf32, #tpu.memory_space<vmem_shared>>) target_semaphore(%run_scoped3A : memref<!tpu.dma_semaphore, #tpu.memory_space<semaphore_mem>>)
      %dma_wait3A = arith.constant 0 : i32
      %dma_wait3A_50 = tpu.memref_slice %arg7[%add3A_20, %dma_wait3A] : memref<10112x128xf32, #tpu.memory_space<vmem_shared>> -> memref<96x128xf32, #tpu.memory_space<vmem_shared>>
      %dma_wait3A_51 = arith.constant 0 : i32
      %dma_wait3A_52 = tpu.memref_slice %arg7[%add3A_20, %dma_wait3A_51] : memref<10112x128xf32, #tpu.memory_space<vmem_shared>> -> memref<96x128xf32, #tpu.memory_space<vmem_shared>>
      tpu.wait_dma2 semaphore(%run_scoped3A : memref<!tpu.dma_semaphore, #tpu.memory_space<semaphore_mem>>) src(%arg6 : memref<96x128xf32, #tpu.memory_space<vmem>>) dst(%dma_wait3A_52 : memref<96x128xf32, #tpu.memory_space<vmem_shared>>)
      tpu.yield
    }) : () -> ()
    %add3A_21 = arith.constant 576 : i32
    %add3A_22 = arith.addi %mul3A_8, %add3A_21 : i32
    "tpu.region"() ({
      %run_scoped3A = tpu.sem_alloc : memref<!tpu.dma_semaphore, #tpu.memory_space<semaphore_mem>>
      %dma_start3A = arith.constant 0 : i32
      %dma_start3A_47 = arith.constant 0 : i32
      %dma_start3A_48 = tpu.memref_slice %arg6[%dma_start3A, %dma_start3A_47] : memref<96x128xf32, #tpu.memory_space<vmem>> -> memref<56x128xf32, #tpu.memory_space<vmem>>
      %dma_start3A_49 = arith.constant 0 : i32
      %dma_start3A_50 = tpu.memref_slice %arg7[%add3A_22, %dma_start3A_49] : memref<10112x128xf32, #tpu.memory_space<vmem_shared>> -> memref<56x128xf32, #tpu.memory_space<vmem_shared>>
      %dma_start3A_51 = arith.constant 0 : i32
      %dma_start3A_52 = tpu.memref_slice %arg7[%add3A_22, %dma_start3A_51] : memref<10112x128xf32, #tpu.memory_space<vmem_shared>> -> memref<56x128xf32, #tpu.memory_space<vmem_shared>>
      %dma_start3A_53 = arith.constant 0 : i32
      %dma_start3A_54 = arith.constant 0 : i32
      %dma_start3A_55 = tpu.memref_slice %arg6[%dma_start3A_53, %dma_start3A_54] : memref<96x128xf32, #tpu.memory_space<vmem>> -> memref<56x128xf32, #tpu.memory_space<vmem>>
      tpu.enqueue_dma source(%dma_start3A_55 : memref<56x128xf32, #tpu.memory_space<vmem>>) target(%dma_start3A_52 : memref<56x128xf32, #tpu.memory_space<vmem_shared>>) target_semaphore(%run_scoped3A : memref<!tpu.dma_semaphore, #tpu.memory_space<semaphore_mem>>)
      %dma_wait3A = arith.constant 0 : i32
      %dma_wait3A_56 = arith.constant 0 : i32
      %dma_wait3A_57 = tpu.memref_slice %arg6[%dma_wait3A, %dma_wait3A_56] : memref<96x128xf32, #tpu.memory_space<vmem>> -> memref<56x128xf32, #tpu.memory_space<vmem>>
      %dma_wait3A_58 = arith.constant 0 : i32
      %dma_wait3A_59 = tpu.memref_slice %arg7[%add3A_22, %dma_wait3A_58] : memref<10112x128xf32, #tpu.memory_space<vmem_shared>> -> memref<56x128xf32, #tpu.memory_space<vmem_shared>>
      %dma_wait3A_60 = arith.constant 0 : i32
      %dma_wait3A_61 = tpu.memref_slice %arg7[%add3A_22, %dma_wait3A_60] : memref<10112x128xf32, #tpu.memory_space<vmem_shared>> -> memref<56x128xf32, #tpu.memory_space<vmem_shared>>
      %dma_wait3A_62 = arith.constant 0 : i32
      %dma_wait3A_63 = arith.constant 0 : i32
      %dma_wait3A_64 = tpu.memref_slice %arg6[%dma_wait3A_62, %dma_wait3A_63] : memref<96x128xf32, #tpu.memory_space<vmem>> -> memref<56x128xf32, #tpu.memory_space<vmem>>
      tpu.wait_dma2 semaphore(%run_scoped3A : memref<!tpu.dma_semaphore, #tpu.memory_space<semaphore_mem>>) src(%dma_wait3A_64 : memref<56x128xf32, #tpu.memory_space<vmem>>) dst(%dma_wait3A_61 : memref<56x128xf32, #tpu.memory_space<vmem_shared>>)
      tpu.yield
    }) : () -> ()
    %barrier3A = arith.constant 0 : index
    tpu.barrier barrier_id(%barrier3A)
    %mul3A_23 = arith.constant 106 : i32
    %mul3A_24 = arith.muli %add3A, %mul3A_23 : i32
    %scan3A_25 = arith.constant 0 : i32
    %scan3A_26 = arith.constant 0 : i32
    %scan3A_27 = arith.constant 106 : i32
    %scan3A_28 = arith.addi %scan3A_26, %scan3A_27 : i32
    %scan3A_29 = arith.constant 1 : i32
    %scan3A_30 = scf.for %scan3A_47 = %scan3A_26 to %scan3A_28 step %scan3A_29 iter_args(%scan3A_48 = %scan3A_25) -> (i32)  : i32 {
      %add3A_49 = arith.addi %mul3A_24, %scan3A_47 : i32
      "tpu.region"() ({
        %run_scoped3A = tpu.sem_alloc : memref<!tpu.dma_semaphore, #tpu.memory_space<semaphore_mem>>
        %dma_start3A = arith.constant 0 : i32
        %dma_start3A_51 = tpu.memref_slice %arg2[%add3A_49, %dma_start3A] : memref<3392x96xi32, #tpu.memory_space<hbm>> -> memref<1x96xi32, #tpu.memory_space<hbm>>
        %dma_start3A_52 = tpu.memref_squeeze %dma_start3A_51 : memref<1x96xi32, #tpu.memory_space<hbm>> -> memref<96xi32, #tpu.memory_space<hbm>>
        %dma_start3A_53 = arith.constant 0 : i32
        %dma_start3A_54 = tpu.memref_slice %arg2[%add3A_49, %dma_start3A_53] : memref<3392x96xi32, #tpu.memory_space<hbm>> -> memref<1x96xi32, #tpu.memory_space<hbm>>
        %dma_start3A_55 = tpu.memref_squeeze %dma_start3A_54 : memref<1x96xi32, #tpu.memory_space<hbm>> -> memref<96xi32, #tpu.memory_space<hbm>>
        tpu.enqueue_dma source(%dma_start3A_55 : memref<96xi32, #tpu.memory_space<hbm>>) target(%arg4 : memref<96xi32, #tpu.memory_space<vmem>>) target_semaphore(%run_scoped3A : memref<!tpu.dma_semaphore, #tpu.memory_space<semaphore_mem>>)
        %dma_wait3A = arith.constant 0 : i32
        %dma_wait3A_56 = tpu.memref_slice %arg2[%add3A_49, %dma_wait3A] : memref<3392x96xi32, #tpu.memory_space<hbm>> -> memref<1x96xi32, #tpu.memory_space<hbm>>
        %dma_wait3A_57 = tpu.memref_squeeze %dma_wait3A_56 : memref<1x96xi32, #tpu.memory_space<hbm>> -> memref<96xi32, #tpu.memory_space<hbm>>
        %dma_wait3A_58 = arith.constant 0 : i32
        %dma_wait3A_59 = tpu.memref_slice %arg2[%add3A_49, %dma_wait3A_58] : memref<3392x96xi32, #tpu.memory_space<hbm>> -> memref<1x96xi32, #tpu.memory_space<hbm>>
        %dma_wait3A_60 = tpu.memref_squeeze %dma_wait3A_59 : memref<1x96xi32, #tpu.memory_space<hbm>> -> memref<96xi32, #tpu.memory_space<hbm>>
        tpu.wait_dma2 semaphore(%run_scoped3A : memref<!tpu.dma_semaphore, #tpu.memory_space<semaphore_mem>>) src(%dma_wait3A_60 : memref<96xi32, #tpu.memory_space<hbm>>) dst(%arg4 : memref<96xi32, #tpu.memory_space<vmem>>)
        tpu.yield
      }) : () -> ()
      "tpu.region"() ({
        %run_scoped3A = tpu.sem_alloc : memref<!tpu.dma_semaphore, #tpu.memory_space<semaphore_mem>>
        %dma_start3A = arith.constant 0 : i32
        %dma_start3A_51 = arith.constant 0 : i32
        %dma_start3A_52 = tpu.memref_slice %arg7[%dma_start3A, %dma_start3A_51] : memref<10112x128xf32, #tpu.memory_space<vmem_shared>> -> memref<10112x128xf32, #tpu.memory_space<vmem_shared>>
        tpu.enqueue_indirect_dma source(%arg5 : memref<96x128xf32, #tpu.memory_space<vmem>>) target(%dma_start3A_52 : memref<10112x128xf32, #tpu.memory_space<vmem_shared>>) offsets(%arg4 : memref<96xi32, #tpu.memory_space<vmem>>) semaphore(%run_scoped3A : memref<!tpu.dma_semaphore, #tpu.memory_space<semaphore_mem>>) {add = true}
        %dma_wait3A = arith.constant 0 : i32
        %dma_wait3A_53 = arith.constant 0 : i32
        %dma_wait3A_54 = tpu.memref_slice %arg7[%dma_wait3A, %dma_wait3A_53] : memref<10112x128xf32, #tpu.memory_space<vmem_shared>> -> memref<10112x128xf32, #tpu.memory_space<vmem_shared>>
        tpu.wait_indirect_dma semaphore(%run_scoped3A : memref<!tpu.dma_semaphore, #tpu.memory_space<semaphore_mem>>) src(%arg5 : memref<96x128xf32, #tpu.memory_space<vmem>>) dst(%dma_wait3A_54 : memref<10112x128xf32, #tpu.memory_space<vmem_shared>>)
        tpu.yield
      }) : () -> ()
      %scan3A_50 = arith.constant 0 : i32
      scf.yield %scan3A_50 : i32
    }
    %scan3A_31 = arith.constant 106 : i32
    %barrier3A_32 = arith.constant 0 : index
    tpu.barrier barrier_id(%barrier3A_32)
    %add3A_33 = arith.constant 0 : i32
    %add3A_34 = arith.addi %mul3A_8, %add3A_33 : i32
    "tpu.region"() ({
      %run_scoped3A = tpu.sem_alloc : memref<!tpu.dma_semaphore, #tpu.memory_space<semaphore_mem>>
      %dma_start3A = arith.constant 0 : i32
      %dma_start3A_47 = tpu.memref_slice %arg3[%arg0, %add3A_34, %dma_start3A] : memref<2x10240x128xf32, #tpu.memory_space<hbm>> -> memref<1x96x128xf32, #tpu.memory_space<hbm>>
      %dma_start3A_48 = tpu.memref_squeeze %dma_start3A_47 : memref<1x96x128xf32, #tpu.memory_space<hbm>> -> memref<96x128xf32, #tpu.memory_space<hbm>>
      %dma_start3A_49 = arith.constant 0 : i32
      %dma_start3A_50 = tpu.memref_slice %arg7[%add3A_34, %dma_start3A_49] : memref<10112x128xf32, #tpu.memory_space<vmem_shared>> -> memref<96x128xf32, #tpu.memory_space<vmem_shared>>
      tpu.enqueue_dma source(%dma_start3A_50 : memref<96x128xf32, #tpu.memory_space<vmem_shared>>) target(%dma_start3A_48 : memref<96x128xf32, #tpu.memory_space<hbm>>) target_semaphore(%run_scoped3A : memref<!tpu.dma_semaphore, #tpu.memory_space<semaphore_mem>>)
      %dma_wait3A = arith.constant 0 : i32
      %dma_wait3A_51 = tpu.memref_slice %arg3[%arg0, %add3A_34, %dma_wait3A] : memref<2x10240x128xf32, #tpu.memory_space<hbm>> -> memref<1x96x128xf32, #tpu.memory_space<hbm>>
      %dma_wait3A_52 = tpu.memref_squeeze %dma_wait3A_51 : memref<1x96x128xf32, #tpu.memory_space<hbm>> -> memref<96x128xf32, #tpu.memory_space<hbm>>
      %dma_wait3A_53 = arith.constant 0 : i32
      %dma_wait3A_54 = tpu.memref_slice %arg7[%add3A_34, %dma_wait3A_53] : memref<10112x128xf32, #tpu.memory_space<vmem_shared>> -> memref<96x128xf32, #tpu.memory_space<vmem_shared>>
      tpu.wait_dma2 semaphore(%run_scoped3A : memref<!tpu.dma_semaphore, #tpu.memory_space<semaphore_mem>>) src(%dma_wait3A_54 : memref<96x128xf32, #tpu.memory_space<vmem_shared>>) dst(%dma_wait3A_52 : memref<96x128xf32, #tpu.memory_space<hbm>>)
      tpu.yield
    }) : () -> ()
    %add3A_35 = arith.constant 96 : i32
    %add3A_36 = arith.addi %mul3A_8, %add3A_35 : i32
    "tpu.region"() ({
      %run_scoped3A = tpu.sem_alloc : memref<!tpu.dma_semaphore, #tpu.memory_space<semaphore_mem>>
      %dma_start3A = arith.constant 0 : i32
      %dma_start3A_47 = tpu.memref_slice %arg3[%arg0, %add3A_36, %dma_start3A] : memref<2x10240x128xf32, #tpu.memory_space<hbm>> -> memref<1x96x128xf32, #tpu.memory_space<hbm>>
      %dma_start3A_48 = tpu.memref_squeeze %dma_start3A_47 : memref<1x96x128xf32, #tpu.memory_space<hbm>> -> memref<96x128xf32, #tpu.memory_space<hbm>>
      %dma_start3A_49 = arith.constant 0 : i32
      %dma_start3A_50 = tpu.memref_slice %arg7[%add3A_36, %dma_start3A_49] : memref<10112x128xf32, #tpu.memory_space<vmem_shared>> -> memref<96x128xf32, #tpu.memory_space<vmem_shared>>
      tpu.enqueue_dma source(%dma_start3A_50 : memref<96x128xf32, #tpu.memory_space<vmem_shared>>) target(%dma_start3A_48 : memref<96x128xf32, #tpu.memory_space<hbm>>) target_semaphore(%run_scoped3A : memref<!tpu.dma_semaphore, #tpu.memory_space<semaphore_mem>>)
      %dma_wait3A = arith.constant 0 : i32
      %dma_wait3A_51 = tpu.memref_slice %arg3[%arg0, %add3A_36, %dma_wait3A] : memref<2x10240x128xf32, #tpu.memory_space<hbm>> -> memref<1x96x128xf32, #tpu.memory_space<hbm>>
      %dma_wait3A_52 = tpu.memref_squeeze %dma_wait3A_51 : memref<1x96x128xf32, #tpu.memory_space<hbm>> -> memref<96x128xf32, #tpu.memory_space<hbm>>
      %dma_wait3A_53 = arith.constant 0 : i32
      %dma_wait3A_54 = tpu.memref_slice %arg7[%add3A_36, %dma_wait3A_53] : memref<10112x128xf32, #tpu.memory_space<vmem_shared>> -> memref<96x128xf32, #tpu.memory_space<vmem_shared>>
      tpu.wait_dma2 semaphore(%run_scoped3A : memref<!tpu.dma_semaphore, #tpu.memory_space<semaphore_mem>>) src(%dma_wait3A_54 : memref<96x128xf32, #tpu.memory_space<vmem_shared>>) dst(%dma_wait3A_52 : memref<96x128xf32, #tpu.memory_space<hbm>>)
      tpu.yield
    }) : () -> ()
    %add3A_37 = arith.constant 192 : i32
    %add3A_38 = arith.addi %mul3A_8, %add3A_37 : i32
    "tpu.region"() ({
      %run_scoped3A = tpu.sem_alloc : memref<!tpu.dma_semaphore, #tpu.memory_space<semaphore_mem>>
      %dma_start3A = arith.constant 0 : i32
      %dma_start3A_47 = tpu.memref_slice %arg3[%arg0, %add3A_38, %dma_start3A] : memref<2x10240x128xf32, #tpu.memory_space<hbm>> -> memref<1x96x128xf32, #tpu.memory_space<hbm>>
      %dma_start3A_48 = tpu.memref_squeeze %dma_start3A_47 : memref<1x96x128xf32, #tpu.memory_space<hbm>> -> memref<96x128xf32, #tpu.memory_space<hbm>>
      %dma_start3A_49 = arith.constant 0 : i32
      %dma_start3A_50 = tpu.memref_slice %arg7[%add3A_38, %dma_start3A_49] : memref<10112x128xf32, #tpu.memory_space<vmem_shared>> -> memref<96x128xf32, #tpu.memory_space<vmem_shared>>
      tpu.enqueue_dma source(%dma_start3A_50 : memref<96x128xf32, #tpu.memory_space<vmem_shared>>) target(%dma_start3A_48 : memref<96x128xf32, #tpu.memory_space<hbm>>) target_semaphore(%run_scoped3A : memref<!tpu.dma_semaphore, #tpu.memory_space<semaphore_mem>>)
      %dma_wait3A = arith.constant 0 : i32
      %dma_wait3A_51 = tpu.memref_slice %arg3[%arg0, %add3A_38, %dma_wait3A] : memref<2x10240x128xf32, #tpu.memory_space<hbm>> -> memref<1x96x128xf32, #tpu.memory_space<hbm>>
      %dma_wait3A_52 = tpu.memref_squeeze %dma_wait3A_51 : memref<1x96x128xf32, #tpu.memory_space<hbm>> -> memref<96x128xf32, #tpu.memory_space<hbm>>
      %dma_wait3A_53 = arith.constant 0 : i32
      %dma_wait3A_54 = tpu.memref_slice %arg7[%add3A_38, %dma_wait3A_53] : memref<10112x128xf32, #tpu.memory_space<vmem_shared>> -> memref<96x128xf32, #tpu.memory_space<vmem_shared>>
      tpu.wait_dma2 semaphore(%run_scoped3A : memref<!tpu.dma_semaphore, #tpu.memory_space<semaphore_mem>>) src(%dma_wait3A_54 : memref<96x128xf32, #tpu.memory_space<vmem_shared>>) dst(%dma_wait3A_52 : memref<96x128xf32, #tpu.memory_space<hbm>>)
      tpu.yield
    }) : () -> ()
    %add3A_39 = arith.constant 288 : i32
    %add3A_40 = arith.addi %mul3A_8, %add3A_39 : i32
    "tpu.region"() ({
      %run_scoped3A = tpu.sem_alloc : memref<!tpu.dma_semaphore, #tpu.memory_space<semaphore_mem>>
      %dma_start3A = arith.constant 0 : i32
      %dma_start3A_47 = tpu.memref_slice %arg3[%arg0, %add3A_40, %dma_start3A] : memref<2x10240x128xf32, #tpu.memory_space<hbm>> -> memref<1x96x128xf32, #tpu.memory_space<hbm>>
      %dma_start3A_48 = tpu.memref_squeeze %dma_start3A_47 : memref<1x96x128xf32, #tpu.memory_space<hbm>> -> memref<96x128xf32, #tpu.memory_space<hbm>>
      %dma_start3A_49 = arith.constant 0 : i32
      %dma_start3A_50 = tpu.memref_slice %arg7[%add3A_40, %dma_start3A_49] : memref<10112x128xf32, #tpu.memory_space<vmem_shared>> -> memref<96x128xf32, #tpu.memory_space<vmem_shared>>
      tpu.enqueue_dma source(%dma_start3A_50 : memref<96x128xf32, #tpu.memory_space<vmem_shared>>) target(%dma_start3A_48 : memref<96x128xf32, #tpu.memory_space<hbm>>) target_semaphore(%run_scoped3A : memref<!tpu.dma_semaphore, #tpu.memory_space<semaphore_mem>>)
      %dma_wait3A = arith.constant 0 : i32
      %dma_wait3A_51 = tpu.memref_slice %arg3[%arg0, %add3A_40, %dma_wait3A] : memref<2x10240x128xf32, #tpu.memory_space<hbm>> -> memref<1x96x128xf32, #tpu.memory_space<hbm>>
      %dma_wait3A_52 = tpu.memref_squeeze %dma_wait3A_51 : memref<1x96x128xf32, #tpu.memory_space<hbm>> -> memref<96x128xf32, #tpu.memory_space<hbm>>
      %dma_wait3A_53 = arith.constant 0 : i32
      %dma_wait3A_54 = tpu.memref_slice %arg7[%add3A_40, %dma_wait3A_53] : memref<10112x128xf32, #tpu.memory_space<vmem_shared>> -> memref<96x128xf32, #tpu.memory_space<vmem_shared>>
      tpu.wait_dma2 semaphore(%run_scoped3A : memref<!tpu.dma_semaphore, #tpu.memory_space<semaphore_mem>>) src(%dma_wait3A_54 : memref<96x128xf32, #tpu.memory_space<vmem_shared>>) dst(%dma_wait3A_52 : memref<96x128xf32, #tpu.memory_space<hbm>>)
      tpu.yield
    }) : () -> ()
    %add3A_41 = arith.constant 384 : i32
    %add3A_42 = arith.addi %mul3A_8, %add3A_41 : i32
    "tpu.region"() ({
      %run_scoped3A = tpu.sem_alloc : memref<!tpu.dma_semaphore, #tpu.memory_space<semaphore_mem>>
      %dma_start3A = arith.constant 0 : i32
      %dma_start3A_47 = tpu.memref_slice %arg3[%arg0, %add3A_42, %dma_start3A] : memref<2x10240x128xf32, #tpu.memory_space<hbm>> -> memref<1x96x128xf32, #tpu.memory_space<hbm>>
      %dma_start3A_48 = tpu.memref_squeeze %dma_start3A_47 : memref<1x96x128xf32, #tpu.memory_space<hbm>> -> memref<96x128xf32, #tpu.memory_space<hbm>>
      %dma_start3A_49 = arith.constant 0 : i32
      %dma_start3A_50 = tpu.memref_slice %arg7[%add3A_42, %dma_start3A_49] : memref<10112x128xf32, #tpu.memory_space<vmem_shared>> -> memref<96x128xf32, #tpu.memory_space<vmem_shared>>
      tpu.enqueue_dma source(%dma_start3A_50 : memref<96x128xf32, #tpu.memory_space<vmem_shared>>) target(%dma_start3A_48 : memref<96x128xf32, #tpu.memory_space<hbm>>) target_semaphore(%run_scoped3A : memref<!tpu.dma_semaphore, #tpu.memory_space<semaphore_mem>>)
      %dma_wait3A = arith.constant 0 : i32
      %dma_wait3A_51 = tpu.memref_slice %arg3[%arg0, %add3A_42, %dma_wait3A] : memref<2x10240x128xf32, #tpu.memory_space<hbm>> -> memref<1x96x128xf32, #tpu.memory_space<hbm>>
      %dma_wait3A_52 = tpu.memref_squeeze %dma_wait3A_51 : memref<1x96x128xf32, #tpu.memory_space<hbm>> -> memref<96x128xf32, #tpu.memory_space<hbm>>
      %dma_wait3A_53 = arith.constant 0 : i32
      %dma_wait3A_54 = tpu.memref_slice %arg7[%add3A_42, %dma_wait3A_53] : memref<10112x128xf32, #tpu.memory_space<vmem_shared>> -> memref<96x128xf32, #tpu.memory_space<vmem_shared>>
      tpu.wait_dma2 semaphore(%run_scoped3A : memref<!tpu.dma_semaphore, #tpu.memory_space<semaphore_mem>>) src(%dma_wait3A_54 : memref<96x128xf32, #tpu.memory_space<vmem_shared>>) dst(%dma_wait3A_52 : memref<96x128xf32, #tpu.memory_space<hbm>>)
      tpu.yield
    }) : () -> ()
    %add3A_43 = arith.constant 480 : i32
    %add3A_44 = arith.addi %mul3A_8, %add3A_43 : i32
    "tpu.region"() ({
      %run_scoped3A = tpu.sem_alloc : memref<!tpu.dma_semaphore, #tpu.memory_space<semaphore_mem>>
      %dma_start3A = arith.constant 0 : i32
      %dma_start3A_47 = tpu.memref_slice %arg3[%arg0, %add3A_44, %dma_start3A] : memref<2x10240x128xf32, #tpu.memory_space<hbm>> -> memref<1x96x128xf32, #tpu.memory_space<hbm>>
      %dma_start3A_48 = tpu.memref_squeeze %dma_start3A_47 : memref<1x96x128xf32, #tpu.memory_space<hbm>> -> memref<96x128xf32, #tpu.memory_space<hbm>>
      %dma_start3A_49 = arith.constant 0 : i32
      %dma_start3A_50 = tpu.memref_slice %arg7[%add3A_44, %dma_start3A_49] : memref<10112x128xf32, #tpu.memory_space<vmem_shared>> -> memref<96x128xf32, #tpu.memory_space<vmem_shared>>
      tpu.enqueue_dma source(%dma_start3A_50 : memref<96x128xf32, #tpu.memory_space<vmem_shared>>) target(%dma_start3A_48 : memref<96x128xf32, #tpu.memory_space<hbm>>) target_semaphore(%run_scoped3A : memref<!tpu.dma_semaphore, #tpu.memory_space<semaphore_mem>>)
      %dma_wait3A = arith.constant 0 : i32
      %dma_wait3A_51 = tpu.memref_slice %arg3[%arg0, %add3A_44, %dma_wait3A] : memref<2x10240x128xf32, #tpu.memory_space<hbm>> -> memref<1x96x128xf32, #tpu.memory_space<hbm>>
      %dma_wait3A_52 = tpu.memref_squeeze %dma_wait3A_51 : memref<1x96x128xf32, #tpu.memory_space<hbm>> -> memref<96x128xf32, #tpu.memory_space<hbm>>
      %dma_wait3A_53 = arith.constant 0 : i32
      %dma_wait3A_54 = tpu.memref_slice %arg7[%add3A_44, %dma_wait3A_53] : memref<10112x128xf32, #tpu.memory_space<vmem_shared>> -> memref<96x128xf32, #tpu.memory_space<vmem_shared>>
      tpu.wait_dma2 semaphore(%run_scoped3A : memref<!tpu.dma_semaphore, #tpu.memory_space<semaphore_mem>>) src(%dma_wait3A_54 : memref<96x128xf32, #tpu.memory_space<vmem_shared>>) dst(%dma_wait3A_52 : memref<96x128xf32, #tpu.memory_space<hbm>>)
      tpu.yield
    }) : () -> ()
    %add3A_45 = arith.constant 576 : i32
    %add3A_46 = arith.addi %mul3A_8, %add3A_45 : i32
    "tpu.region"() ({
      %run_scoped3A = tpu.sem_alloc : memref<!tpu.dma_semaphore, #tpu.memory_space<semaphore_mem>>
      %dma_start3A = arith.constant 0 : i32
      %dma_start3A_47 = tpu.memref_slice %arg3[%arg0, %add3A_46, %dma_start3A] : memref<2x10240x128xf32, #tpu.memory_space<hbm>> -> memref<1x56x128xf32, #tpu.memory_space<hbm>>
      %dma_start3A_48 = tpu.memref_squeeze %dma_start3A_47 : memref<1x56x128xf32, #tpu.memory_space<hbm>> -> memref<56x128xf32, #tpu.memory_space<hbm>>
      %dma_start3A_49 = arith.constant 0 : i32
      %dma_start3A_50 = tpu.memref_slice %arg7[%add3A_46, %dma_start3A_49] : memref<10112x128xf32, #tpu.memory_space<vmem_shared>> -> memref<56x128xf32, #tpu.memory_space<vmem_shared>>
      tpu.enqueue_dma source(%dma_start3A_50 : memref<56x128xf32, #tpu.memory_space<vmem_shared>>) target(%dma_start3A_48 : memref<56x128xf32, #tpu.memory_space<hbm>>) target_semaphore(%run_scoped3A : memref<!tpu.dma_semaphore, #tpu.memory_space<semaphore_mem>>)
      %dma_wait3A = arith.constant 0 : i32
      %dma_wait3A_51 = tpu.memref_slice %arg3[%arg0, %add3A_46, %dma_wait3A] : memref<2x10240x128xf32, #tpu.memory_space<hbm>> -> memref<1x56x128xf32, #tpu.memory_space<hbm>>
      %dma_wait3A_52 = tpu.memref_squeeze %dma_wait3A_51 : memref<1x56x128xf32, #tpu.memory_space<hbm>> -> memref<56x128xf32, #tpu.memory_space<hbm>>
      %dma_wait3A_53 = arith.constant 0 : i32
      %dma_wait3A_54 = tpu.memref_slice %arg7[%add3A_46, %dma_wait3A_53] : memref<10112x128xf32, #tpu.memory_space<vmem_shared>> -> memref<56x128xf32, #tpu.memory_space<vmem_shared>>
      tpu.wait_dma2 semaphore(%run_scoped3A : memref<!tpu.dma_semaphore, #tpu.memory_space<semaphore_mem>>) src(%dma_wait3A_54 : memref<56x128xf32, #tpu.memory_space<vmem_shared>>) dst(%dma_wait3A_52 : memref<56x128xf32, #tpu.memory_space<hbm>>)
      tpu.yield
    }) : () -> ()
    return
  }
}

#map = affine_map<(d0, d1) -> (0, 0)>
#map1 = affine_map<(d0, d1) -> (0, 0, 0)>
module attributes {stable_mosaic.version = 14 : i64} {
  func.func @_msg_pass(%arg0: i32, %arg1: i32, %arg2: memref<10240x128xf32, #tpu.memory_space<hbm>>, %arg3: memref<325632x128xf32, #tpu.memory_space<hbm>>, %arg4: memref<3392x96xi32, #tpu.memory_space<hbm>>, %arg5: memref<3392x96xi32, #tpu.memory_space<hbm>>, %arg6: memref<2x10240x128xf32, #tpu.memory_space<hbm>>, %arg7: memref<2x96xi32, #tpu.memory_space<vmem>>, %arg8: memref<2x96xi32, #tpu.memory_space<vmem>>, %arg9: memref<2x96x128xf32, #tpu.memory_space<vmem>>, %arg10: memref<2x96x128xf32, #tpu.memory_space<vmem>>, %arg11: memref<10112x128xf32, #tpu.memory_space<vmem_shared>>, %arg12: memref<!tpu.dma_semaphore, #tpu.memory_space<semaphore_mem>>, %arg13: memref<!tpu.dma_semaphore, #tpu.memory_space<semaphore_mem>>, %arg14: memref<!tpu.dma_semaphore, #tpu.memory_space<semaphore_mem>>, %arg15: memref<!tpu.dma_semaphore, #tpu.memory_space<semaphore_mem>>) attributes {dimension_semantics = [#tpu.dimension_semantics<core_parallel>, #tpu.dimension_semantics<subcore_parallel>], iteration_bounds = array<i64: 2, 16>, scalar_prefetch = 0 : i64, scratch_operands = 9 : i64, tpu.core_type = #tpu.core_type<sc_vector_subcore>, window_params = [{transform_indices = #map}, {transform_indices = #map}, {transform_indices = #map}, {transform_indices = #map}, {transform_indices = #map1}]} {
    %mul3A = arith.constant 16 : i32
    %mul3A_0 = arith.muli %arg0, %mul3A : i32
    %add3A = arith.addi %mul3A_0, %arg1 : i32
    %mul3A_1 = arith.constant 106 : i32
    %mul3A_2 = arith.muli %add3A, %mul3A_1 : i32
    %scan3A = arith.constant 0 : i32
    %scan3A_3 = arith.constant 0 : i32
    %scan3A_4 = arith.constant 96 : i32
    %scan3A_5 = arith.addi %scan3A_3, %scan3A_4 : i32
    %scan3A_6 = arith.constant 1 : i32
    %scan3A_7 = scf.for %scan3A_180 = %scan3A_3 to %scan3A_5 step %scan3A_6 iter_args(%scan3A_181 = %scan3A) -> (i32)  : i32 {
      %broadcast_in_dim3A = arith.constant 0.000000e+00 : f32
      %broadcast_in_dim3A_182 = vector.broadcast %broadcast_in_dim3A : f32 to vector<16xf32>
      %swap3A = arith.constant 0 : i32
      %swap3A_183 = arith.index_cast %swap3A : i32 to index
      %swap3A_184 = arith.index_cast %scan3A_180 : i32 to index
      %swap3A_185 = arith.constant 0 : index
      %swap3A_186 = tpu.vector_load %arg9[%swap3A_183, %swap3A_184, %swap3A_185] {strides = array<i32>} : memref<2x96x128xf32, #tpu.memory_space<vmem>>, vector<1x1x16xf32>,
      %swap3A_187 = vector.shape_cast %swap3A_186 : vector<1x1x16xf32> to vector<16xf32>
      %swap3A_188 = vector.shape_cast %broadcast_in_dim3A_182 : vector<16xf32> to vector<1x1x16xf32>
      tpu.vector_store %arg9[%swap3A_183, %swap3A_184, %swap3A_185], %swap3A_188 {strides = array<i32>} : memref<2x96x128xf32, #tpu.memory_space<vmem>>, vector<1x1x16xf32>,
      %broadcast_in_dim3A_189 = arith.constant 0.000000e+00 : f32
      %broadcast_in_dim3A_190 = vector.broadcast %broadcast_in_dim3A_189 : f32 to vector<16xf32>
      %swap3A_191 = arith.constant 0 : i32
      %swap3A_192 = arith.index_cast %swap3A_191 : i32 to index
      %swap3A_193 = arith.index_cast %scan3A_180 : i32 to index
      %swap3A_194 = arith.constant 16 : index
      %swap3A_195 = tpu.vector_load %arg9[%swap3A_192, %swap3A_193, %swap3A_194] {strides = array<i32>} : memref<2x96x128xf32, #tpu.memory_space<vmem>>, vector<1x1x16xf32>,
      %swap3A_196 = vector.shape_cast %swap3A_195 : vector<1x1x16xf32> to vector<16xf32>
      %swap3A_197 = vector.shape_cast %broadcast_in_dim3A_190 : vector<16xf32> to vector<1x1x16xf32>
      tpu.vector_store %arg9[%swap3A_192, %swap3A_193, %swap3A_194], %swap3A_197 {strides = array<i32>} : memref<2x96x128xf32, #tpu.memory_space<vmem>>, vector<1x1x16xf32>,
      %broadcast_in_dim3A_198 = arith.constant 0.000000e+00 : f32
      %broadcast_in_dim3A_199 = vector.broadcast %broadcast_in_dim3A_198 : f32 to vector<16xf32>
      %swap3A_200 = arith.constant 0 : i32
      %swap3A_201 = arith.index_cast %swap3A_200 : i32 to index
      %swap3A_202 = arith.index_cast %scan3A_180 : i32 to index
      %swap3A_203 = arith.constant 32 : index
      %swap3A_204 = tpu.vector_load %arg9[%swap3A_201, %swap3A_202, %swap3A_203] {strides = array<i32>} : memref<2x96x128xf32, #tpu.memory_space<vmem>>, vector<1x1x16xf32>,
      %swap3A_205 = vector.shape_cast %swap3A_204 : vector<1x1x16xf32> to vector<16xf32>
      %swap3A_206 = vector.shape_cast %broadcast_in_dim3A_199 : vector<16xf32> to vector<1x1x16xf32>
      tpu.vector_store %arg9[%swap3A_201, %swap3A_202, %swap3A_203], %swap3A_206 {strides = array<i32>} : memref<2x96x128xf32, #tpu.memory_space<vmem>>, vector<1x1x16xf32>,
      %broadcast_in_dim3A_207 = arith.constant 0.000000e+00 : f32
      %broadcast_in_dim3A_208 = vector.broadcast %broadcast_in_dim3A_207 : f32 to vector<16xf32>
      %swap3A_209 = arith.constant 0 : i32
      %swap3A_210 = arith.index_cast %swap3A_209 : i32 to index
      %swap3A_211 = arith.index_cast %scan3A_180 : i32 to index
      %swap3A_212 = arith.constant 48 : index
      %swap3A_213 = tpu.vector_load %arg9[%swap3A_210, %swap3A_211, %swap3A_212] {strides = array<i32>} : memref<2x96x128xf32, #tpu.memory_space<vmem>>, vector<1x1x16xf32>,
      %swap3A_214 = vector.shape_cast %swap3A_213 : vector<1x1x16xf32> to vector<16xf32>
      %swap3A_215 = vector.shape_cast %broadcast_in_dim3A_208 : vector<16xf32> to vector<1x1x16xf32>
      tpu.vector_store %arg9[%swap3A_210, %swap3A_211, %swap3A_212], %swap3A_215 {strides = array<i32>} : memref<2x96x128xf32, #tpu.memory_space<vmem>>, vector<1x1x16xf32>,
      %broadcast_in_dim3A_216 = arith.constant 0.000000e+00 : f32
      %broadcast_in_dim3A_217 = vector.broadcast %broadcast_in_dim3A_216 : f32 to vector<16xf32>
      %swap3A_218 = arith.constant 0 : i32
      %swap3A_219 = arith.index_cast %swap3A_218 : i32 to index
      %swap3A_220 = arith.index_cast %scan3A_180 : i32 to index
      %swap3A_221 = arith.constant 64 : index
      %swap3A_222 = tpu.vector_load %arg9[%swap3A_219, %swap3A_220, %swap3A_221] {strides = array<i32>} : memref<2x96x128xf32, #tpu.memory_space<vmem>>, vector<1x1x16xf32>,
      %swap3A_223 = vector.shape_cast %swap3A_222 : vector<1x1x16xf32> to vector<16xf32>
      %swap3A_224 = vector.shape_cast %broadcast_in_dim3A_217 : vector<16xf32> to vector<1x1x16xf32>
      tpu.vector_store %arg9[%swap3A_219, %swap3A_220, %swap3A_221], %swap3A_224 {strides = array<i32>} : memref<2x96x128xf32, #tpu.memory_space<vmem>>, vector<1x1x16xf32>,
      %broadcast_in_dim3A_225 = arith.constant 0.000000e+00 : f32
      %broadcast_in_dim3A_226 = vector.broadcast %broadcast_in_dim3A_225 : f32 to vector<16xf32>
      %swap3A_227 = arith.constant 0 : i32
      %swap3A_228 = arith.index_cast %swap3A_227 : i32 to index
      %swap3A_229 = arith.index_cast %scan3A_180 : i32 to index
      %swap3A_230 = arith.constant 80 : index
      %swap3A_231 = tpu.vector_load %arg9[%swap3A_228, %swap3A_229, %swap3A_230] {strides = array<i32>} : memref<2x96x128xf32, #tpu.memory_space<vmem>>, vector<1x1x16xf32>,
      %swap3A_232 = vector.shape_cast %swap3A_231 : vector<1x1x16xf32> to vector<16xf32>
      %swap3A_233 = vector.shape_cast %broadcast_in_dim3A_226 : vector<16xf32> to vector<1x1x16xf32>
      tpu.vector_store %arg9[%swap3A_228, %swap3A_229, %swap3A_230], %swap3A_233 {strides = array<i32>} : memref<2x96x128xf32, #tpu.memory_space<vmem>>, vector<1x1x16xf32>,
      %broadcast_in_dim3A_234 = arith.constant 0.000000e+00 : f32
      %broadcast_in_dim3A_235 = vector.broadcast %broadcast_in_dim3A_234 : f32 to vector<16xf32>
      %swap3A_236 = arith.constant 0 : i32
      %swap3A_237 = arith.index_cast %swap3A_236 : i32 to index
      %swap3A_238 = arith.index_cast %scan3A_180 : i32 to index
      %swap3A_239 = arith.constant 96 : index
      %swap3A_240 = tpu.vector_load %arg9[%swap3A_237, %swap3A_238, %swap3A_239] {strides = array<i32>} : memref<2x96x128xf32, #tpu.memory_space<vmem>>, vector<1x1x16xf32>,
      %swap3A_241 = vector.shape_cast %swap3A_240 : vector<1x1x16xf32> to vector<16xf32>
      %swap3A_242 = vector.shape_cast %broadcast_in_dim3A_235 : vector<16xf32> to vector<1x1x16xf32>
      tpu.vector_store %arg9[%swap3A_237, %swap3A_238, %swap3A_239], %swap3A_242 {strides = array<i32>} : memref<2x96x128xf32, #tpu.memory_space<vmem>>, vector<1x1x16xf32>,
      %broadcast_in_dim3A_243 = arith.constant 0.000000e+00 : f32
      %broadcast_in_dim3A_244 = vector.broadcast %broadcast_in_dim3A_243 : f32 to vector<16xf32>
      %swap3A_245 = arith.constant 0 : i32
      %swap3A_246 = arith.index_cast %swap3A_245 : i32 to index
      %swap3A_247 = arith.index_cast %scan3A_180 : i32 to index
      %swap3A_248 = arith.constant 112 : index
      %swap3A_249 = tpu.vector_load %arg9[%swap3A_246, %swap3A_247, %swap3A_248] {strides = array<i32>} : memref<2x96x128xf32, #tpu.memory_space<vmem>>, vector<1x1x16xf32>,
      %swap3A_250 = vector.shape_cast %swap3A_249 : vector<1x1x16xf32> to vector<16xf32>
      %swap3A_251 = vector.shape_cast %broadcast_in_dim3A_244 : vector<16xf32> to vector<1x1x16xf32>
      tpu.vector_store %arg9[%swap3A_246, %swap3A_247, %swap3A_248], %swap3A_251 {strides = array<i32>} : memref<2x96x128xf32, #tpu.memory_space<vmem>>, vector<1x1x16xf32>,
      %scan3A_252 = arith.constant 0 : i32
      scf.yield %scan3A_252 : i32
    }
    %scan3A_8 = arith.constant 96 : i32
    %mul3A_9 = arith.constant 632 : i32
    %mul3A_10 = arith.muli %arg1, %mul3A_9 : i32
    %add3A_11 = arith.constant 0 : i32
    %add3A_12 = arith.addi %mul3A_10, %add3A_11 : i32
    %run_scoped3A = arith.constant 0 : i32
    "tpu.region"() ({
      %run_scoped3A_180 = tpu.sem_alloc : memref<!tpu.dma_semaphore, #tpu.memory_space<semaphore_mem>>
      %dma_start3A_181 = arith.constant 0 : i32
      %dma_start3A_182 = arith.constant 0 : i32
      %dma_start3A_183 = tpu.memref_slice %arg9[%run_scoped3A, %dma_start3A_181, %dma_start3A_182] : memref<2x96x128xf32, #tpu.memory_space<vmem>> -> memref<1x96x128xf32, #tpu.memory_space<vmem>>
      %dma_start3A_184 = tpu.memref_squeeze %dma_start3A_183 : memref<1x96x128xf32, #tpu.memory_space<vmem>> -> memref<96x128xf32, #tpu.memory_space<vmem>>
      %dma_start3A_185 = arith.constant 0 : i32
      %dma_start3A_186 = tpu.memref_slice %arg11[%add3A_12, %dma_start3A_185] : memref<10112x128xf32, #tpu.memory_space<vmem_shared>> -> memref<96x128xf32, #tpu.memory_space<vmem_shared>>
      %dma_start3A_187 = arith.constant 0 : i32
      %dma_start3A_188 = tpu.memref_slice %arg11[%add3A_12, %dma_start3A_187] : memref<10112x128xf32, #tpu.memory_space<vmem_shared>> -> memref<96x128xf32, #tpu.memory_space<vmem_shared>>
      %dma_start3A_189 = arith.constant 0 : i32
      %dma_start3A_190 = arith.constant 0 : i32
      %dma_start3A_191 = tpu.memref_slice %arg9[%run_scoped3A, %dma_start3A_189, %dma_start3A_190] : memref<2x96x128xf32, #tpu.memory_space<vmem>> -> memref<1x96x128xf32, #tpu.memory_space<vmem>>
      %dma_start3A_192 = tpu.memref_squeeze %dma_start3A_191 : memref<1x96x128xf32, #tpu.memory_space<vmem>> -> memref<96x128xf32, #tpu.memory_space<vmem>>
      tpu.enqueue_dma source(%dma_start3A_192 : memref<96x128xf32, #tpu.memory_space<vmem>>) target(%dma_start3A_188 : memref<96x128xf32, #tpu.memory_space<vmem_shared>>) target_semaphore(%run_scoped3A_180 : memref<!tpu.dma_semaphore, #tpu.memory_space<semaphore_mem>>)
      %dma_wait3A_193 = arith.constant 0 : i32
      %dma_wait3A_194 = arith.constant 0 : i32
      %dma_wait3A_195 = tpu.memref_slice %arg9[%run_scoped3A, %dma_wait3A_193, %dma_wait3A_194] : memref<2x96x128xf32, #tpu.memory_space<vmem>> -> memref<1x96x128xf32, #tpu.memory_space<vmem>>
      %dma_wait3A_196 = tpu.memref_squeeze %dma_wait3A_195 : memref<1x96x128xf32, #tpu.memory_space<vmem>> -> memref<96x128xf32, #tpu.memory_space<vmem>>
      %dma_wait3A_197 = arith.constant 0 : i32
      %dma_wait3A_198 = tpu.memref_slice %arg11[%add3A_12, %dma_wait3A_197] : memref<10112x128xf32, #tpu.memory_space<vmem_shared>> -> memref<96x128xf32, #tpu.memory_space<vmem_shared>>
      %dma_wait3A_199 = arith.constant 0 : i32
      %dma_wait3A_200 = tpu.memref_slice %arg11[%add3A_12, %dma_wait3A_199] : memref<10112x128xf32, #tpu.memory_space<vmem_shared>> -> memref<96x128xf32, #tpu.memory_space<vmem_shared>>
      %dma_wait3A_201 = arith.constant 0 : i32
      %dma_wait3A_202 = arith.constant 0 : i32
      %dma_wait3A_203 = tpu.memref_slice %arg9[%run_scoped3A, %dma_wait3A_201, %dma_wait3A_202] : memref<2x96x128xf32, #tpu.memory_space<vmem>> -> memref<1x96x128xf32, #tpu.memory_space<vmem>>
      %dma_wait3A_204 = tpu.memref_squeeze %dma_wait3A_203 : memref<1x96x128xf32, #tpu.memory_space<vmem>> -> memref<96x128xf32, #tpu.memory_space<vmem>>
      tpu.wait_dma2 semaphore(%run_scoped3A_180 : memref<!tpu.dma_semaphore, #tpu.memory_space<semaphore_mem>>) src(%dma_wait3A_204 : memref<96x128xf32, #tpu.memory_space<vmem>>) dst(%dma_wait3A_200 : memref<96x128xf32, #tpu.memory_space<vmem_shared>>)
      tpu.yield
    }) : () -> ()
    %add3A_13 = arith.constant 96 : i32
    %add3A_14 = arith.addi %mul3A_10, %add3A_13 : i32
    %run_scoped3A_15 = arith.constant 0 : i32
    "tpu.region"() ({
      %run_scoped3A_180 = tpu.sem_alloc : memref<!tpu.dma_semaphore, #tpu.memory_space<semaphore_mem>>
      %dma_start3A_181 = arith.constant 0 : i32
      %dma_start3A_182 = arith.constant 0 : i32
      %dma_start3A_183 = tpu.memref_slice %arg9[%run_scoped3A_15, %dma_start3A_181, %dma_start3A_182] : memref<2x96x128xf32, #tpu.memory_space<vmem>> -> memref<1x96x128xf32, #tpu.memory_space<vmem>>
      %dma_start3A_184 = tpu.memref_squeeze %dma_start3A_183 : memref<1x96x128xf32, #tpu.memory_space<vmem>> -> memref<96x128xf32, #tpu.memory_space<vmem>>
      %dma_start3A_185 = arith.constant 0 : i32
      %dma_start3A_186 = tpu.memref_slice %arg11[%add3A_14, %dma_start3A_185] : memref<10112x128xf32, #tpu.memory_space<vmem_shared>> -> memref<96x128xf32, #tpu.memory_space<vmem_shared>>
      %dma_start3A_187 = arith.constant 0 : i32
      %dma_start3A_188 = tpu.memref_slice %arg11[%add3A_14, %dma_start3A_187] : memref<10112x128xf32, #tpu.memory_space<vmem_shared>> -> memref<96x128xf32, #tpu.memory_space<vmem_shared>>
      %dma_start3A_189 = arith.constant 0 : i32
      %dma_start3A_190 = arith.constant 0 : i32
      %dma_start3A_191 = tpu.memref_slice %arg9[%run_scoped3A_15, %dma_start3A_189, %dma_start3A_190] : memref<2x96x128xf32, #tpu.memory_space<vmem>> -> memref<1x96x128xf32, #tpu.memory_space<vmem>>
      %dma_start3A_192 = tpu.memref_squeeze %dma_start3A_191 : memref<1x96x128xf32, #tpu.memory_space<vmem>> -> memref<96x128xf32, #tpu.memory_space<vmem>>
      tpu.enqueue_dma source(%dma_start3A_192 : memref<96x128xf32, #tpu.memory_space<vmem>>) target(%dma_start3A_188 : memref<96x128xf32, #tpu.memory_space<vmem_shared>>) target_semaphore(%run_scoped3A_180 : memref<!tpu.dma_semaphore, #tpu.memory_space<semaphore_mem>>)
      %dma_wait3A_193 = arith.constant 0 : i32
      %dma_wait3A_194 = arith.constant 0 : i32
      %dma_wait3A_195 = tpu.memref_slice %arg9[%run_scoped3A_15, %dma_wait3A_193, %dma_wait3A_194] : memref<2x96x128xf32, #tpu.memory_space<vmem>> -> memref<1x96x128xf32, #tpu.memory_space<vmem>>
      %dma_wait3A_196 = tpu.memref_squeeze %dma_wait3A_195 : memref<1x96x128xf32, #tpu.memory_space<vmem>> -> memref<96x128xf32, #tpu.memory_space<vmem>>
      %dma_wait3A_197 = arith.constant 0 : i32
      %dma_wait3A_198 = tpu.memref_slice %arg11[%add3A_14, %dma_wait3A_197] : memref<10112x128xf32, #tpu.memory_space<vmem_shared>> -> memref<96x128xf32, #tpu.memory_space<vmem_shared>>
      %dma_wait3A_199 = arith.constant 0 : i32
      %dma_wait3A_200 = tpu.memref_slice %arg11[%add3A_14, %dma_wait3A_199] : memref<10112x128xf32, #tpu.memory_space<vmem_shared>> -> memref<96x128xf32, #tpu.memory_space<vmem_shared>>
      %dma_wait3A_201 = arith.constant 0 : i32
      %dma_wait3A_202 = arith.constant 0 : i32
      %dma_wait3A_203 = tpu.memref_slice %arg9[%run_scoped3A_15, %dma_wait3A_201, %dma_wait3A_202] : memref<2x96x128xf32, #tpu.memory_space<vmem>> -> memref<1x96x128xf32, #tpu.memory_space<vmem>>
      %dma_wait3A_204 = tpu.memref_squeeze %dma_wait3A_203 : memref<1x96x128xf32, #tpu.memory_space<vmem>> -> memref<96x128xf32, #tpu.memory_space<vmem>>
      tpu.wait_dma2 semaphore(%run_scoped3A_180 : memref<!tpu.dma_semaphore, #tpu.memory_space<semaphore_mem>>) src(%dma_wait3A_204 : memref<96x128xf32, #tpu.memory_space<vmem>>) dst(%dma_wait3A_200 : memref<96x128xf32, #tpu.memory_space<vmem_shared>>)
      tpu.yield
    }) : () -> ()
    %add3A_16 = arith.constant 192 : i32
    %add3A_17 = arith.addi %mul3A_10, %add3A_16 : i32
    %run_scoped3A_18 = arith.constant 0 : i32
    "tpu.region"() ({
      %run_scoped3A_180 = tpu.sem_alloc : memref<!tpu.dma_semaphore, #tpu.memory_space<semaphore_mem>>
      %dma_start3A_181 = arith.constant 0 : i32
      %dma_start3A_182 = arith.constant 0 : i32
      %dma_start3A_183 = tpu.memref_slice %arg9[%run_scoped3A_18, %dma_start3A_181, %dma_start3A_182] : memref<2x96x128xf32, #tpu.memory_space<vmem>> -> memref<1x96x128xf32, #tpu.memory_space<vmem>>
      %dma_start3A_184 = tpu.memref_squeeze %dma_start3A_183 : memref<1x96x128xf32, #tpu.memory_space<vmem>> -> memref<96x128xf32, #tpu.memory_space<vmem>>
      %dma_start3A_185 = arith.constant 0 : i32
      %dma_start3A_186 = tpu.memref_slice %arg11[%add3A_17, %dma_start3A_185] : memref<10112x128xf32, #tpu.memory_space<vmem_shared>> -> memref<96x128xf32, #tpu.memory_space<vmem_shared>>
      %dma_start3A_187 = arith.constant 0 : i32
      %dma_start3A_188 = tpu.memref_slice %arg11[%add3A_17, %dma_start3A_187] : memref<10112x128xf32, #tpu.memory_space<vmem_shared>> -> memref<96x128xf32, #tpu.memory_space<vmem_shared>>
      %dma_start3A_189 = arith.constant 0 : i32
      %dma_start3A_190 = arith.constant 0 : i32
      %dma_start3A_191 = tpu.memref_slice %arg9[%run_scoped3A_18, %dma_start3A_189, %dma_start3A_190] : memref<2x96x128xf32, #tpu.memory_space<vmem>> -> memref<1x96x128xf32, #tpu.memory_space<vmem>>
      %dma_start3A_192 = tpu.memref_squeeze %dma_start3A_191 : memref<1x96x128xf32, #tpu.memory_space<vmem>> -> memref<96x128xf32, #tpu.memory_space<vmem>>
      tpu.enqueue_dma source(%dma_start3A_192 : memref<96x128xf32, #tpu.memory_space<vmem>>) target(%dma_start3A_188 : memref<96x128xf32, #tpu.memory_space<vmem_shared>>) target_semaphore(%run_scoped3A_180 : memref<!tpu.dma_semaphore, #tpu.memory_space<semaphore_mem>>)
      %dma_wait3A_193 = arith.constant 0 : i32
      %dma_wait3A_194 = arith.constant 0 : i32
      %dma_wait3A_195 = tpu.memref_slice %arg9[%run_scoped3A_18, %dma_wait3A_193, %dma_wait3A_194] : memref<2x96x128xf32, #tpu.memory_space<vmem>> -> memref<1x96x128xf32, #tpu.memory_space<vmem>>
      %dma_wait3A_196 = tpu.memref_squeeze %dma_wait3A_195 : memref<1x96x128xf32, #tpu.memory_space<vmem>> -> memref<96x128xf32, #tpu.memory_space<vmem>>
      %dma_wait3A_197 = arith.constant 0 : i32
      %dma_wait3A_198 = tpu.memref_slice %arg11[%add3A_17, %dma_wait3A_197] : memref<10112x128xf32, #tpu.memory_space<vmem_shared>> -> memref<96x128xf32, #tpu.memory_space<vmem_shared>>
      %dma_wait3A_199 = arith.constant 0 : i32
      %dma_wait3A_200 = tpu.memref_slice %arg11[%add3A_17, %dma_wait3A_199] : memref<10112x128xf32, #tpu.memory_space<vmem_shared>> -> memref<96x128xf32, #tpu.memory_space<vmem_shared>>
      %dma_wait3A_201 = arith.constant 0 : i32
      %dma_wait3A_202 = arith.constant 0 : i32
      %dma_wait3A_203 = tpu.memref_slice %arg9[%run_scoped3A_18, %dma_wait3A_201, %dma_wait3A_202] : memref<2x96x128xf32, #tpu.memory_space<vmem>> -> memref<1x96x128xf32, #tpu.memory_space<vmem>>
      %dma_wait3A_204 = tpu.memref_squeeze %dma_wait3A_203 : memref<1x96x128xf32, #tpu.memory_space<vmem>> -> memref<96x128xf32, #tpu.memory_space<vmem>>
      tpu.wait_dma2 semaphore(%run_scoped3A_180 : memref<!tpu.dma_semaphore, #tpu.memory_space<semaphore_mem>>) src(%dma_wait3A_204 : memref<96x128xf32, #tpu.memory_space<vmem>>) dst(%dma_wait3A_200 : memref<96x128xf32, #tpu.memory_space<vmem_shared>>)
      tpu.yield
    }) : () -> ()
    %add3A_19 = arith.constant 288 : i32
    %add3A_20 = arith.addi %mul3A_10, %add3A_19 : i32
    %run_scoped3A_21 = arith.constant 0 : i32
    "tpu.region"() ({
      %run_scoped3A_180 = tpu.sem_alloc : memref<!tpu.dma_semaphore, #tpu.memory_space<semaphore_mem>>
      %dma_start3A_181 = arith.constant 0 : i32
      %dma_start3A_182 = arith.constant 0 : i32
      %dma_start3A_183 = tpu.memref_slice %arg9[%run_scoped3A_21, %dma_start3A_181, %dma_start3A_182] : memref<2x96x128xf32, #tpu.memory_space<vmem>> -> memref<1x96x128xf32, #tpu.memory_space<vmem>>
      %dma_start3A_184 = tpu.memref_squeeze %dma_start3A_183 : memref<1x96x128xf32, #tpu.memory_space<vmem>> -> memref<96x128xf32, #tpu.memory_space<vmem>>
      %dma_start3A_185 = arith.constant 0 : i32
      %dma_start3A_186 = tpu.memref_slice %arg11[%add3A_20, %dma_start3A_185] : memref<10112x128xf32, #tpu.memory_space<vmem_shared>> -> memref<96x128xf32, #tpu.memory_space<vmem_shared>>
      %dma_start3A_187 = arith.constant 0 : i32
      %dma_start3A_188 = tpu.memref_slice %arg11[%add3A_20, %dma_start3A_187] : memref<10112x128xf32, #tpu.memory_space<vmem_shared>> -> memref<96x128xf32, #tpu.memory_space<vmem_shared>>
      %dma_start3A_189 = arith.constant 0 : i32
      %dma_start3A_190 = arith.constant 0 : i32
      %dma_start3A_191 = tpu.memref_slice %arg9[%run_scoped3A_21, %dma_start3A_189, %dma_start3A_190] : memref<2x96x128xf32, #tpu.memory_space<vmem>> -> memref<1x96x128xf32, #tpu.memory_space<vmem>>
      %dma_start3A_192 = tpu.memref_squeeze %dma_start3A_191 : memref<1x96x128xf32, #tpu.memory_space<vmem>> -> memref<96x128xf32, #tpu.memory_space<vmem>>
      tpu.enqueue_dma source(%dma_start3A_192 : memref<96x128xf32, #tpu.memory_space<vmem>>) target(%dma_start3A_188 : memref<96x128xf32, #tpu.memory_space<vmem_shared>>) target_semaphore(%run_scoped3A_180 : memref<!tpu.dma_semaphore, #tpu.memory_space<semaphore_mem>>)
      %dma_wait3A_193 = arith.constant 0 : i32
      %dma_wait3A_194 = arith.constant 0 : i32
      %dma_wait3A_195 = tpu.memref_slice %arg9[%run_scoped3A_21, %dma_wait3A_193, %dma_wait3A_194] : memref<2x96x128xf32, #tpu.memory_space<vmem>> -> memref<1x96x128xf32, #tpu.memory_space<vmem>>
      %dma_wait3A_196 = tpu.memref_squeeze %dma_wait3A_195 : memref<1x96x128xf32, #tpu.memory_space<vmem>> -> memref<96x128xf32, #tpu.memory_space<vmem>>
      %dma_wait3A_197 = arith.constant 0 : i32
      %dma_wait3A_198 = tpu.memref_slice %arg11[%add3A_20, %dma_wait3A_197] : memref<10112x128xf32, #tpu.memory_space<vmem_shared>> -> memref<96x128xf32, #tpu.memory_space<vmem_shared>>
      %dma_wait3A_199 = arith.constant 0 : i32
      %dma_wait3A_200 = tpu.memref_slice %arg11[%add3A_20, %dma_wait3A_199] : memref<10112x128xf32, #tpu.memory_space<vmem_shared>> -> memref<96x128xf32, #tpu.memory_space<vmem_shared>>
      %dma_wait3A_201 = arith.constant 0 : i32
      %dma_wait3A_202 = arith.constant 0 : i32
      %dma_wait3A_203 = tpu.memref_slice %arg9[%run_scoped3A_21, %dma_wait3A_201, %dma_wait3A_202] : memref<2x96x128xf32, #tpu.memory_space<vmem>> -> memref<1x96x128xf32, #tpu.memory_space<vmem>>
      %dma_wait3A_204 = tpu.memref_squeeze %dma_wait3A_203 : memref<1x96x128xf32, #tpu.memory_space<vmem>> -> memref<96x128xf32, #tpu.memory_space<vmem>>
      tpu.wait_dma2 semaphore(%run_scoped3A_180 : memref<!tpu.dma_semaphore, #tpu.memory_space<semaphore_mem>>) src(%dma_wait3A_204 : memref<96x128xf32, #tpu.memory_space<vmem>>) dst(%dma_wait3A_200 : memref<96x128xf32, #tpu.memory_space<vmem_shared>>)
      tpu.yield
    }) : () -> ()
    %add3A_22 = arith.constant 384 : i32
    %add3A_23 = arith.addi %mul3A_10, %add3A_22 : i32
    %run_scoped3A_24 = arith.constant 0 : i32
    "tpu.region"() ({
      %run_scoped3A_180 = tpu.sem_alloc : memref<!tpu.dma_semaphore, #tpu.memory_space<semaphore_mem>>
      %dma_start3A_181 = arith.constant 0 : i32
      %dma_start3A_182 = arith.constant 0 : i32
      %dma_start3A_183 = tpu.memref_slice %arg9[%run_scoped3A_24, %dma_start3A_181, %dma_start3A_182] : memref<2x96x128xf32, #tpu.memory_space<vmem>> -> memref<1x96x128xf32, #tpu.memory_space<vmem>>
      %dma_start3A_184 = tpu.memref_squeeze %dma_start3A_183 : memref<1x96x128xf32, #tpu.memory_space<vmem>> -> memref<96x128xf32, #tpu.memory_space<vmem>>
      %dma_start3A_185 = arith.constant 0 : i32
      %dma_start3A_186 = tpu.memref_slice %arg11[%add3A_23, %dma_start3A_185] : memref<10112x128xf32, #tpu.memory_space<vmem_shared>> -> memref<96x128xf32, #tpu.memory_space<vmem_shared>>
      %dma_start3A_187 = arith.constant 0 : i32
      %dma_start3A_188 = tpu.memref_slice %arg11[%add3A_23, %dma_start3A_187] : memref<10112x128xf32, #tpu.memory_space<vmem_shared>> -> memref<96x128xf32, #tpu.memory_space<vmem_shared>>
      %dma_start3A_189 = arith.constant 0 : i32
      %dma_start3A_190 = arith.constant 0 : i32
      %dma_start3A_191 = tpu.memref_slice %arg9[%run_scoped3A_24, %dma_start3A_189, %dma_start3A_190] : memref<2x96x128xf32, #tpu.memory_space<vmem>> -> memref<1x96x128xf32, #tpu.memory_space<vmem>>
      %dma_start3A_192 = tpu.memref_squeeze %dma_start3A_191 : memref<1x96x128xf32, #tpu.memory_space<vmem>> -> memref<96x128xf32, #tpu.memory_space<vmem>>
      tpu.enqueue_dma source(%dma_start3A_192 : memref<96x128xf32, #tpu.memory_space<vmem>>) target(%dma_start3A_188 : memref<96x128xf32, #tpu.memory_space<vmem_shared>>) target_semaphore(%run_scoped3A_180 : memref<!tpu.dma_semaphore, #tpu.memory_space<semaphore_mem>>)
      %dma_wait3A_193 = arith.constant 0 : i32
      %dma_wait3A_194 = arith.constant 0 : i32
      %dma_wait3A_195 = tpu.memref_slice %arg9[%run_scoped3A_24, %dma_wait3A_193, %dma_wait3A_194] : memref<2x96x128xf32, #tpu.memory_space<vmem>> -> memref<1x96x128xf32, #tpu.memory_space<vmem>>
      %dma_wait3A_196 = tpu.memref_squeeze %dma_wait3A_195 : memref<1x96x128xf32, #tpu.memory_space<vmem>> -> memref<96x128xf32, #tpu.memory_space<vmem>>
      %dma_wait3A_197 = arith.constant 0 : i32
      %dma_wait3A_198 = tpu.memref_slice %arg11[%add3A_23, %dma_wait3A_197] : memref<10112x128xf32, #tpu.memory_space<vmem_shared>> -> memref<96x128xf32, #tpu.memory_space<vmem_shared>>
      %dma_wait3A_199 = arith.constant 0 : i32
      %dma_wait3A_200 = tpu.memref_slice %arg11[%add3A_23, %dma_wait3A_199] : memref<10112x128xf32, #tpu.memory_space<vmem_shared>> -> memref<96x128xf32, #tpu.memory_space<vmem_shared>>
      %dma_wait3A_201 = arith.constant 0 : i32
      %dma_wait3A_202 = arith.constant 0 : i32
      %dma_wait3A_203 = tpu.memref_slice %arg9[%run_scoped3A_24, %dma_wait3A_201, %dma_wait3A_202] : memref<2x96x128xf32, #tpu.memory_space<vmem>> -> memref<1x96x128xf32, #tpu.memory_space<vmem>>
      %dma_wait3A_204 = tpu.memref_squeeze %dma_wait3A_203 : memref<1x96x128xf32, #tpu.memory_space<vmem>> -> memref<96x128xf32, #tpu.memory_space<vmem>>
      tpu.wait_dma2 semaphore(%run_scoped3A_180 : memref<!tpu.dma_semaphore, #tpu.memory_space<semaphore_mem>>) src(%dma_wait3A_204 : memref<96x128xf32, #tpu.memory_space<vmem>>) dst(%dma_wait3A_200 : memref<96x128xf32, #tpu.memory_space<vmem_shared>>)
      tpu.yield
    }) : () -> ()
    %add3A_25 = arith.constant 480 : i32
    %add3A_26 = arith.addi %mul3A_10, %add3A_25 : i32
    %run_scoped3A_27 = arith.constant 0 : i32
    "tpu.region"() ({
      %run_scoped3A_180 = tpu.sem_alloc : memref<!tpu.dma_semaphore, #tpu.memory_space<semaphore_mem>>
      %dma_start3A_181 = arith.constant 0 : i32
      %dma_start3A_182 = arith.constant 0 : i32
      %dma_start3A_183 = tpu.memref_slice %arg9[%run_scoped3A_27, %dma_start3A_181, %dma_start3A_182] : memref<2x96x128xf32, #tpu.memory_space<vmem>> -> memref<1x96x128xf32, #tpu.memory_space<vmem>>
      %dma_start3A_184 = tpu.memref_squeeze %dma_start3A_183 : memref<1x96x128xf32, #tpu.memory_space<vmem>> -> memref<96x128xf32, #tpu.memory_space<vmem>>
      %dma_start3A_185 = arith.constant 0 : i32
      %dma_start3A_186 = tpu.memref_slice %arg11[%add3A_26, %dma_start3A_185] : memref<10112x128xf32, #tpu.memory_space<vmem_shared>> -> memref<96x128xf32, #tpu.memory_space<vmem_shared>>
      %dma_start3A_187 = arith.constant 0 : i32
      %dma_start3A_188 = tpu.memref_slice %arg11[%add3A_26, %dma_start3A_187] : memref<10112x128xf32, #tpu.memory_space<vmem_shared>> -> memref<96x128xf32, #tpu.memory_space<vmem_shared>>
      %dma_start3A_189 = arith.constant 0 : i32
      %dma_start3A_190 = arith.constant 0 : i32
      %dma_start3A_191 = tpu.memref_slice %arg9[%run_scoped3A_27, %dma_start3A_189, %dma_start3A_190] : memref<2x96x128xf32, #tpu.memory_space<vmem>> -> memref<1x96x128xf32, #tpu.memory_space<vmem>>
      %dma_start3A_192 = tpu.memref_squeeze %dma_start3A_191 : memref<1x96x128xf32, #tpu.memory_space<vmem>> -> memref<96x128xf32, #tpu.memory_space<vmem>>
      tpu.enqueue_dma source(%dma_start3A_192 : memref<96x128xf32, #tpu.memory_space<vmem>>) target(%dma_start3A_188 : memref<96x128xf32, #tpu.memory_space<vmem_shared>>) target_semaphore(%run_scoped3A_180 : memref<!tpu.dma_semaphore, #tpu.memory_space<semaphore_mem>>)
      %dma_wait3A_193 = arith.constant 0 : i32
      %dma_wait3A_194 = arith.constant 0 : i32
      %dma_wait3A_195 = tpu.memref_slice %arg9[%run_scoped3A_27, %dma_wait3A_193, %dma_wait3A_194] : memref<2x96x128xf32, #tpu.memory_space<vmem>> -> memref<1x96x128xf32, #tpu.memory_space<vmem>>
      %dma_wait3A_196 = tpu.memref_squeeze %dma_wait3A_195 : memref<1x96x128xf32, #tpu.memory_space<vmem>> -> memref<96x128xf32, #tpu.memory_space<vmem>>
      %dma_wait3A_197 = arith.constant 0 : i32
      %dma_wait3A_198 = tpu.memref_slice %arg11[%add3A_26, %dma_wait3A_197] : memref<10112x128xf32, #tpu.memory_space<vmem_shared>> -> memref<96x128xf32, #tpu.memory_space<vmem_shared>>
      %dma_wait3A_199 = arith.constant 0 : i32
      %dma_wait3A_200 = tpu.memref_slice %arg11[%add3A_26, %dma_wait3A_199] : memref<10112x128xf32, #tpu.memory_space<vmem_shared>> -> memref<96x128xf32, #tpu.memory_space<vmem_shared>>
      %dma_wait3A_201 = arith.constant 0 : i32
      %dma_wait3A_202 = arith.constant 0 : i32
      %dma_wait3A_203 = tpu.memref_slice %arg9[%run_scoped3A_27, %dma_wait3A_201, %dma_wait3A_202] : memref<2x96x128xf32, #tpu.memory_space<vmem>> -> memref<1x96x128xf32, #tpu.memory_space<vmem>>
      %dma_wait3A_204 = tpu.memref_squeeze %dma_wait3A_203 : memref<1x96x128xf32, #tpu.memory_space<vmem>> -> memref<96x128xf32, #tpu.memory_space<vmem>>
      tpu.wait_dma2 semaphore(%run_scoped3A_180 : memref<!tpu.dma_semaphore, #tpu.memory_space<semaphore_mem>>) src(%dma_wait3A_204 : memref<96x128xf32, #tpu.memory_space<vmem>>) dst(%dma_wait3A_200 : memref<96x128xf32, #tpu.memory_space<vmem_shared>>)
      tpu.yield
    }) : () -> ()
    %add3A_28 = arith.constant 576 : i32
    %add3A_29 = arith.addi %mul3A_10, %add3A_28 : i32
    %run_scoped3A_30 = arith.constant 0 : i32
    "tpu.region"() ({
      %run_scoped3A_180 = tpu.sem_alloc : memref<!tpu.dma_semaphore, #tpu.memory_space<semaphore_mem>>
      %dma_start3A_181 = arith.constant 0 : i32
      %dma_start3A_182 = arith.constant 0 : i32
      %dma_start3A_183 = tpu.memref_slice %arg9[%run_scoped3A_30, %dma_start3A_181, %dma_start3A_182] : memref<2x96x128xf32, #tpu.memory_space<vmem>> -> memref<1x56x128xf32, #tpu.memory_space<vmem>>
      %dma_start3A_184 = tpu.memref_squeeze %dma_start3A_183 : memref<1x56x128xf32, #tpu.memory_space<vmem>> -> memref<56x128xf32, #tpu.memory_space<vmem>>
      %dma_start3A_185 = arith.constant 0 : i32
      %dma_start3A_186 = tpu.memref_slice %arg11[%add3A_29, %dma_start3A_185] : memref<10112x128xf32, #tpu.memory_space<vmem_shared>> -> memref<56x128xf32, #tpu.memory_space<vmem_shared>>
      %dma_start3A_187 = arith.constant 0 : i32
      %dma_start3A_188 = tpu.memref_slice %arg11[%add3A_29, %dma_start3A_187] : memref<10112x128xf32, #tpu.memory_space<vmem_shared>> -> memref<56x128xf32, #tpu.memory_space<vmem_shared>>
      %dma_start3A_189 = arith.constant 0 : i32
      %dma_start3A_190 = arith.constant 0 : i32
      %dma_start3A_191 = tpu.memref_slice %arg9[%run_scoped3A_30, %dma_start3A_189, %dma_start3A_190] : memref<2x96x128xf32, #tpu.memory_space<vmem>> -> memref<1x56x128xf32, #tpu.memory_space<vmem>>
      %dma_start3A_192 = tpu.memref_squeeze %dma_start3A_191 : memref<1x56x128xf32, #tpu.memory_space<vmem>> -> memref<56x128xf32, #tpu.memory_space<vmem>>
      tpu.enqueue_dma source(%dma_start3A_192 : memref<56x128xf32, #tpu.memory_space<vmem>>) target(%dma_start3A_188 : memref<56x128xf32, #tpu.memory_space<vmem_shared>>) target_semaphore(%run_scoped3A_180 : memref<!tpu.dma_semaphore, #tpu.memory_space<semaphore_mem>>)
      %dma_wait3A_193 = arith.constant 0 : i32
      %dma_wait3A_194 = arith.constant 0 : i32
      %dma_wait3A_195 = tpu.memref_slice %arg9[%run_scoped3A_30, %dma_wait3A_193, %dma_wait3A_194] : memref<2x96x128xf32, #tpu.memory_space<vmem>> -> memref<1x56x128xf32, #tpu.memory_space<vmem>>
      %dma_wait3A_196 = tpu.memref_squeeze %dma_wait3A_195 : memref<1x56x128xf32, #tpu.memory_space<vmem>> -> memref<56x128xf32, #tpu.memory_space<vmem>>
      %dma_wait3A_197 = arith.constant 0 : i32
      %dma_wait3A_198 = tpu.memref_slice %arg11[%add3A_29, %dma_wait3A_197] : memref<10112x128xf32, #tpu.memory_space<vmem_shared>> -> memref<56x128xf32, #tpu.memory_space<vmem_shared>>
      %dma_wait3A_199 = arith.constant 0 : i32
      %dma_wait3A_200 = tpu.memref_slice %arg11[%add3A_29, %dma_wait3A_199] : memref<10112x128xf32, #tpu.memory_space<vmem_shared>> -> memref<56x128xf32, #tpu.memory_space<vmem_shared>>
      %dma_wait3A_201 = arith.constant 0 : i32
      %dma_wait3A_202 = arith.constant 0 : i32
      %dma_wait3A_203 = tpu.memref_slice %arg9[%run_scoped3A_30, %dma_wait3A_201, %dma_wait3A_202] : memref<2x96x128xf32, #tpu.memory_space<vmem>> -> memref<1x56x128xf32, #tpu.memory_space<vmem>>
      %dma_wait3A_204 = tpu.memref_squeeze %dma_wait3A_203 : memref<1x56x128xf32, #tpu.memory_space<vmem>> -> memref<56x128xf32, #tpu.memory_space<vmem>>
      tpu.wait_dma2 semaphore(%run_scoped3A_180 : memref<!tpu.dma_semaphore, #tpu.memory_space<semaphore_mem>>) src(%dma_wait3A_204 : memref<56x128xf32, #tpu.memory_space<vmem>>) dst(%dma_wait3A_200 : memref<56x128xf32, #tpu.memory_space<vmem_shared>>)
      tpu.yield
    }) : () -> ()
    %barrier3A = arith.constant 0 : index
    tpu.barrier barrier_id(%barrier3A)
    %add3A_31 = arith.constant 0 : i32
    %add3A_32 = arith.addi %mul3A_2, %add3A_31 : i32
    %dma_start3A = arith.constant 0 : i32
    %dma_start3A_33 = arith.constant 0 : i32
    %dma_start3A_34 = tpu.memref_slice %arg7[%dma_start3A, %dma_start3A_33] : memref<2x96xi32, #tpu.memory_space<vmem>> -> memref<1x96xi32, #tpu.memory_space<vmem>>
    %dma_start3A_35 = tpu.memref_squeeze %dma_start3A_34 : memref<1x96xi32, #tpu.memory_space<vmem>> -> memref<96xi32, #tpu.memory_space<vmem>>
    %dma_start3A_36 = arith.constant 0 : i32
    %dma_start3A_37 = tpu.memref_slice %arg4[%add3A_32, %dma_start3A_36] : memref<3392x96xi32, #tpu.memory_space<hbm>> -> memref<1x96xi32, #tpu.memory_space<hbm>>
    %dma_start3A_38 = tpu.memref_squeeze %dma_start3A_37 : memref<1x96xi32, #tpu.memory_space<hbm>> -> memref<96xi32, #tpu.memory_space<hbm>>
    %dma_start3A_39 = arith.constant 0 : i32
    %dma_start3A_40 = tpu.memref_slice %arg7[%dma_start3A, %dma_start3A_39] : memref<2x96xi32, #tpu.memory_space<vmem>> -> memref<1x96xi32, #tpu.memory_space<vmem>>
    %dma_start3A_41 = tpu.memref_squeeze %dma_start3A_40 : memref<1x96xi32, #tpu.memory_space<vmem>> -> memref<96xi32, #tpu.memory_space<vmem>>
    %dma_start3A_42 = arith.constant 0 : i32
    %dma_start3A_43 = tpu.memref_slice %arg4[%add3A_32, %dma_start3A_42] : memref<3392x96xi32, #tpu.memory_space<hbm>> -> memref<1x96xi32, #tpu.memory_space<hbm>>
    %dma_start3A_44 = tpu.memref_squeeze %dma_start3A_43 : memref<1x96xi32, #tpu.memory_space<hbm>> -> memref<96xi32, #tpu.memory_space<hbm>>
    tpu.enqueue_dma source(%dma_start3A_44 : memref<96xi32, #tpu.memory_space<hbm>>) target(%dma_start3A_41 : memref<96xi32, #tpu.memory_space<vmem>>) target_semaphore(%arg14 : memref<!tpu.dma_semaphore, #tpu.memory_space<semaphore_mem>>)
    %add3A_45 = arith.constant 0 : i32
    %add3A_46 = arith.addi %mul3A_2, %add3A_45 : i32
    %dma_start3A_47 = arith.constant 0 : i32
    %dma_start3A_48 = arith.constant 0 : i32
    %dma_start3A_49 = tpu.memref_slice %arg8[%dma_start3A_47, %dma_start3A_48] : memref<2x96xi32, #tpu.memory_space<vmem>> -> memref<1x96xi32, #tpu.memory_space<vmem>>
    %dma_start3A_50 = tpu.memref_squeeze %dma_start3A_49 : memref<1x96xi32, #tpu.memory_space<vmem>> -> memref<96xi32, #tpu.memory_space<vmem>>
    %dma_start3A_51 = arith.constant 0 : i32
    %dma_start3A_52 = tpu.memref_slice %arg5[%add3A_46, %dma_start3A_51] : memref<3392x96xi32, #tpu.memory_space<hbm>> -> memref<1x96xi32, #tpu.memory_space<hbm>>
    %dma_start3A_53 = tpu.memref_squeeze %dma_start3A_52 : memref<1x96xi32, #tpu.memory_space<hbm>> -> memref<96xi32, #tpu.memory_space<hbm>>
    %dma_start3A_54 = arith.constant 0 : i32
    %dma_start3A_55 = tpu.memref_slice %arg8[%dma_start3A_47, %dma_start3A_54] : memref<2x96xi32, #tpu.memory_space<vmem>> -> memref<1x96xi32, #tpu.memory_space<vmem>>
    %dma_start3A_56 = tpu.memref_squeeze %dma_start3A_55 : memref<1x96xi32, #tpu.memory_space<vmem>> -> memref<96xi32, #tpu.memory_space<vmem>>
    %dma_start3A_57 = arith.constant 0 : i32
    %dma_start3A_58 = tpu.memref_slice %arg5[%add3A_46, %dma_start3A_57] : memref<3392x96xi32, #tpu.memory_space<hbm>> -> memref<1x96xi32, #tpu.memory_space<hbm>>
    %dma_start3A_59 = tpu.memref_squeeze %dma_start3A_58 : memref<1x96xi32, #tpu.memory_space<hbm>> -> memref<96xi32, #tpu.memory_space<hbm>>
    tpu.enqueue_dma source(%dma_start3A_59 : memref<96xi32, #tpu.memory_space<hbm>>) target(%dma_start3A_56 : memref<96xi32, #tpu.memory_space<vmem>>) target_semaphore(%arg14 : memref<!tpu.dma_semaphore, #tpu.memory_space<semaphore_mem>>)
    %add3A_60 = arith.constant 1 : i32
    %add3A_61 = arith.addi %mul3A_2, %add3A_60 : i32
    %dma_start3A_62 = arith.constant 1 : i32
    %dma_start3A_63 = arith.constant 0 : i32
    %dma_start3A_64 = tpu.memref_slice %arg7[%dma_start3A_62, %dma_start3A_63] : memref<2x96xi32, #tpu.memory_space<vmem>> -> memref<1x96xi32, #tpu.memory_space<vmem>>
    %dma_start3A_65 = tpu.memref_squeeze %dma_start3A_64 : memref<1x96xi32, #tpu.memory_space<vmem>> -> memref<96xi32, #tpu.memory_space<vmem>>
    %dma_start3A_66 = arith.constant 0 : i32
    %dma_start3A_67 = tpu.memref_slice %arg4[%add3A_61, %dma_start3A_66] : memref<3392x96xi32, #tpu.memory_space<hbm>> -> memref<1x96xi32, #tpu.memory_space<hbm>>
    %dma_start3A_68 = tpu.memref_squeeze %dma_start3A_67 : memref<1x96xi32, #tpu.memory_space<hbm>> -> memref<96xi32, #tpu.memory_space<hbm>>
    %dma_start3A_69 = arith.constant 0 : i32
    %dma_start3A_70 = tpu.memref_slice %arg7[%dma_start3A_62, %dma_start3A_69] : memref<2x96xi32, #tpu.memory_space<vmem>> -> memref<1x96xi32, #tpu.memory_space<vmem>>
    %dma_start3A_71 = tpu.memref_squeeze %dma_start3A_70 : memref<1x96xi32, #tpu.memory_space<vmem>> -> memref<96xi32, #tpu.memory_space<vmem>>
    %dma_start3A_72 = arith.constant 0 : i32
    %dma_start3A_73 = tpu.memref_slice %arg4[%add3A_61, %dma_start3A_72] : memref<3392x96xi32, #tpu.memory_space<hbm>> -> memref<1x96xi32, #tpu.memory_space<hbm>>
    %dma_start3A_74 = tpu.memref_squeeze %dma_start3A_73 : memref<1x96xi32, #tpu.memory_space<hbm>> -> memref<96xi32, #tpu.memory_space<hbm>>
    tpu.enqueue_dma source(%dma_start3A_74 : memref<96xi32, #tpu.memory_space<hbm>>) target(%dma_start3A_71 : memref<96xi32, #tpu.memory_space<vmem>>) target_semaphore(%arg15 : memref<!tpu.dma_semaphore, #tpu.memory_space<semaphore_mem>>)
    %add3A_75 = arith.constant 1 : i32
    %add3A_76 = arith.addi %mul3A_2, %add3A_75 : i32
    %dma_start3A_77 = arith.constant 1 : i32
    %dma_start3A_78 = arith.constant 0 : i32
    %dma_start3A_79 = tpu.memref_slice %arg8[%dma_start3A_77, %dma_start3A_78] : memref<2x96xi32, #tpu.memory_space<vmem>> -> memref<1x96xi32, #tpu.memory_space<vmem>>
    %dma_start3A_80 = tpu.memref_squeeze %dma_start3A_79 : memref<1x96xi32, #tpu.memory_space<vmem>> -> memref<96xi32, #tpu.memory_space<vmem>>
    %dma_start3A_81 = arith.constant 0 : i32
    %dma_start3A_82 = tpu.memref_slice %arg5[%add3A_76, %dma_start3A_81] : memref<3392x96xi32, #tpu.memory_space<hbm>> -> memref<1x96xi32, #tpu.memory_space<hbm>>
    %dma_start3A_83 = tpu.memref_squeeze %dma_start3A_82 : memref<1x96xi32, #tpu.memory_space<hbm>> -> memref<96xi32, #tpu.memory_space<hbm>>
    %dma_start3A_84 = arith.constant 0 : i32
    %dma_start3A_85 = tpu.memref_slice %arg8[%dma_start3A_77, %dma_start3A_84] : memref<2x96xi32, #tpu.memory_space<vmem>> -> memref<1x96xi32, #tpu.memory_space<vmem>>
    %dma_start3A_86 = tpu.memref_squeeze %dma_start3A_85 : memref<1x96xi32, #tpu.memory_space<vmem>> -> memref<96xi32, #tpu.memory_space<vmem>>
    %dma_start3A_87 = arith.constant 0 : i32
    %dma_start3A_88 = tpu.memref_slice %arg5[%add3A_76, %dma_start3A_87] : memref<3392x96xi32, #tpu.memory_space<hbm>> -> memref<1x96xi32, #tpu.memory_space<hbm>>
    %dma_start3A_89 = tpu.memref_squeeze %dma_start3A_88 : memref<1x96xi32, #tpu.memory_space<hbm>> -> memref<96xi32, #tpu.memory_space<hbm>>
    tpu.enqueue_dma source(%dma_start3A_89 : memref<96xi32, #tpu.memory_space<hbm>>) target(%dma_start3A_86 : memref<96xi32, #tpu.memory_space<vmem>>) target_semaphore(%arg15 : memref<!tpu.dma_semaphore, #tpu.memory_space<semaphore_mem>>)
    %dma_wait3A = arith.constant 0 : i32
    %dma_wait3A_90 = arith.constant 0 : i32
    %dma_wait3A_91 = arith.constant 0 : i32
    %dma_wait3A_92 = tpu.memref_slice %arg7[%dma_wait3A_90, %dma_wait3A_91] : memref<2x96xi32, #tpu.memory_space<vmem>> -> memref<1x96xi32, #tpu.memory_space<vmem>>
    %dma_wait3A_93 = tpu.memref_squeeze %dma_wait3A_92 : memref<1x96xi32, #tpu.memory_space<vmem>> -> memref<96xi32, #tpu.memory_space<vmem>>
    %dma_wait3A_94 = arith.constant 0 : i32
    %dma_wait3A_95 = tpu.memref_slice %arg4[%dma_wait3A, %dma_wait3A_94] : memref<3392x96xi32, #tpu.memory_space<hbm>> -> memref<1x96xi32, #tpu.memory_space<hbm>>
    %dma_wait3A_96 = tpu.memref_squeeze %dma_wait3A_95 : memref<1x96xi32, #tpu.memory_space<hbm>> -> memref<96xi32, #tpu.memory_space<hbm>>
    %dma_wait3A_97 = arith.constant 0 : i32
    %dma_wait3A_98 = tpu.memref_slice %arg7[%dma_wait3A_90, %dma_wait3A_97] : memref<2x96xi32, #tpu.memory_space<vmem>> -> memref<1x96xi32, #tpu.memory_space<vmem>>
    %dma_wait3A_99 = tpu.memref_squeeze %dma_wait3A_98 : memref<1x96xi32, #tpu.memory_space<vmem>> -> memref<96xi32, #tpu.memory_space<vmem>>
    %dma_wait3A_100 = arith.constant 0 : i32
    %dma_wait3A_101 = tpu.memref_slice %arg4[%dma_wait3A, %dma_wait3A_100] : memref<3392x96xi32, #tpu.memory_space<hbm>> -> memref<1x96xi32, #tpu.memory_space<hbm>>
    %dma_wait3A_102 = tpu.memref_squeeze %dma_wait3A_101 : memref<1x96xi32, #tpu.memory_space<hbm>> -> memref<96xi32, #tpu.memory_space<hbm>>
    tpu.wait_dma2 semaphore(%arg14 : memref<!tpu.dma_semaphore, #tpu.memory_space<semaphore_mem>>) src(%dma_wait3A_102 : memref<96xi32, #tpu.memory_space<hbm>>) dst(%dma_wait3A_99 : memref<96xi32, #tpu.memory_space<vmem>>)
    %dma_wait3A_103 = arith.constant 0 : i32
    %dma_wait3A_104 = arith.constant 0 : i32
    %dma_wait3A_105 = arith.constant 0 : i32
    %dma_wait3A_106 = tpu.memref_slice %arg8[%dma_wait3A_104, %dma_wait3A_105] : memref<2x96xi32, #tpu.memory_space<vmem>> -> memref<1x96xi32, #tpu.memory_space<vmem>>
    %dma_wait3A_107 = tpu.memref_squeeze %dma_wait3A_106 : memref<1x96xi32, #tpu.memory_space<vmem>> -> memref<96xi32, #tpu.memory_space<vmem>>
    %dma_wait3A_108 = arith.constant 0 : i32
    %dma_wait3A_109 = tpu.memref_slice %arg4[%dma_wait3A_103, %dma_wait3A_108] : memref<3392x96xi32, #tpu.memory_space<hbm>> -> memref<1x96xi32, #tpu.memory_space<hbm>>
    %dma_wait3A_110 = tpu.memref_squeeze %dma_wait3A_109 : memref<1x96xi32, #tpu.memory_space<hbm>> -> memref<96xi32, #tpu.memory_space<hbm>>
    %dma_wait3A_111 = arith.constant 0 : i32
    %dma_wait3A_112 = tpu.memref_slice %arg8[%dma_wait3A_104, %dma_wait3A_111] : memref<2x96xi32, #tpu.memory_space<vmem>> -> memref<1x96xi32, #tpu.memory_space<vmem>>
    %dma_wait3A_113 = tpu.memref_squeeze %dma_wait3A_112 : memref<1x96xi32, #tpu.memory_space<vmem>> -> memref<96xi32, #tpu.memory_space<vmem>>
    %dma_wait3A_114 = arith.constant 0 : i32
    %dma_wait3A_115 = tpu.memref_slice %arg4[%dma_wait3A_103, %dma_wait3A_114] : memref<3392x96xi32, #tpu.memory_space<hbm>> -> memref<1x96xi32, #tpu.memory_space<hbm>>
    %dma_wait3A_116 = tpu.memref_squeeze %dma_wait3A_115 : memref<1x96xi32, #tpu.memory_space<hbm>> -> memref<96xi32, #tpu.memory_space<hbm>>
    tpu.wait_dma2 semaphore(%arg14 : memref<!tpu.dma_semaphore, #tpu.memory_space<semaphore_mem>>) src(%dma_wait3A_116 : memref<96xi32, #tpu.memory_space<hbm>>) dst(%dma_wait3A_113 : memref<96xi32, #tpu.memory_space<vmem>>)
    %add3A_117 = arith.constant 0 : i32
    %add3A_118 = arith.addi %mul3A_2, %add3A_117 : i32
    %mul3A_119 = arith.constant 96 : i32
    %mul3A_120 = arith.muli %add3A_118, %mul3A_119 : i32
    %dma_start3A_121 = arith.constant 0 : i32
    %dma_start3A_122 = arith.constant 0 : i32
    %dma_start3A_123 = arith.constant 0 : i32
    %dma_start3A_124 = tpu.memref_slice %arg9[%dma_start3A_121, %dma_start3A_122, %dma_start3A_123] : memref<2x96x128xf32, #tpu.memory_space<vmem>> -> memref<1x96x128xf32, #tpu.memory_space<vmem>>
    %dma_start3A_125 = tpu.memref_squeeze %dma_start3A_124 : memref<1x96x128xf32, #tpu.memory_space<vmem>> -> memref<96x128xf32, #tpu.memory_space<vmem>>
    %dma_start3A_126 = arith.constant 0 : i32
    %dma_start3A_127 = tpu.memref_slice %arg3[%mul3A_120, %dma_start3A_126] : memref<325632x128xf32, #tpu.memory_space<hbm>> -> memref<96x128xf32, #tpu.memory_space<hbm>>
    %dma_start3A_128 = arith.constant 0 : i32
    %dma_start3A_129 = arith.constant 0 : i32
    %dma_start3A_130 = tpu.memref_slice %arg9[%dma_start3A_121, %dma_start3A_128, %dma_start3A_129] : memref<2x96x128xf32, #tpu.memory_space<vmem>> -> memref<1x96x128xf32, #tpu.memory_space<vmem>>
    %dma_start3A_131 = tpu.memref_squeeze %dma_start3A_130 : memref<1x96x128xf32, #tpu.memory_space<vmem>> -> memref<96x128xf32, #tpu.memory_space<vmem>>
    %dma_start3A_132 = arith.constant 0 : i32
    %dma_start3A_133 = tpu.memref_slice %arg3[%mul3A_120, %dma_start3A_132] : memref<325632x128xf32, #tpu.memory_space<hbm>> -> memref<96x128xf32, #tpu.memory_space<hbm>>
    tpu.enqueue_dma source(%dma_start3A_133 : memref<96x128xf32, #tpu.memory_space<hbm>>) target(%dma_start3A_131 : memref<96x128xf32, #tpu.memory_space<vmem>>) target_semaphore(%arg12 : memref<!tpu.dma_semaphore, #tpu.memory_space<semaphore_mem>>)
    %dma_start3A_134 = arith.constant 0 : i32
    %dma_start3A_135 = arith.constant 0 : i32
    %dma_start3A_136 = arith.constant 0 : i32
    %dma_start3A_137 = arith.constant 0 : i32
    %dma_start3A_138 = tpu.memref_slice %arg10[%dma_start3A_135, %dma_start3A_136, %dma_start3A_137] : memref<2x96x128xf32, #tpu.memory_space<vmem>> -> memref<1x48x128xf32, #tpu.memory_space<vmem>>
    %dma_start3A_139 = tpu.memref_squeeze %dma_start3A_138 : memref<1x48x128xf32, #tpu.memory_space<vmem>> -> memref<48x128xf32, #tpu.memory_space<vmem>>
    %dma_start3A_140 = arith.constant 0 : i32
    %dma_start3A_141 = tpu.memref_slice %arg7[%dma_start3A_134, %dma_start3A_140] : memref<2x96xi32, #tpu.memory_space<vmem>> -> memref<1x48xi32, #tpu.memory_space<vmem>>
    %dma_start3A_142 = tpu.memref_squeeze %dma_start3A_141 : memref<1x48xi32, #tpu.memory_space<vmem>> -> memref<48xi32, #tpu.memory_space<vmem>>
    %dma_start3A_143 = arith.constant 0 : i32
    %dma_start3A_144 = arith.constant 0 : i32
    %dma_start3A_145 = tpu.memref_slice %arg2[%dma_start3A_143, %dma_start3A_144] : memref<10240x128xf32, #tpu.memory_space<hbm>> -> memref<10240x128xf32, #tpu.memory_space<hbm>>
    tpu.enqueue_indirect_dma source(%dma_start3A_145 : memref<10240x128xf32, #tpu.memory_space<hbm>>) target(%dma_start3A_139 : memref<48x128xf32, #tpu.memory_space<vmem>>) offsets(%dma_start3A_142 : memref<48xi32, #tpu.memory_space<vmem>>) semaphore(%arg12 : memref<!tpu.dma_semaphore, #tpu.memory_space<semaphore_mem>>)
    %dma_start3A_146 = arith.constant 0 : i32
    %dma_start3A_147 = arith.constant 0 : i32
    %dma_start3A_148 = arith.constant 48 : i32
    %dma_start3A_149 = arith.constant 0 : i32
    %dma_start3A_150 = tpu.memref_slice %arg10[%dma_start3A_147, %dma_start3A_148, %dma_start3A_149] : memref<2x96x128xf32, #tpu.memory_space<vmem>> -> memref<1x48x128xf32, #tpu.memory_space<vmem>>
    %dma_start3A_151 = tpu.memref_squeeze %dma_start3A_150 : memref<1x48x128xf32, #tpu.memory_space<vmem>> -> memref<48x128xf32, #tpu.memory_space<vmem>>
    %dma_start3A_152 = arith.constant 48 : i32
    %dma_start3A_153 = tpu.memref_slice %arg7[%dma_start3A_146, %dma_start3A_152] : memref<2x96xi32, #tpu.memory_space<vmem>> -> memref<1x48xi32, #tpu.memory_space<vmem>>
    %dma_start3A_154 = tpu.memref_squeeze %dma_start3A_153 : memref<1x48xi32, #tpu.memory_space<vmem>> -> memref<48xi32, #tpu.memory_space<vmem>>
    %dma_start3A_155 = arith.constant 0 : i32
    %dma_start3A_156 = arith.constant 0 : i32
    %dma_start3A_157 = tpu.memref_slice %arg2[%dma_start3A_155, %dma_start3A_156] : memref<10240x128xf32, #tpu.memory_space<hbm>> -> memref<10240x128xf32, #tpu.memory_space<hbm>>
    tpu.enqueue_indirect_dma source(%dma_start3A_157 : memref<10240x128xf32, #tpu.memory_space<hbm>>) target(%dma_start3A_151 : memref<48x128xf32, #tpu.memory_space<vmem>>) offsets(%dma_start3A_154 : memref<48xi32, #tpu.memory_space<vmem>>) semaphore(%arg12 : memref<!tpu.dma_semaphore, #tpu.memory_space<semaphore_mem>>)
    %scan3A_158 = arith.constant 0 : i32
    %scan3A_159 = arith.constant 0 : i32
    %scan3A_160 = arith.constant 53 : i32
    %scan3A_161 = arith.addi %scan3A_159, %scan3A_160 : i32
    %scan3A_162 = arith.constant 1 : i32
    %scan3A_163 = scf.for %scan3A_180 = %scan3A_159 to %scan3A_161 step %scan3A_162 iter_args(%scan3A_181 = %scan3A_158) -> (i32)  : i32 {
      %mul3A_182 = arith.constant 2 : i32
      %mul3A_183 = arith.muli %scan3A_180, %mul3A_182 : i32
      %add3A_184 = arith.constant 0 : i32
      %add3A_185 = arith.addi %mul3A_183, %add3A_184 : i32
      %add3A_186 = arith.constant 1 : i32
      %add3A_187 = arith.addi %add3A_185, %add3A_186 : i32
      %lt3A = arith.constant 106 : i32
      %lt3A_188 = arith.cmpi slt, %add3A_187, %lt3A : i32
      %convert_element_type3A = arith.extui %lt3A_188 : i1 to i32
      %cond3A = arith.constant 0 : i32
      %cond3A_189 = arith.cmpi ne, %convert_element_type3A, %cond3A : i32
      scf.if %cond3A_189 {
        %dma_wait3A_324 = arith.constant 0 : i32
        %dma_wait3A_325 = arith.constant 1 : i32
        %dma_wait3A_326 = arith.constant 0 : i32
        %dma_wait3A_327 = tpu.memref_slice %arg7[%dma_wait3A_325, %dma_wait3A_326] : memref<2x96xi32, #tpu.memory_space<vmem>> -> memref<1x96xi32, #tpu.memory_space<vmem>>
        %dma_wait3A_328 = tpu.memref_squeeze %dma_wait3A_327 : memref<1x96xi32, #tpu.memory_space<vmem>> -> memref<96xi32, #tpu.memory_space<vmem>>
        %dma_wait3A_329 = arith.constant 0 : i32
        %dma_wait3A_330 = tpu.memref_slice %arg4[%dma_wait3A_324, %dma_wait3A_329] : memref<3392x96xi32, #tpu.memory_space<hbm>> -> memref<1x96xi32, #tpu.memory_space<hbm>>
        %dma_wait3A_331 = tpu.memref_squeeze %dma_wait3A_330 : memref<1x96xi32, #tpu.memory_space<hbm>> -> memref<96xi32, #tpu.memory_space<hbm>>
        %dma_wait3A_332 = arith.constant 0 : i32
        %dma_wait3A_333 = tpu.memref_slice %arg7[%dma_wait3A_325, %dma_wait3A_332] : memref<2x96xi32, #tpu.memory_space<vmem>> -> memref<1x96xi32, #tpu.memory_space<vmem>>
        %dma_wait3A_334 = tpu.memref_squeeze %dma_wait3A_333 : memref<1x96xi32, #tpu.memory_space<vmem>> -> memref<96xi32, #tpu.memory_space<vmem>>
        %dma_wait3A_335 = arith.constant 0 : i32
        %dma_wait3A_336 = tpu.memref_slice %arg4[%dma_wait3A_324, %dma_wait3A_335] : memref<3392x96xi32, #tpu.memory_space<hbm>> -> memref<1x96xi32, #tpu.memory_space<hbm>>
        %dma_wait3A_337 = tpu.memref_squeeze %dma_wait3A_336 : memref<1x96xi32, #tpu.memory_space<hbm>> -> memref<96xi32, #tpu.memory_space<hbm>>
        tpu.wait_dma2 semaphore(%arg15 : memref<!tpu.dma_semaphore, #tpu.memory_space<semaphore_mem>>) src(%dma_wait3A_337 : memref<96xi32, #tpu.memory_space<hbm>>) dst(%dma_wait3A_334 : memref<96xi32, #tpu.memory_space<vmem>>)
        %dma_wait3A_338 = arith.constant 0 : i32
        %dma_wait3A_339 = arith.constant 1 : i32
        %dma_wait3A_340 = arith.constant 0 : i32
        %dma_wait3A_341 = tpu.memref_slice %arg8[%dma_wait3A_339, %dma_wait3A_340] : memref<2x96xi32, #tpu.memory_space<vmem>> -> memref<1x96xi32, #tpu.memory_space<vmem>>
        %dma_wait3A_342 = tpu.memref_squeeze %dma_wait3A_341 : memref<1x96xi32, #tpu.memory_space<vmem>> -> memref<96xi32, #tpu.memory_space<vmem>>
        %dma_wait3A_343 = arith.constant 0 : i32
        %dma_wait3A_344 = tpu.memref_slice %arg4[%dma_wait3A_338, %dma_wait3A_343] : memref<3392x96xi32, #tpu.memory_space<hbm>> -> memref<1x96xi32, #tpu.memory_space<hbm>>
        %dma_wait3A_345 = tpu.memref_squeeze %dma_wait3A_344 : memref<1x96xi32, #tpu.memory_space<hbm>> -> memref<96xi32, #tpu.memory_space<hbm>>
        %dma_wait3A_346 = arith.constant 0 : i32
        %dma_wait3A_347 = tpu.memref_slice %arg8[%dma_wait3A_339, %dma_wait3A_346] : memref<2x96xi32, #tpu.memory_space<vmem>> -> memref<1x96xi32, #tpu.memory_space<vmem>>
        %dma_wait3A_348 = tpu.memref_squeeze %dma_wait3A_347 : memref<1x96xi32, #tpu.memory_space<vmem>> -> memref<96xi32, #tpu.memory_space<vmem>>
        %dma_wait3A_349 = arith.constant 0 : i32
        %dma_wait3A_350 = tpu.memref_slice %arg4[%dma_wait3A_338, %dma_wait3A_349] : memref<3392x96xi32, #tpu.memory_space<hbm>> -> memref<1x96xi32, #tpu.memory_space<hbm>>
        %dma_wait3A_351 = tpu.memref_squeeze %dma_wait3A_350 : memref<1x96xi32, #tpu.memory_space<hbm>> -> memref<96xi32, #tpu.memory_space<hbm>>
        tpu.wait_dma2 semaphore(%arg15 : memref<!tpu.dma_semaphore, #tpu.memory_space<semaphore_mem>>) src(%dma_wait3A_351 : memref<96xi32, #tpu.memory_space<hbm>>) dst(%dma_wait3A_348 : memref<96xi32, #tpu.memory_space<vmem>>)
        %add3A_352 = arith.constant 1 : i32
        %add3A_353 = arith.addi %add3A_185, %add3A_352 : i32
        %add3A_354 = arith.addi %mul3A_2, %add3A_353 : i32
        %mul3A_355 = arith.constant 96 : i32
        %mul3A_356 = arith.muli %add3A_354, %mul3A_355 : i32
        %dma_start3A_357 = arith.constant 1 : i32
        %dma_start3A_358 = arith.constant 0 : i32
        %dma_start3A_359 = arith.constant 0 : i32
        %dma_start3A_360 = tpu.memref_slice %arg9[%dma_start3A_357, %dma_start3A_358, %dma_start3A_359] : memref<2x96x128xf32, #tpu.memory_space<vmem>> -> memref<1x96x128xf32, #tpu.memory_space<vmem>>
        %dma_start3A_361 = tpu.memref_squeeze %dma_start3A_360 : memref<1x96x128xf32, #tpu.memory_space<vmem>> -> memref<96x128xf32, #tpu.memory_space<vmem>>
        %dma_start3A_362 = arith.constant 0 : i32
        %dma_start3A_363 = tpu.memref_slice %arg3[%mul3A_356, %dma_start3A_362] : memref<325632x128xf32, #tpu.memory_space<hbm>> -> memref<96x128xf32, #tpu.memory_space<hbm>>
        %dma_start3A_364 = arith.constant 0 : i32
        %dma_start3A_365 = arith.constant 0 : i32
        %dma_start3A_366 = tpu.memref_slice %arg9[%dma_start3A_357, %dma_start3A_364, %dma_start3A_365] : memref<2x96x128xf32, #tpu.memory_space<vmem>> -> memref<1x96x128xf32, #tpu.memory_space<vmem>>
        %dma_start3A_367 = tpu.memref_squeeze %dma_start3A_366 : memref<1x96x128xf32, #tpu.memory_space<vmem>> -> memref<96x128xf32, #tpu.memory_space<vmem>>
        %dma_start3A_368 = arith.constant 0 : i32
        %dma_start3A_369 = tpu.memref_slice %arg3[%mul3A_356, %dma_start3A_368] : memref<325632x128xf32, #tpu.memory_space<hbm>> -> memref<96x128xf32, #tpu.memory_space<hbm>>
        tpu.enqueue_dma source(%dma_start3A_369 : memref<96x128xf32, #tpu.memory_space<hbm>>) target(%dma_start3A_367 : memref<96x128xf32, #tpu.memory_space<vmem>>) target_semaphore(%arg13 : memref<!tpu.dma_semaphore, #tpu.memory_space<semaphore_mem>>)
        %dma_start3A_370 = arith.constant 1 : i32
        %dma_start3A_371 = arith.constant 1 : i32
        %dma_start3A_372 = arith.constant 0 : i32
        %dma_start3A_373 = arith.constant 0 : i32
        %dma_start3A_374 = tpu.memref_slice %arg10[%dma_start3A_371, %dma_start3A_372, %dma_start3A_373] : memref<2x96x128xf32, #tpu.memory_space<vmem>> -> memref<1x48x128xf32, #tpu.memory_space<vmem>>
        %dma_start3A_375 = tpu.memref_squeeze %dma_start3A_374 : memref<1x48x128xf32, #tpu.memory_space<vmem>> -> memref<48x128xf32, #tpu.memory_space<vmem>>
        %dma_start3A_376 = arith.constant 0 : i32
        %dma_start3A_377 = tpu.memref_slice %arg7[%dma_start3A_370, %dma_start3A_376] : memref<2x96xi32, #tpu.memory_space<vmem>> -> memref<1x48xi32, #tpu.memory_space<vmem>>
        %dma_start3A_378 = tpu.memref_squeeze %dma_start3A_377 : memref<1x48xi32, #tpu.memory_space<vmem>> -> memref<48xi32, #tpu.memory_space<vmem>>
        %dma_start3A_379 = arith.constant 0 : i32
        %dma_start3A_380 = arith.constant 0 : i32
        %dma_start3A_381 = tpu.memref_slice %arg2[%dma_start3A_379, %dma_start3A_380] : memref<10240x128xf32, #tpu.memory_space<hbm>> -> memref<10240x128xf32, #tpu.memory_space<hbm>>
        tpu.enqueue_indirect_dma source(%dma_start3A_381 : memref<10240x128xf32, #tpu.memory_space<hbm>>) target(%dma_start3A_375 : memref<48x128xf32, #tpu.memory_space<vmem>>) offsets(%dma_start3A_378 : memref<48xi32, #tpu.memory_space<vmem>>) semaphore(%arg13 : memref<!tpu.dma_semaphore, #tpu.memory_space<semaphore_mem>>)
        %dma_start3A_382 = arith.constant 1 : i32
        %dma_start3A_383 = arith.constant 1 : i32
        %dma_start3A_384 = arith.constant 48 : i32
        %dma_start3A_385 = arith.constant 0 : i32
        %dma_start3A_386 = tpu.memref_slice %arg10[%dma_start3A_383, %dma_start3A_384, %dma_start3A_385] : memref<2x96x128xf32, #tpu.memory_space<vmem>> -> memref<1x48x128xf32, #tpu.memory_space<vmem>>
        %dma_start3A_387 = tpu.memref_squeeze %dma_start3A_386 : memref<1x48x128xf32, #tpu.memory_space<vmem>> -> memref<48x128xf32, #tpu.memory_space<vmem>>
        %dma_start3A_388 = arith.constant 48 : i32
        %dma_start3A_389 = tpu.memref_slice %arg7[%dma_start3A_382, %dma_start3A_388] : memref<2x96xi32, #tpu.memory_space<vmem>> -> memref<1x48xi32, #tpu.memory_space<vmem>>
        %dma_start3A_390 = tpu.memref_squeeze %dma_start3A_389 : memref<1x48xi32, #tpu.memory_space<vmem>> -> memref<48xi32, #tpu.memory_space<vmem>>
        %dma_start3A_391 = arith.constant 0 : i32
        %dma_start3A_392 = arith.constant 0 : i32
        %dma_start3A_393 = tpu.memref_slice %arg2[%dma_start3A_391, %dma_start3A_392] : memref<10240x128xf32, #tpu.memory_space<hbm>> -> memref<10240x128xf32, #tpu.memory_space<hbm>>
        tpu.enqueue_indirect_dma source(%dma_start3A_393 : memref<10240x128xf32, #tpu.memory_space<hbm>>) target(%dma_start3A_387 : memref<48x128xf32, #tpu.memory_space<vmem>>) offsets(%dma_start3A_390 : memref<48xi32, #tpu.memory_space<vmem>>) semaphore(%arg13 : memref<!tpu.dma_semaphore, #tpu.memory_space<semaphore_mem>>)
      } else {
      }
      %dma_wait3A_190 = arith.constant 0 : i32
      %dma_wait3A_191 = arith.constant 0 : i32
      %dma_wait3A_192 = arith.constant 0 : i32
      %dma_wait3A_193 = tpu.memref_slice %arg9[%dma_wait3A_190, %dma_wait3A_191, %dma_wait3A_192] : memref<2x96x128xf32, #tpu.memory_space<vmem>> -> memref<1x96x128xf32, #tpu.memory_space<vmem>>
      %dma_wait3A_194 = tpu.memref_squeeze %dma_wait3A_193 : memref<1x96x128xf32, #tpu.memory_space<vmem>> -> memref<96x128xf32, #tpu.memory_space<vmem>>
      %dma_wait3A_195 = arith.constant 0 : i32
      %dma_wait3A_196 = arith.constant 0 : i32
      %dma_wait3A_197 = tpu.memref_slice %arg3[%dma_wait3A_195, %dma_wait3A_196] : memref<325632x128xf32, #tpu.memory_space<hbm>> -> memref<96x128xf32, #tpu.memory_space<hbm>>
      %dma_wait3A_198 = arith.constant 0 : i32
      %dma_wait3A_199 = arith.constant 0 : i32
      %dma_wait3A_200 = tpu.memref_slice %arg9[%dma_wait3A_190, %dma_wait3A_198, %dma_wait3A_199] : memref<2x96x128xf32, #tpu.memory_space<vmem>> -> memref<1x96x128xf32, #tpu.memory_space<vmem>>
      %dma_wait3A_201 = tpu.memref_squeeze %dma_wait3A_200 : memref<1x96x128xf32, #tpu.memory_space<vmem>> -> memref<96x128xf32, #tpu.memory_space<vmem>>
      %dma_wait3A_202 = arith.constant 0 : i32
      %dma_wait3A_203 = arith.constant 0 : i32
      %dma_wait3A_204 = tpu.memref_slice %arg3[%dma_wait3A_202, %dma_wait3A_203] : memref<325632x128xf32, #tpu.memory_space<hbm>> -> memref<96x128xf32, #tpu.memory_space<hbm>>
      tpu.wait_dma2 semaphore(%arg12 : memref<!tpu.dma_semaphore, #tpu.memory_space<semaphore_mem>>) src(%dma_wait3A_204 : memref<96x128xf32, #tpu.memory_space<hbm>>) dst(%dma_wait3A_201 : memref<96x128xf32, #tpu.memory_space<vmem>>)
      %dma_wait3A_205 = arith.constant 0 : i32
      %dma_wait3A_206 = arith.constant 0 : i32
      %dma_wait3A_207 = arith.constant 0 : i32
      %dma_wait3A_208 = tpu.memref_slice %arg10[%dma_wait3A_205, %dma_wait3A_206, %dma_wait3A_207] : memref<2x96x128xf32, #tpu.memory_space<vmem>> -> memref<1x48x128xf32, #tpu.memory_space<vmem>>
      %dma_wait3A_209 = tpu.memref_squeeze %dma_wait3A_208 : memref<1x48x128xf32, #tpu.memory_space<vmem>> -> memref<48x128xf32, #tpu.memory_space<vmem>>
      %dma_wait3A_210 = arith.constant 0 : i32
      %dma_wait3A_211 = arith.constant 0 : i32
      %dma_wait3A_212 = tpu.memref_slice %arg3[%dma_wait3A_210, %dma_wait3A_211] : memref<325632x128xf32, #tpu.memory_space<hbm>> -> memref<48x128xf32, #tpu.memory_space<hbm>>
      %dma_wait3A_213 = arith.constant 0 : i32
      %dma_wait3A_214 = arith.constant 0 : i32
      %dma_wait3A_215 = tpu.memref_slice %arg10[%dma_wait3A_205, %dma_wait3A_213, %dma_wait3A_214] : memref<2x96x128xf32, #tpu.memory_space<vmem>> -> memref<1x48x128xf32, #tpu.memory_space<vmem>>
      %dma_wait3A_216 = tpu.memref_squeeze %dma_wait3A_215 : memref<1x48x128xf32, #tpu.memory_space<vmem>> -> memref<48x128xf32, #tpu.memory_space<vmem>>
      %dma_wait3A_217 = arith.constant 0 : i32
      %dma_wait3A_218 = arith.constant 0 : i32
      %dma_wait3A_219 = tpu.memref_slice %arg3[%dma_wait3A_217, %dma_wait3A_218] : memref<325632x128xf32, #tpu.memory_space<hbm>> -> memref<48x128xf32, #tpu.memory_space<hbm>>
      tpu.wait_dma2 semaphore(%arg12 : memref<!tpu.dma_semaphore, #tpu.memory_space<semaphore_mem>>) src(%dma_wait3A_219 : memref<48x128xf32, #tpu.memory_space<hbm>>) dst(%dma_wait3A_216 : memref<48x128xf32, #tpu.memory_space<vmem>>)
      %dma_wait3A_220 = arith.constant 0 : i32
      %dma_wait3A_221 = arith.constant 0 : i32
      %dma_wait3A_222 = arith.constant 0 : i32
      %dma_wait3A_223 = tpu.memref_slice %arg10[%dma_wait3A_220, %dma_wait3A_221, %dma_wait3A_222] : memref<2x96x128xf32, #tpu.memory_space<vmem>> -> memref<1x48x128xf32, #tpu.memory_space<vmem>>
      %dma_wait3A_224 = tpu.memref_squeeze %dma_wait3A_223 : memref<1x48x128xf32, #tpu.memory_space<vmem>> -> memref<48x128xf32, #tpu.memory_space<vmem>>
      %dma_wait3A_225 = arith.constant 0 : i32
      %dma_wait3A_226 = arith.constant 0 : i32
      %dma_wait3A_227 = tpu.memref_slice %arg3[%dma_wait3A_225, %dma_wait3A_226] : memref<325632x128xf32, #tpu.memory_space<hbm>> -> memref<48x128xf32, #tpu.memory_space<hbm>>
      %dma_wait3A_228 = arith.constant 0 : i32
      %dma_wait3A_229 = arith.constant 0 : i32
      %dma_wait3A_230 = tpu.memref_slice %arg10[%dma_wait3A_220, %dma_wait3A_228, %dma_wait3A_229] : memref<2x96x128xf32, #tpu.memory_space<vmem>> -> memref<1x48x128xf32, #tpu.memory_space<vmem>>
      %dma_wait3A_231 = tpu.memref_squeeze %dma_wait3A_230 : memref<1x48x128xf32, #tpu.memory_space<vmem>> -> memref<48x128xf32, #tpu.memory_space<vmem>>
      %dma_wait3A_232 = arith.constant 0 : i32
      %dma_wait3A_233 = arith.constant 0 : i32
      %dma_wait3A_234 = tpu.memref_slice %arg3[%dma_wait3A_232, %dma_wait3A_233] : memref<325632x128xf32, #tpu.memory_space<hbm>> -> memref<48x128xf32, #tpu.memory_space<hbm>>
      tpu.wait_dma2 semaphore(%arg12 : memref<!tpu.dma_semaphore, #tpu.memory_space<semaphore_mem>>) src(%dma_wait3A_234 : memref<48x128xf32, #tpu.memory_space<hbm>>) dst(%dma_wait3A_231 : memref<48x128xf32, #tpu.memory_space<vmem>>)
      %scan3A_235 = arith.constant 0 : i32
      %scan3A_236 = arith.constant 0 : i32
      %scan3A_237 = arith.constant 96 : i32
      %scan3A_238 = arith.addi %scan3A_236, %scan3A_237 : i32
      %scan3A_239 = arith.constant 1 : i32
      %scan3A_240 = scf.for %scan3A_324 = %scan3A_236 to %scan3A_238 step %scan3A_239 iter_args(%scan3A_325 = %scan3A_235) -> (i32)  : i32 {
        %get3A = arith.constant 0 : i32
        %get3A_326 = arith.index_cast %get3A : i32 to index
        %get3A_327 = arith.index_cast %scan3A_324 : i32 to index
        %get3A_328 = arith.constant 0 : index
        %get3A_329 = tpu.vector_load %arg10[%get3A_326, %get3A_327, %get3A_328] {strides = array<i32>} : memref<2x96x128xf32, #tpu.memory_space<vmem>>, vector<1x1x16xf32>,
        %get3A_330 = vector.shape_cast %get3A_329 : vector<1x1x16xf32> to vector<16xf32>
        %get3A_331 = arith.constant 0 : i32
        %get3A_332 = arith.index_cast %get3A_331 : i32 to index
        %get3A_333 = arith.index_cast %scan3A_324 : i32 to index
        %get3A_334 = arith.constant 0 : index
        %get3A_335 = tpu.vector_load %arg9[%get3A_332, %get3A_333, %get3A_334] {strides = array<i32>} : memref<2x96x128xf32, #tpu.memory_space<vmem>>, vector<1x1x16xf32>,
        %get3A_336 = vector.shape_cast %get3A_335 : vector<1x1x16xf32> to vector<16xf32>
        %mul3A_337 = arith.mulf %get3A_330, %get3A_336 : vector<16xf32>
        %swap3A = arith.constant 0 : i32
        %swap3A_338 = arith.index_cast %swap3A : i32 to index
        %swap3A_339 = arith.index_cast %scan3A_324 : i32 to index
        %swap3A_340 = arith.constant 0 : index
        %swap3A_341 = tpu.vector_load %arg10[%swap3A_338, %swap3A_339, %swap3A_340] {strides = array<i32>} : memref<2x96x128xf32, #tpu.memory_space<vmem>>, vector<1x1x16xf32>,
        %swap3A_342 = vector.shape_cast %swap3A_341 : vector<1x1x16xf32> to vector<16xf32>
        %swap3A_343 = vector.shape_cast %mul3A_337 : vector<16xf32> to vector<1x1x16xf32>
        tpu.vector_store %arg10[%swap3A_338, %swap3A_339, %swap3A_340], %swap3A_343 {strides = array<i32>} : memref<2x96x128xf32, #tpu.memory_space<vmem>>, vector<1x1x16xf32>,
        %get3A_344 = arith.constant 0 : i32
        %get3A_345 = arith.index_cast %get3A_344 : i32 to index
        %get3A_346 = arith.index_cast %scan3A_324 : i32 to index
        %get3A_347 = arith.constant 16 : index
        %get3A_348 = tpu.vector_load %arg10[%get3A_345, %get3A_346, %get3A_347] {strides = array<i32>} : memref<2x96x128xf32, #tpu.memory_space<vmem>>, vector<1x1x16xf32>,
        %get3A_349 = vector.shape_cast %get3A_348 : vector<1x1x16xf32> to vector<16xf32>
        %get3A_350 = arith.constant 0 : i32
        %get3A_351 = arith.index_cast %get3A_350 : i32 to index
        %get3A_352 = arith.index_cast %scan3A_324 : i32 to index
        %get3A_353 = arith.constant 16 : index
        %get3A_354 = tpu.vector_load %arg9[%get3A_351, %get3A_352, %get3A_353] {strides = array<i32>} : memref<2x96x128xf32, #tpu.memory_space<vmem>>, vector<1x1x16xf32>,
        %get3A_355 = vector.shape_cast %get3A_354 : vector<1x1x16xf32> to vector<16xf32>
        %mul3A_356 = arith.mulf %get3A_349, %get3A_355 : vector<16xf32>
        %swap3A_357 = arith.constant 0 : i32
        %swap3A_358 = arith.index_cast %swap3A_357 : i32 to index
        %swap3A_359 = arith.index_cast %scan3A_324 : i32 to index
        %swap3A_360 = arith.constant 16 : index
        %swap3A_361 = tpu.vector_load %arg10[%swap3A_358, %swap3A_359, %swap3A_360] {strides = array<i32>} : memref<2x96x128xf32, #tpu.memory_space<vmem>>, vector<1x1x16xf32>,
        %swap3A_362 = vector.shape_cast %swap3A_361 : vector<1x1x16xf32> to vector<16xf32>
        %swap3A_363 = vector.shape_cast %mul3A_356 : vector<16xf32> to vector<1x1x16xf32>
        tpu.vector_store %arg10[%swap3A_358, %swap3A_359, %swap3A_360], %swap3A_363 {strides = array<i32>} : memref<2x96x128xf32, #tpu.memory_space<vmem>>, vector<1x1x16xf32>,
        %get3A_364 = arith.constant 0 : i32
        %get3A_365 = arith.index_cast %get3A_364 : i32 to index
        %get3A_366 = arith.index_cast %scan3A_324 : i32 to index
        %get3A_367 = arith.constant 32 : index
        %get3A_368 = tpu.vector_load %arg10[%get3A_365, %get3A_366, %get3A_367] {strides = array<i32>} : memref<2x96x128xf32, #tpu.memory_space<vmem>>, vector<1x1x16xf32>,
        %get3A_369 = vector.shape_cast %get3A_368 : vector<1x1x16xf32> to vector<16xf32>
        %get3A_370 = arith.constant 0 : i32
        %get3A_371 = arith.index_cast %get3A_370 : i32 to index
        %get3A_372 = arith.index_cast %scan3A_324 : i32 to index
        %get3A_373 = arith.constant 32 : index
        %get3A_374 = tpu.vector_load %arg9[%get3A_371, %get3A_372, %get3A_373] {strides = array<i32>} : memref<2x96x128xf32, #tpu.memory_space<vmem>>, vector<1x1x16xf32>,
        %get3A_375 = vector.shape_cast %get3A_374 : vector<1x1x16xf32> to vector<16xf32>
        %mul3A_376 = arith.mulf %get3A_369, %get3A_375 : vector<16xf32>
        %swap3A_377 = arith.constant 0 : i32
        %swap3A_378 = arith.index_cast %swap3A_377 : i32 to index
        %swap3A_379 = arith.index_cast %scan3A_324 : i32 to index
        %swap3A_380 = arith.constant 32 : index
        %swap3A_381 = tpu.vector_load %arg10[%swap3A_378, %swap3A_379, %swap3A_380] {strides = array<i32>} : memref<2x96x128xf32, #tpu.memory_space<vmem>>, vector<1x1x16xf32>,
        %swap3A_382 = vector.shape_cast %swap3A_381 : vector<1x1x16xf32> to vector<16xf32>
        %swap3A_383 = vector.shape_cast %mul3A_376 : vector<16xf32> to vector<1x1x16xf32>
        tpu.vector_store %arg10[%swap3A_378, %swap3A_379, %swap3A_380], %swap3A_383 {strides = array<i32>} : memref<2x96x128xf32, #tpu.memory_space<vmem>>, vector<1x1x16xf32>,
        %get3A_384 = arith.constant 0 : i32
        %get3A_385 = arith.index_cast %get3A_384 : i32 to index
        %get3A_386 = arith.index_cast %scan3A_324 : i32 to index
        %get3A_387 = arith.constant 48 : index
        %get3A_388 = tpu.vector_load %arg10[%get3A_385, %get3A_386, %get3A_387] {strides = array<i32>} : memref<2x96x128xf32, #tpu.memory_space<vmem>>, vector<1x1x16xf32>,
        %get3A_389 = vector.shape_cast %get3A_388 : vector<1x1x16xf32> to vector<16xf32>
        %get3A_390 = arith.constant 0 : i32
        %get3A_391 = arith.index_cast %get3A_390 : i32 to index
        %get3A_392 = arith.index_cast %scan3A_324 : i32 to index
        %get3A_393 = arith.constant 48 : index
        %get3A_394 = tpu.vector_load %arg9[%get3A_391, %get3A_392, %get3A_393] {strides = array<i32>} : memref<2x96x128xf32, #tpu.memory_space<vmem>>, vector<1x1x16xf32>,
        %get3A_395 = vector.shape_cast %get3A_394 : vector<1x1x16xf32> to vector<16xf32>
        %mul3A_396 = arith.mulf %get3A_389, %get3A_395 : vector<16xf32>
        %swap3A_397 = arith.constant 0 : i32
        %swap3A_398 = arith.index_cast %swap3A_397 : i32 to index
        %swap3A_399 = arith.index_cast %scan3A_324 : i32 to index
        %swap3A_400 = arith.constant 48 : index
        %swap3A_401 = tpu.vector_load %arg10[%swap3A_398, %swap3A_399, %swap3A_400] {strides = array<i32>} : memref<2x96x128xf32, #tpu.memory_space<vmem>>, vector<1x1x16xf32>,
        %swap3A_402 = vector.shape_cast %swap3A_401 : vector<1x1x16xf32> to vector<16xf32>
        %swap3A_403 = vector.shape_cast %mul3A_396 : vector<16xf32> to vector<1x1x16xf32>
        tpu.vector_store %arg10[%swap3A_398, %swap3A_399, %swap3A_400], %swap3A_403 {strides = array<i32>} : memref<2x96x128xf32, #tpu.memory_space<vmem>>, vector<1x1x16xf32>,
        %get3A_404 = arith.constant 0 : i32
        %get3A_405 = arith.index_cast %get3A_404 : i32 to index
        %get3A_406 = arith.index_cast %scan3A_324 : i32 to index
        %get3A_407 = arith.constant 64 : index
        %get3A_408 = tpu.vector_load %arg10[%get3A_405, %get3A_406, %get3A_407] {strides = array<i32>} : memref<2x96x128xf32, #tpu.memory_space<vmem>>, vector<1x1x16xf32>,
        %get3A_409 = vector.shape_cast %get3A_408 : vector<1x1x16xf32> to vector<16xf32>
        %get3A_410 = arith.constant 0 : i32
        %get3A_411 = arith.index_cast %get3A_410 : i32 to index
        %get3A_412 = arith.index_cast %scan3A_324 : i32 to index
        %get3A_413 = arith.constant 64 : index
        %get3A_414 = tpu.vector_load %arg9[%get3A_411, %get3A_412, %get3A_413] {strides = array<i32>} : memref<2x96x128xf32, #tpu.memory_space<vmem>>, vector<1x1x16xf32>,
        %get3A_415 = vector.shape_cast %get3A_414 : vector<1x1x16xf32> to vector<16xf32>
        %mul3A_416 = arith.mulf %get3A_409, %get3A_415 : vector<16xf32>
        %swap3A_417 = arith.constant 0 : i32
        %swap3A_418 = arith.index_cast %swap3A_417 : i32 to index
        %swap3A_419 = arith.index_cast %scan3A_324 : i32 to index
        %swap3A_420 = arith.constant 64 : index
        %swap3A_421 = tpu.vector_load %arg10[%swap3A_418, %swap3A_419, %swap3A_420] {strides = array<i32>} : memref<2x96x128xf32, #tpu.memory_space<vmem>>, vector<1x1x16xf32>,
        %swap3A_422 = vector.shape_cast %swap3A_421 : vector<1x1x16xf32> to vector<16xf32>
        %swap3A_423 = vector.shape_cast %mul3A_416 : vector<16xf32> to vector<1x1x16xf32>
        tpu.vector_store %arg10[%swap3A_418, %swap3A_419, %swap3A_420], %swap3A_423 {strides = array<i32>} : memref<2x96x128xf32, #tpu.memory_space<vmem>>, vector<1x1x16xf32>,
        %get3A_424 = arith.constant 0 : i32
        %get3A_425 = arith.index_cast %get3A_424 : i32 to index
        %get3A_426 = arith.index_cast %scan3A_324 : i32 to index
        %get3A_427 = arith.constant 80 : index
        %get3A_428 = tpu.vector_load %arg10[%get3A_425, %get3A_426, %get3A_427] {strides = array<i32>} : memref<2x96x128xf32, #tpu.memory_space<vmem>>, vector<1x1x16xf32>,
        %get3A_429 = vector.shape_cast %get3A_428 : vector<1x1x16xf32> to vector<16xf32>
        %get3A_430 = arith.constant 0 : i32
        %get3A_431 = arith.index_cast %get3A_430 : i32 to index
        %get3A_432 = arith.index_cast %scan3A_324 : i32 to index
        %get3A_433 = arith.constant 80 : index
        %get3A_434 = tpu.vector_load %arg9[%get3A_431, %get3A_432, %get3A_433] {strides = array<i32>} : memref<2x96x128xf32, #tpu.memory_space<vmem>>, vector<1x1x16xf32>,
        %get3A_435 = vector.shape_cast %get3A_434 : vector<1x1x16xf32> to vector<16xf32>
        %mul3A_436 = arith.mulf %get3A_429, %get3A_435 : vector<16xf32>
        %swap3A_437 = arith.constant 0 : i32
        %swap3A_438 = arith.index_cast %swap3A_437 : i32 to index
        %swap3A_439 = arith.index_cast %scan3A_324 : i32 to index
        %swap3A_440 = arith.constant 80 : index
        %swap3A_441 = tpu.vector_load %arg10[%swap3A_438, %swap3A_439, %swap3A_440] {strides = array<i32>} : memref<2x96x128xf32, #tpu.memory_space<vmem>>, vector<1x1x16xf32>,
        %swap3A_442 = vector.shape_cast %swap3A_441 : vector<1x1x16xf32> to vector<16xf32>
        %swap3A_443 = vector.shape_cast %mul3A_436 : vector<16xf32> to vector<1x1x16xf32>
        tpu.vector_store %arg10[%swap3A_438, %swap3A_439, %swap3A_440], %swap3A_443 {strides = array<i32>} : memref<2x96x128xf32, #tpu.memory_space<vmem>>, vector<1x1x16xf32>,
        %get3A_444 = arith.constant 0 : i32
        %get3A_445 = arith.index_cast %get3A_444 : i32 to index
        %get3A_446 = arith.index_cast %scan3A_324 : i32 to index
        %get3A_447 = arith.constant 96 : index
        %get3A_448 = tpu.vector_load %arg10[%get3A_445, %get3A_446, %get3A_447] {strides = array<i32>} : memref<2x96x128xf32, #tpu.memory_space<vmem>>, vector<1x1x16xf32>,
        %get3A_449 = vector.shape_cast %get3A_448 : vector<1x1x16xf32> to vector<16xf32>
        %get3A_450 = arith.constant 0 : i32
        %get3A_451 = arith.index_cast %get3A_450 : i32 to index
        %get3A_452 = arith.index_cast %scan3A_324 : i32 to index
        %get3A_453 = arith.constant 96 : index
        %get3A_454 = tpu.vector_load %arg9[%get3A_451, %get3A_452, %get3A_453] {strides = array<i32>} : memref<2x96x128xf32, #tpu.memory_space<vmem>>, vector<1x1x16xf32>,
        %get3A_455 = vector.shape_cast %get3A_454 : vector<1x1x16xf32> to vector<16xf32>
        %mul3A_456 = arith.mulf %get3A_449, %get3A_455 : vector<16xf32>
        %swap3A_457 = arith.constant 0 : i32
        %swap3A_458 = arith.index_cast %swap3A_457 : i32 to index
        %swap3A_459 = arith.index_cast %scan3A_324 : i32 to index
        %swap3A_460 = arith.constant 96 : index
        %swap3A_461 = tpu.vector_load %arg10[%swap3A_458, %swap3A_459, %swap3A_460] {strides = array<i32>} : memref<2x96x128xf32, #tpu.memory_space<vmem>>, vector<1x1x16xf32>,
        %swap3A_462 = vector.shape_cast %swap3A_461 : vector<1x1x16xf32> to vector<16xf32>
        %swap3A_463 = vector.shape_cast %mul3A_456 : vector<16xf32> to vector<1x1x16xf32>
        tpu.vector_store %arg10[%swap3A_458, %swap3A_459, %swap3A_460], %swap3A_463 {strides = array<i32>} : memref<2x96x128xf32, #tpu.memory_space<vmem>>, vector<1x1x16xf32>,
        %get3A_464 = arith.constant 0 : i32
        %get3A_465 = arith.index_cast %get3A_464 : i32 to index
        %get3A_466 = arith.index_cast %scan3A_324 : i32 to index
        %get3A_467 = arith.constant 112 : index
        %get3A_468 = tpu.vector_load %arg10[%get3A_465, %get3A_466, %get3A_467] {strides = array<i32>} : memref<2x96x128xf32, #tpu.memory_space<vmem>>, vector<1x1x16xf32>,
        %get3A_469 = vector.shape_cast %get3A_468 : vector<1x1x16xf32> to vector<16xf32>
        %get3A_470 = arith.constant 0 : i32
        %get3A_471 = arith.index_cast %get3A_470 : i32 to index
        %get3A_472 = arith.index_cast %scan3A_324 : i32 to index
        %get3A_473 = arith.constant 112 : index
        %get3A_474 = tpu.vector_load %arg9[%get3A_471, %get3A_472, %get3A_473] {strides = array<i32>} : memref<2x96x128xf32, #tpu.memory_space<vmem>>, vector<1x1x16xf32>,
        %get3A_475 = vector.shape_cast %get3A_474 : vector<1x1x16xf32> to vector<16xf32>
        %mul3A_476 = arith.mulf %get3A_469, %get3A_475 : vector<16xf32>
        %swap3A_477 = arith.constant 0 : i32
        %swap3A_478 = arith.index_cast %swap3A_477 : i32 to index
        %swap3A_479 = arith.index_cast %scan3A_324 : i32 to index
        %swap3A_480 = arith.constant 112 : index
        %swap3A_481 = tpu.vector_load %arg10[%swap3A_478, %swap3A_479, %swap3A_480] {strides = array<i32>} : memref<2x96x128xf32, #tpu.memory_space<vmem>>, vector<1x1x16xf32>,
        %swap3A_482 = vector.shape_cast %swap3A_481 : vector<1x1x16xf32> to vector<16xf32>
        %swap3A_483 = vector.shape_cast %mul3A_476 : vector<16xf32> to vector<1x1x16xf32>
        tpu.vector_store %arg10[%swap3A_478, %swap3A_479, %swap3A_480], %swap3A_483 {strides = array<i32>} : memref<2x96x128xf32, #tpu.memory_space<vmem>>, vector<1x1x16xf32>,
        %scan3A_484 = arith.constant 0 : i32
        scf.yield %scan3A_484 : i32
      }
      %scan3A_241 = arith.constant 96 : i32
      %run_scoped3A_242 = arith.constant 0 : i32
      %run_scoped3A_243 = arith.constant 0 : i32
      "tpu.region"() ({
        %run_scoped3A_324 = tpu.sem_alloc : memref<!tpu.dma_semaphore, #tpu.memory_space<semaphore_mem>>
        %dma_start3A_325 = arith.constant 0 : i32
        %dma_start3A_326 = arith.constant 0 : i32
        %dma_start3A_327 = tpu.memref_slice %arg10[%run_scoped3A_242, %dma_start3A_325, %dma_start3A_326] : memref<2x96x128xf32, #tpu.memory_space<vmem>> -> memref<1x96x128xf32, #tpu.memory_space<vmem>>
        %dma_start3A_328 = tpu.memref_squeeze %dma_start3A_327 : memref<1x96x128xf32, #tpu.memory_space<vmem>> -> memref<96x128xf32, #tpu.memory_space<vmem>>
        %dma_start3A_329 = arith.constant 0 : i32
        %dma_start3A_330 = tpu.memref_slice %arg8[%run_scoped3A_243, %dma_start3A_329] : memref<2x96xi32, #tpu.memory_space<vmem>> -> memref<1x96xi32, #tpu.memory_space<vmem>>
        %dma_start3A_331 = tpu.memref_squeeze %dma_start3A_330 : memref<1x96xi32, #tpu.memory_space<vmem>> -> memref<96xi32, #tpu.memory_space<vmem>>
        %dma_start3A_332 = arith.constant 0 : i32
        %dma_start3A_333 = arith.constant 0 : i32
        %dma_start3A_334 = tpu.memref_slice %arg11[%dma_start3A_332, %dma_start3A_333] : memref<10112x128xf32, #tpu.memory_space<vmem_shared>> -> memref<10112x128xf32, #tpu.memory_space<vmem_shared>>
        tpu.enqueue_indirect_dma source(%dma_start3A_328 : memref<96x128xf32, #tpu.memory_space<vmem>>) target(%dma_start3A_334 : memref<10112x128xf32, #tpu.memory_space<vmem_shared>>) offsets(%dma_start3A_331 : memref<96xi32, #tpu.memory_space<vmem>>) semaphore(%run_scoped3A_324 : memref<!tpu.dma_semaphore, #tpu.memory_space<semaphore_mem>>) {add = true}
        %dma_wait3A_335 = arith.constant 0 : i32
        %dma_wait3A_336 = arith.constant 0 : i32
        %dma_wait3A_337 = tpu.memref_slice %arg10[%run_scoped3A_242, %dma_wait3A_335, %dma_wait3A_336] : memref<2x96x128xf32, #tpu.memory_space<vmem>> -> memref<1x96x128xf32, #tpu.memory_space<vmem>>
        %dma_wait3A_338 = tpu.memref_squeeze %dma_wait3A_337 : memref<1x96x128xf32, #tpu.memory_space<vmem>> -> memref<96x128xf32, #tpu.memory_space<vmem>>
        %dma_wait3A_339 = arith.constant 0 : i32
        %dma_wait3A_340 = tpu.memref_slice %arg8[%run_scoped3A_243, %dma_wait3A_339] : memref<2x96xi32, #tpu.memory_space<vmem>> -> memref<1x96xi32, #tpu.memory_space<vmem>>
        %dma_wait3A_341 = tpu.memref_squeeze %dma_wait3A_340 : memref<1x96xi32, #tpu.memory_space<vmem>> -> memref<96xi32, #tpu.memory_space<vmem>>
        %dma_wait3A_342 = arith.constant 0 : i32
        %dma_wait3A_343 = arith.constant 0 : i32
        %dma_wait3A_344 = tpu.memref_slice %arg11[%dma_wait3A_342, %dma_wait3A_343] : memref<10112x128xf32, #tpu.memory_space<vmem_shared>> -> memref<10112x128xf32, #tpu.memory_space<vmem_shared>>
        tpu.wait_indirect_dma semaphore(%run_scoped3A_324 : memref<!tpu.dma_semaphore, #tpu.memory_space<semaphore_mem>>) src(%dma_wait3A_338 : memref<96x128xf32, #tpu.memory_space<vmem>>) dst(%dma_wait3A_344 : memref<10112x128xf32, #tpu.memory_space<vmem_shared>>)
        tpu.yield
      }) : () -> ()
      %add3A_244 = arith.constant 2 : i32
      %add3A_245 = arith.addi %add3A_185, %add3A_244 : i32
      %lt3A_246 = arith.constant 106 : i32
      %lt3A_247 = arith.cmpi slt, %add3A_245, %lt3A_246 : i32
      %convert_element_type3A_248 = arith.extui %lt3A_247 : i1 to i32
      %cond3A_249 = arith.constant 0 : i32
      %cond3A_250 = arith.cmpi ne, %convert_element_type3A_248, %cond3A_249 : i32
      scf.if %cond3A_250 {
        %add3A_324 = arith.constant 2 : i32
        %add3A_325 = arith.addi %add3A_185, %add3A_324 : i32
        %add3A_326 = arith.addi %mul3A_2, %add3A_325 : i32
        %dma_start3A_327 = arith.constant 0 : i32
        %dma_start3A_328 = arith.constant 0 : i32
        %dma_start3A_329 = tpu.memref_slice %arg7[%dma_start3A_327, %dma_start3A_328] : memref<2x96xi32, #tpu.memory_space<vmem>> -> memref<1x96xi32, #tpu.memory_space<vmem>>
        %dma_start3A_330 = tpu.memref_squeeze %dma_start3A_329 : memref<1x96xi32, #tpu.memory_space<vmem>> -> memref<96xi32, #tpu.memory_space<vmem>>
        %dma_start3A_331 = arith.constant 0 : i32
        %dma_start3A_332 = tpu.memref_slice %arg4[%add3A_326, %dma_start3A_331] : memref<3392x96xi32, #tpu.memory_space<hbm>> -> memref<1x96xi32, #tpu.memory_space<hbm>>
        %dma_start3A_333 = tpu.memref_squeeze %dma_start3A_332 : memref<1x96xi32, #tpu.memory_space<hbm>> -> memref<96xi32, #tpu.memory_space<hbm>>
        %dma_start3A_334 = arith.constant 0 : i32
        %dma_start3A_335 = tpu.memref_slice %arg7[%dma_start3A_327, %dma_start3A_334] : memref<2x96xi32, #tpu.memory_space<vmem>> -> memref<1x96xi32, #tpu.memory_space<vmem>>
        %dma_start3A_336 = tpu.memref_squeeze %dma_start3A_335 : memref<1x96xi32, #tpu.memory_space<vmem>> -> memref<96xi32, #tpu.memory_space<vmem>>
        %dma_start3A_337 = arith.constant 0 : i32
        %dma_start3A_338 = tpu.memref_slice %arg4[%add3A_326, %dma_start3A_337] : memref<3392x96xi32, #tpu.memory_space<hbm>> -> memref<1x96xi32, #tpu.memory_space<hbm>>
        %dma_start3A_339 = tpu.memref_squeeze %dma_start3A_338 : memref<1x96xi32, #tpu.memory_space<hbm>> -> memref<96xi32, #tpu.memory_space<hbm>>
        tpu.enqueue_dma source(%dma_start3A_339 : memref<96xi32, #tpu.memory_space<hbm>>) target(%dma_start3A_336 : memref<96xi32, #tpu.memory_space<vmem>>) target_semaphore(%arg14 : memref<!tpu.dma_semaphore, #tpu.memory_space<semaphore_mem>>)
        %add3A_340 = arith.addi %mul3A_2, %add3A_325 : i32
        %dma_start3A_341 = arith.constant 0 : i32
        %dma_start3A_342 = arith.constant 0 : i32
        %dma_start3A_343 = tpu.memref_slice %arg8[%dma_start3A_341, %dma_start3A_342] : memref<2x96xi32, #tpu.memory_space<vmem>> -> memref<1x96xi32, #tpu.memory_space<vmem>>
        %dma_start3A_344 = tpu.memref_squeeze %dma_start3A_343 : memref<1x96xi32, #tpu.memory_space<vmem>> -> memref<96xi32, #tpu.memory_space<vmem>>
        %dma_start3A_345 = arith.constant 0 : i32
        %dma_start3A_346 = tpu.memref_slice %arg5[%add3A_340, %dma_start3A_345] : memref<3392x96xi32, #tpu.memory_space<hbm>> -> memref<1x96xi32, #tpu.memory_space<hbm>>
        %dma_start3A_347 = tpu.memref_squeeze %dma_start3A_346 : memref<1x96xi32, #tpu.memory_space<hbm>> -> memref<96xi32, #tpu.memory_space<hbm>>
        %dma_start3A_348 = arith.constant 0 : i32
        %dma_start3A_349 = tpu.memref_slice %arg8[%dma_start3A_341, %dma_start3A_348] : memref<2x96xi32, #tpu.memory_space<vmem>> -> memref<1x96xi32, #tpu.memory_space<vmem>>
        %dma_start3A_350 = tpu.memref_squeeze %dma_start3A_349 : memref<1x96xi32, #tpu.memory_space<vmem>> -> memref<96xi32, #tpu.memory_space<vmem>>
        %dma_start3A_351 = arith.constant 0 : i32
        %dma_start3A_352 = tpu.memref_slice %arg5[%add3A_340, %dma_start3A_351] : memref<3392x96xi32, #tpu.memory_space<hbm>> -> memref<1x96xi32, #tpu.memory_space<hbm>>
        %dma_start3A_353 = tpu.memref_squeeze %dma_start3A_352 : memref<1x96xi32, #tpu.memory_space<hbm>> -> memref<96xi32, #tpu.memory_space<hbm>>
        tpu.enqueue_dma source(%dma_start3A_353 : memref<96xi32, #tpu.memory_space<hbm>>) target(%dma_start3A_350 : memref<96xi32, #tpu.memory_space<vmem>>) target_semaphore(%arg14 : memref<!tpu.dma_semaphore, #tpu.memory_space<semaphore_mem>>)
      } else {
      }
      %mul3A_251 = arith.constant 2 : i32
      %mul3A_252 = arith.muli %scan3A_180, %mul3A_251 : i32
      %add3A_253 = arith.constant 1 : i32
      %add3A_254 = arith.addi %mul3A_252, %add3A_253 : i32
      %add3A_255 = arith.constant 1 : i32
      %add3A_256 = arith.addi %add3A_254, %add3A_255 : i32
      %lt3A_257 = arith.constant 106 : i32
      %lt3A_258 = arith.cmpi slt, %add3A_256, %lt3A_257 : i32
      %convert_element_type3A_259 = arith.extui %lt3A_258 : i1 to i32
      %cond3A_260 = arith.constant 0 : i32
      %cond3A_261 = arith.cmpi ne, %convert_element_type3A_259, %cond3A_260 : i32
      scf.if %cond3A_261 {
        %dma_wait3A_324 = arith.constant 0 : i32
        %dma_wait3A_325 = arith.constant 0 : i32
        %dma_wait3A_326 = arith.constant 0 : i32
        %dma_wait3A_327 = tpu.memref_slice %arg7[%dma_wait3A_325, %dma_wait3A_326] : memref<2x96xi32, #tpu.memory_space<vmem>> -> memref<1x96xi32, #tpu.memory_space<vmem>>
        %dma_wait3A_328 = tpu.memref_squeeze %dma_wait3A_327 : memref<1x96xi32, #tpu.memory_space<vmem>> -> memref<96xi32, #tpu.memory_space<vmem>>
        %dma_wait3A_329 = arith.constant 0 : i32
        %dma_wait3A_330 = tpu.memref_slice %arg4[%dma_wait3A_324, %dma_wait3A_329] : memref<3392x96xi32, #tpu.memory_space<hbm>> -> memref<1x96xi32, #tpu.memory_space<hbm>>
        %dma_wait3A_331 = tpu.memref_squeeze %dma_wait3A_330 : memref<1x96xi32, #tpu.memory_space<hbm>> -> memref<96xi32, #tpu.memory_space<hbm>>
        %dma_wait3A_332 = arith.constant 0 : i32
        %dma_wait3A_333 = tpu.memref_slice %arg7[%dma_wait3A_325, %dma_wait3A_332] : memref<2x96xi32, #tpu.memory_space<vmem>> -> memref<1x96xi32, #tpu.memory_space<vmem>>
        %dma_wait3A_334 = tpu.memref_squeeze %dma_wait3A_333 : memref<1x96xi32, #tpu.memory_space<vmem>> -> memref<96xi32, #tpu.memory_space<vmem>>
        %dma_wait3A_335 = arith.constant 0 : i32
        %dma_wait3A_336 = tpu.memref_slice %arg4[%dma_wait3A_324, %dma_wait3A_335] : memref<3392x96xi32, #tpu.memory_space<hbm>> -> memref<1x96xi32, #tpu.memory_space<hbm>>
        %dma_wait3A_337 = tpu.memref_squeeze %dma_wait3A_336 : memref<1x96xi32, #tpu.memory_space<hbm>> -> memref<96xi32, #tpu.memory_space<hbm>>
        tpu.wait_dma2 semaphore(%arg14 : memref<!tpu.dma_semaphore, #tpu.memory_space<semaphore_mem>>) src(%dma_wait3A_337 : memref<96xi32, #tpu.memory_space<hbm>>) dst(%dma_wait3A_334 : memref<96xi32, #tpu.memory_space<vmem>>)
        %dma_wait3A_338 = arith.constant 0 : i32
        %dma_wait3A_339 = arith.constant 0 : i32
        %dma_wait3A_340 = arith.constant 0 : i32
        %dma_wait3A_341 = tpu.memref_slice %arg8[%dma_wait3A_339, %dma_wait3A_340] : memref<2x96xi32, #tpu.memory_space<vmem>> -> memref<1x96xi32, #tpu.memory_space<vmem>>
        %dma_wait3A_342 = tpu.memref_squeeze %dma_wait3A_341 : memref<1x96xi32, #tpu.memory_space<vmem>> -> memref<96xi32, #tpu.memory_space<vmem>>
        %dma_wait3A_343 = arith.constant 0 : i32
        %dma_wait3A_344 = tpu.memref_slice %arg4[%dma_wait3A_338, %dma_wait3A_343] : memref<3392x96xi32, #tpu.memory_space<hbm>> -> memref<1x96xi32, #tpu.memory_space<hbm>>
        %dma_wait3A_345 = tpu.memref_squeeze %dma_wait3A_344 : memref<1x96xi32, #tpu.memory_space<hbm>> -> memref<96xi32, #tpu.memory_space<hbm>>
        %dma_wait3A_346 = arith.constant 0 : i32
        %dma_wait3A_347 = tpu.memref_slice %arg8[%dma_wait3A_339, %dma_wait3A_346] : memref<2x96xi32, #tpu.memory_space<vmem>> -> memref<1x96xi32, #tpu.memory_space<vmem>>
        %dma_wait3A_348 = tpu.memref_squeeze %dma_wait3A_347 : memref<1x96xi32, #tpu.memory_space<vmem>> -> memref<96xi32, #tpu.memory_space<vmem>>
        %dma_wait3A_349 = arith.constant 0 : i32
        %dma_wait3A_350 = tpu.memref_slice %arg4[%dma_wait3A_338, %dma_wait3A_349] : memref<3392x96xi32, #tpu.memory_space<hbm>> -> memref<1x96xi32, #tpu.memory_space<hbm>>
        %dma_wait3A_351 = tpu.memref_squeeze %dma_wait3A_350 : memref<1x96xi32, #tpu.memory_space<hbm>> -> memref<96xi32, #tpu.memory_space<hbm>>
        tpu.wait_dma2 semaphore(%arg14 : memref<!tpu.dma_semaphore, #tpu.memory_space<semaphore_mem>>) src(%dma_wait3A_351 : memref<96xi32, #tpu.memory_space<hbm>>) dst(%dma_wait3A_348 : memref<96xi32, #tpu.memory_space<vmem>>)
        %add3A_352 = arith.constant 1 : i32
        %add3A_353 = arith.addi %add3A_254, %add3A_352 : i32
        %add3A_354 = arith.addi %mul3A_2, %add3A_353 : i32
        %mul3A_355 = arith.constant 96 : i32
        %mul3A_356 = arith.muli %add3A_354, %mul3A_355 : i32
        %dma_start3A_357 = arith.constant 0 : i32
        %dma_start3A_358 = arith.constant 0 : i32
        %dma_start3A_359 = arith.constant 0 : i32
        %dma_start3A_360 = tpu.memref_slice %arg9[%dma_start3A_357, %dma_start3A_358, %dma_start3A_359] : memref<2x96x128xf32, #tpu.memory_space<vmem>> -> memref<1x96x128xf32, #tpu.memory_space<vmem>>
        %dma_start3A_361 = tpu.memref_squeeze %dma_start3A_360 : memref<1x96x128xf32, #tpu.memory_space<vmem>> -> memref<96x128xf32, #tpu.memory_space<vmem>>
        %dma_start3A_362 = arith.constant 0 : i32
        %dma_start3A_363 = tpu.memref_slice %arg3[%mul3A_356, %dma_start3A_362] : memref<325632x128xf32, #tpu.memory_space<hbm>> -> memref<96x128xf32, #tpu.memory_space<hbm>>
        %dma_start3A_364 = arith.constant 0 : i32
        %dma_start3A_365 = arith.constant 0 : i32
        %dma_start3A_366 = tpu.memref_slice %arg9[%dma_start3A_357, %dma_start3A_364, %dma_start3A_365] : memref<2x96x128xf32, #tpu.memory_space<vmem>> -> memref<1x96x128xf32, #tpu.memory_space<vmem>>
        %dma_start3A_367 = tpu.memref_squeeze %dma_start3A_366 : memref<1x96x128xf32, #tpu.memory_space<vmem>> -> memref<96x128xf32, #tpu.memory_space<vmem>>
        %dma_start3A_368 = arith.constant 0 : i32
        %dma_start3A_369 = tpu.memref_slice %arg3[%mul3A_356, %dma_start3A_368] : memref<325632x128xf32, #tpu.memory_space<hbm>> -> memref<96x128xf32, #tpu.memory_space<hbm>>
        tpu.enqueue_dma source(%dma_start3A_369 : memref<96x128xf32, #tpu.memory_space<hbm>>) target(%dma_start3A_367 : memref<96x128xf32, #tpu.memory_space<vmem>>) target_semaphore(%arg12 : memref<!tpu.dma_semaphore, #tpu.memory_space<semaphore_mem>>)
        %dma_start3A_370 = arith.constant 0 : i32
        %dma_start3A_371 = arith.constant 0 : i32
        %dma_start3A_372 = arith.constant 0 : i32
        %dma_start3A_373 = arith.constant 0 : i32
        %dma_start3A_374 = tpu.memref_slice %arg10[%dma_start3A_371, %dma_start3A_372, %dma_start3A_373] : memref<2x96x128xf32, #tpu.memory_space<vmem>> -> memref<1x48x128xf32, #tpu.memory_space<vmem>>
        %dma_start3A_375 = tpu.memref_squeeze %dma_start3A_374 : memref<1x48x128xf32, #tpu.memory_space<vmem>> -> memref<48x128xf32, #tpu.memory_space<vmem>>
        %dma_start3A_376 = arith.constant 0 : i32
        %dma_start3A_377 = tpu.memref_slice %arg7[%dma_start3A_370, %dma_start3A_376] : memref<2x96xi32, #tpu.memory_space<vmem>> -> memref<1x48xi32, #tpu.memory_space<vmem>>
        %dma_start3A_378 = tpu.memref_squeeze %dma_start3A_377 : memref<1x48xi32, #tpu.memory_space<vmem>> -> memref<48xi32, #tpu.memory_space<vmem>>
        %dma_start3A_379 = arith.constant 0 : i32
        %dma_start3A_380 = arith.constant 0 : i32
        %dma_start3A_381 = tpu.memref_slice %arg2[%dma_start3A_379, %dma_start3A_380] : memref<10240x128xf32, #tpu.memory_space<hbm>> -> memref<10240x128xf32, #tpu.memory_space<hbm>>
        tpu.enqueue_indirect_dma source(%dma_start3A_381 : memref<10240x128xf32, #tpu.memory_space<hbm>>) target(%dma_start3A_375 : memref<48x128xf32, #tpu.memory_space<vmem>>) offsets(%dma_start3A_378 : memref<48xi32, #tpu.memory_space<vmem>>) semaphore(%arg12 : memref<!tpu.dma_semaphore, #tpu.memory_space<semaphore_mem>>)
        %dma_start3A_382 = arith.constant 0 : i32
        %dma_start3A_383 = arith.constant 0 : i32
        %dma_start3A_384 = arith.constant 48 : i32
        %dma_start3A_385 = arith.constant 0 : i32
        %dma_start3A_386 = tpu.memref_slice %arg10[%dma_start3A_383, %dma_start3A_384, %dma_start3A_385] : memref<2x96x128xf32, #tpu.memory_space<vmem>> -> memref<1x48x128xf32, #tpu.memory_space<vmem>>
        %dma_start3A_387 = tpu.memref_squeeze %dma_start3A_386 : memref<1x48x128xf32, #tpu.memory_space<vmem>> -> memref<48x128xf32, #tpu.memory_space<vmem>>
        %dma_start3A_388 = arith.constant 48 : i32
        %dma_start3A_389 = tpu.memref_slice %arg7[%dma_start3A_382, %dma_start3A_388] : memref<2x96xi32, #tpu.memory_space<vmem>> -> memref<1x48xi32, #tpu.memory_space<vmem>>
        %dma_start3A_390 = tpu.memref_squeeze %dma_start3A_389 : memref<1x48xi32, #tpu.memory_space<vmem>> -> memref<48xi32, #tpu.memory_space<vmem>>
        %dma_start3A_391 = arith.constant 0 : i32
        %dma_start3A_392 = arith.constant 0 : i32
        %dma_start3A_393 = tpu.memref_slice %arg2[%dma_start3A_391, %dma_start3A_392] : memref<10240x128xf32, #tpu.memory_space<hbm>> -> memref<10240x128xf32, #tpu.memory_space<hbm>>
        tpu.enqueue_indirect_dma source(%dma_start3A_393 : memref<10240x128xf32, #tpu.memory_space<hbm>>) target(%dma_start3A_387 : memref<48x128xf32, #tpu.memory_space<vmem>>) offsets(%dma_start3A_390 : memref<48xi32, #tpu.memory_space<vmem>>) semaphore(%arg12 : memref<!tpu.dma_semaphore, #tpu.memory_space<semaphore_mem>>)
      } else {
      }
      %dma_wait3A_262 = arith.constant 1 : i32
      %dma_wait3A_263 = arith.constant 0 : i32
      %dma_wait3A_264 = arith.constant 0 : i32
      %dma_wait3A_265 = tpu.memref_slice %arg9[%dma_wait3A_262, %dma_wait3A_263, %dma_wait3A_264] : memref<2x96x128xf32, #tpu.memory_space<vmem>> -> memref<1x96x128xf32, #tpu.memory_space<vmem>>
      %dma_wait3A_266 = tpu.memref_squeeze %dma_wait3A_265 : memref<1x96x128xf32, #tpu.memory_space<vmem>> -> memref<96x128xf32, #tpu.memory_space<vmem>>
      %dma_wait3A_267 = arith.constant 0 : i32
      %dma_wait3A_268 = arith.constant 0 : i32
      %dma_wait3A_269 = tpu.memref_slice %arg3[%dma_wait3A_267, %dma_wait3A_268] : memref<325632x128xf32, #tpu.memory_space<hbm>> -> memref<96x128xf32, #tpu.memory_space<hbm>>
      %dma_wait3A_270 = arith.constant 0 : i32
      %dma_wait3A_271 = arith.constant 0 : i32
      %dma_wait3A_272 = tpu.memref_slice %arg9[%dma_wait3A_262, %dma_wait3A_270, %dma_wait3A_271] : memref<2x96x128xf32, #tpu.memory_space<vmem>> -> memref<1x96x128xf32, #tpu.memory_space<vmem>>
      %dma_wait3A_273 = tpu.memref_squeeze %dma_wait3A_272 : memref<1x96x128xf32, #tpu.memory_space<vmem>> -> memref<96x128xf32, #tpu.memory_space<vmem>>
      %dma_wait3A_274 = arith.constant 0 : i32
      %dma_wait3A_275 = arith.constant 0 : i32
      %dma_wait3A_276 = tpu.memref_slice %arg3[%dma_wait3A_274, %dma_wait3A_275] : memref<325632x128xf32, #tpu.memory_space<hbm>> -> memref<96x128xf32, #tpu.memory_space<hbm>>
      tpu.wait_dma2 semaphore(%arg13 : memref<!tpu.dma_semaphore, #tpu.memory_space<semaphore_mem>>) src(%dma_wait3A_276 : memref<96x128xf32, #tpu.memory_space<hbm>>) dst(%dma_wait3A_273 : memref<96x128xf32, #tpu.memory_space<vmem>>)
      %dma_wait3A_277 = arith.constant 1 : i32
      %dma_wait3A_278 = arith.constant 0 : i32
      %dma_wait3A_279 = arith.constant 0 : i32
      %dma_wait3A_280 = tpu.memref_slice %arg10[%dma_wait3A_277, %dma_wait3A_278, %dma_wait3A_279] : memref<2x96x128xf32, #tpu.memory_space<vmem>> -> memref<1x48x128xf32, #tpu.memory_space<vmem>>
      %dma_wait3A_281 = tpu.memref_squeeze %dma_wait3A_280 : memref<1x48x128xf32, #tpu.memory_space<vmem>> -> memref<48x128xf32, #tpu.memory_space<vmem>>
      %dma_wait3A_282 = arith.constant 0 : i32
      %dma_wait3A_283 = arith.constant 0 : i32
      %dma_wait3A_284 = tpu.memref_slice %arg3[%dma_wait3A_282, %dma_wait3A_283] : memref<325632x128xf32, #tpu.memory_space<hbm>> -> memref<48x128xf32, #tpu.memory_space<hbm>>
      %dma_wait3A_285 = arith.constant 0 : i32
      %dma_wait3A_286 = arith.constant 0 : i32
      %dma_wait3A_287 = tpu.memref_slice %arg10[%dma_wait3A_277, %dma_wait3A_285, %dma_wait3A_286] : memref<2x96x128xf32, #tpu.memory_space<vmem>> -> memref<1x48x128xf32, #tpu.memory_space<vmem>>
      %dma_wait3A_288 = tpu.memref_squeeze %dma_wait3A_287 : memref<1x48x128xf32, #tpu.memory_space<vmem>> -> memref<48x128xf32, #tpu.memory_space<vmem>>
      %dma_wait3A_289 = arith.constant 0 : i32
      %dma_wait3A_290 = arith.constant 0 : i32
      %dma_wait3A_291 = tpu.memref_slice %arg3[%dma_wait3A_289, %dma_wait3A_290] : memref<325632x128xf32, #tpu.memory_space<hbm>> -> memref<48x128xf32, #tpu.memory_space<hbm>>
      tpu.wait_dma2 semaphore(%arg13 : memref<!tpu.dma_semaphore, #tpu.memory_space<semaphore_mem>>) src(%dma_wait3A_291 : memref<48x128xf32, #tpu.memory_space<hbm>>) dst(%dma_wait3A_288 : memref<48x128xf32, #tpu.memory_space<vmem>>)
      %dma_wait3A_292 = arith.constant 1 : i32
      %dma_wait3A_293 = arith.constant 0 : i32
      %dma_wait3A_294 = arith.constant 0 : i32
      %dma_wait3A_295 = tpu.memref_slice %arg10[%dma_wait3A_292, %dma_wait3A_293, %dma_wait3A_294] : memref<2x96x128xf32, #tpu.memory_space<vmem>> -> memref<1x48x128xf32, #tpu.memory_space<vmem>>
      %dma_wait3A_296 = tpu.memref_squeeze %dma_wait3A_295 : memref<1x48x128xf32, #tpu.memory_space<vmem>> -> memref<48x128xf32, #tpu.memory_space<vmem>>
      %dma_wait3A_297 = arith.constant 0 : i32
      %dma_wait3A_298 = arith.constant 0 : i32
      %dma_wait3A_299 = tpu.memref_slice %arg3[%dma_wait3A_297, %dma_wait3A_298] : memref<325632x128xf32, #tpu.memory_space<hbm>> -> memref<48x128xf32, #tpu.memory_space<hbm>>
      %dma_wait3A_300 = arith.constant 0 : i32
      %dma_wait3A_301 = arith.constant 0 : i32
      %dma_wait3A_302 = tpu.memref_slice %arg10[%dma_wait3A_292, %dma_wait3A_300, %dma_wait3A_301] : memref<2x96x128xf32, #tpu.memory_space<vmem>> -> memref<1x48x128xf32, #tpu.memory_space<vmem>>
      %dma_wait3A_303 = tpu.memref_squeeze %dma_wait3A_302 : memref<1x48x128xf32, #tpu.memory_space<vmem>> -> memref<48x128xf32, #tpu.memory_space<vmem>>
      %dma_wait3A_304 = arith.constant 0 : i32
      %dma_wait3A_305 = arith.constant 0 : i32
      %dma_wait3A_306 = tpu.memref_slice %arg3[%dma_wait3A_304, %dma_wait3A_305] : memref<325632x128xf32, #tpu.memory_space<hbm>> -> memref<48x128xf32, #tpu.memory_space<hbm>>
      tpu.wait_dma2 semaphore(%arg13 : memref<!tpu.dma_semaphore, #tpu.memory_space<semaphore_mem>>) src(%dma_wait3A_306 : memref<48x128xf32, #tpu.memory_space<hbm>>) dst(%dma_wait3A_303 : memref<48x128xf32, #tpu.memory_space<vmem>>)
      %scan3A_307 = arith.constant 0 : i32
      %scan3A_308 = arith.constant 0 : i32
      %scan3A_309 = arith.constant 96 : i32
      %scan3A_310 = arith.addi %scan3A_308, %scan3A_309 : i32
      %scan3A_311 = arith.constant 1 : i32
      %scan3A_312 = scf.for %scan3A_324 = %scan3A_308 to %scan3A_310 step %scan3A_311 iter_args(%scan3A_325 = %scan3A_307) -> (i32)  : i32 {
        %get3A = arith.constant 1 : i32
        %get3A_326 = arith.index_cast %get3A : i32 to index
        %get3A_327 = arith.index_cast %scan3A_324 : i32 to index
        %get3A_328 = arith.constant 0 : index
        %get3A_329 = tpu.vector_load %arg10[%get3A_326, %get3A_327, %get3A_328] {strides = array<i32>} : memref<2x96x128xf32, #tpu.memory_space<vmem>>, vector<1x1x16xf32>,
        %get3A_330 = vector.shape_cast %get3A_329 : vector<1x1x16xf32> to vector<16xf32>
        %get3A_331 = arith.constant 1 : i32
        %get3A_332 = arith.index_cast %get3A_331 : i32 to index
        %get3A_333 = arith.index_cast %scan3A_324 : i32 to index
        %get3A_334 = arith.constant 0 : index
        %get3A_335 = tpu.vector_load %arg9[%get3A_332, %get3A_333, %get3A_334] {strides = array<i32>} : memref<2x96x128xf32, #tpu.memory_space<vmem>>, vector<1x1x16xf32>,
        %get3A_336 = vector.shape_cast %get3A_335 : vector<1x1x16xf32> to vector<16xf32>
        %mul3A_337 = arith.mulf %get3A_330, %get3A_336 : vector<16xf32>
        %swap3A = arith.constant 1 : i32
        %swap3A_338 = arith.index_cast %swap3A : i32 to index
        %swap3A_339 = arith.index_cast %scan3A_324 : i32 to index
        %swap3A_340 = arith.constant 0 : index
        %swap3A_341 = tpu.vector_load %arg10[%swap3A_338, %swap3A_339, %swap3A_340] {strides = array<i32>} : memref<2x96x128xf32, #tpu.memory_space<vmem>>, vector<1x1x16xf32>,
        %swap3A_342 = vector.shape_cast %swap3A_341 : vector<1x1x16xf32> to vector<16xf32>
        %swap3A_343 = vector.shape_cast %mul3A_337 : vector<16xf32> to vector<1x1x16xf32>
        tpu.vector_store %arg10[%swap3A_338, %swap3A_339, %swap3A_340], %swap3A_343 {strides = array<i32>} : memref<2x96x128xf32, #tpu.memory_space<vmem>>, vector<1x1x16xf32>,
        %get3A_344 = arith.constant 1 : i32
        %get3A_345 = arith.index_cast %get3A_344 : i32 to index
        %get3A_346 = arith.index_cast %scan3A_324 : i32 to index
        %get3A_347 = arith.constant 16 : index
        %get3A_348 = tpu.vector_load %arg10[%get3A_345, %get3A_346, %get3A_347] {strides = array<i32>} : memref<2x96x128xf32, #tpu.memory_space<vmem>>, vector<1x1x16xf32>,
        %get3A_349 = vector.shape_cast %get3A_348 : vector<1x1x16xf32> to vector<16xf32>
        %get3A_350 = arith.constant 1 : i32
        %get3A_351 = arith.index_cast %get3A_350 : i32 to index
        %get3A_352 = arith.index_cast %scan3A_324 : i32 to index
        %get3A_353 = arith.constant 16 : index
        %get3A_354 = tpu.vector_load %arg9[%get3A_351, %get3A_352, %get3A_353] {strides = array<i32>} : memref<2x96x128xf32, #tpu.memory_space<vmem>>, vector<1x1x16xf32>,
        %get3A_355 = vector.shape_cast %get3A_354 : vector<1x1x16xf32> to vector<16xf32>
        %mul3A_356 = arith.mulf %get3A_349, %get3A_355 : vector<16xf32>
        %swap3A_357 = arith.constant 1 : i32
        %swap3A_358 = arith.index_cast %swap3A_357 : i32 to index
        %swap3A_359 = arith.index_cast %scan3A_324 : i32 to index
        %swap3A_360 = arith.constant 16 : index
        %swap3A_361 = tpu.vector_load %arg10[%swap3A_358, %swap3A_359, %swap3A_360] {strides = array<i32>} : memref<2x96x128xf32, #tpu.memory_space<vmem>>, vector<1x1x16xf32>,
        %swap3A_362 = vector.shape_cast %swap3A_361 : vector<1x1x16xf32> to vector<16xf32>
        %swap3A_363 = vector.shape_cast %mul3A_356 : vector<16xf32> to vector<1x1x16xf32>
        tpu.vector_store %arg10[%swap3A_358, %swap3A_359, %swap3A_360], %swap3A_363 {strides = array<i32>} : memref<2x96x128xf32, #tpu.memory_space<vmem>>, vector<1x1x16xf32>,
        %get3A_364 = arith.constant 1 : i32
        %get3A_365 = arith.index_cast %get3A_364 : i32 to index
        %get3A_366 = arith.index_cast %scan3A_324 : i32 to index
        %get3A_367 = arith.constant 32 : index
        %get3A_368 = tpu.vector_load %arg10[%get3A_365, %get3A_366, %get3A_367] {strides = array<i32>} : memref<2x96x128xf32, #tpu.memory_space<vmem>>, vector<1x1x16xf32>,
        %get3A_369 = vector.shape_cast %get3A_368 : vector<1x1x16xf32> to vector<16xf32>
        %get3A_370 = arith.constant 1 : i32
        %get3A_371 = arith.index_cast %get3A_370 : i32 to index
        %get3A_372 = arith.index_cast %scan3A_324 : i32 to index
        %get3A_373 = arith.constant 32 : index
        %get3A_374 = tpu.vector_load %arg9[%get3A_371, %get3A_372, %get3A_373] {strides = array<i32>} : memref<2x96x128xf32, #tpu.memory_space<vmem>>, vector<1x1x16xf32>,
        %get3A_375 = vector.shape_cast %get3A_374 : vector<1x1x16xf32> to vector<16xf32>
        %mul3A_376 = arith.mulf %get3A_369, %get3A_375 : vector<16xf32>
        %swap3A_377 = arith.constant 1 : i32
        %swap3A_378 = arith.index_cast %swap3A_377 : i32 to index
        %swap3A_379 = arith.index_cast %scan3A_324 : i32 to index
        %swap3A_380 = arith.constant 32 : index
        %swap3A_381 = tpu.vector_load %arg10[%swap3A_378, %swap3A_379, %swap3A_380] {strides = array<i32>} : memref<2x96x128xf32, #tpu.memory_space<vmem>>, vector<1x1x16xf32>,
        %swap3A_382 = vector.shape_cast %swap3A_381 : vector<1x1x16xf32> to vector<16xf32>
        %swap3A_383 = vector.shape_cast %mul3A_376 : vector<16xf32> to vector<1x1x16xf32>
        tpu.vector_store %arg10[%swap3A_378, %swap3A_379, %swap3A_380], %swap3A_383 {strides = array<i32>} : memref<2x96x128xf32, #tpu.memory_space<vmem>>, vector<1x1x16xf32>,
        %get3A_384 = arith.constant 1 : i32
        %get3A_385 = arith.index_cast %get3A_384 : i32 to index
        %get3A_386 = arith.index_cast %scan3A_324 : i32 to index
        %get3A_387 = arith.constant 48 : index
        %get3A_388 = tpu.vector_load %arg10[%get3A_385, %get3A_386, %get3A_387] {strides = array<i32>} : memref<2x96x128xf32, #tpu.memory_space<vmem>>, vector<1x1x16xf32>,
        %get3A_389 = vector.shape_cast %get3A_388 : vector<1x1x16xf32> to vector<16xf32>
        %get3A_390 = arith.constant 1 : i32
        %get3A_391 = arith.index_cast %get3A_390 : i32 to index
        %get3A_392 = arith.index_cast %scan3A_324 : i32 to index
        %get3A_393 = arith.constant 48 : index
        %get3A_394 = tpu.vector_load %arg9[%get3A_391, %get3A_392, %get3A_393] {strides = array<i32>} : memref<2x96x128xf32, #tpu.memory_space<vmem>>, vector<1x1x16xf32>,
        %get3A_395 = vector.shape_cast %get3A_394 : vector<1x1x16xf32> to vector<16xf32>
        %mul3A_396 = arith.mulf %get3A_389, %get3A_395 : vector<16xf32>
        %swap3A_397 = arith.constant 1 : i32
        %swap3A_398 = arith.index_cast %swap3A_397 : i32 to index
        %swap3A_399 = arith.index_cast %scan3A_324 : i32 to index
        %swap3A_400 = arith.constant 48 : index
        %swap3A_401 = tpu.vector_load %arg10[%swap3A_398, %swap3A_399, %swap3A_400] {strides = array<i32>} : memref<2x96x128xf32, #tpu.memory_space<vmem>>, vector<1x1x16xf32>,
        %swap3A_402 = vector.shape_cast %swap3A_401 : vector<1x1x16xf32> to vector<16xf32>
        %swap3A_403 = vector.shape_cast %mul3A_396 : vector<16xf32> to vector<1x1x16xf32>
        tpu.vector_store %arg10[%swap3A_398, %swap3A_399, %swap3A_400], %swap3A_403 {strides = array<i32>} : memref<2x96x128xf32, #tpu.memory_space<vmem>>, vector<1x1x16xf32>,
        %get3A_404 = arith.constant 1 : i32
        %get3A_405 = arith.index_cast %get3A_404 : i32 to index
        %get3A_406 = arith.index_cast %scan3A_324 : i32 to index
        %get3A_407 = arith.constant 64 : index
        %get3A_408 = tpu.vector_load %arg10[%get3A_405, %get3A_406, %get3A_407] {strides = array<i32>} : memref<2x96x128xf32, #tpu.memory_space<vmem>>, vector<1x1x16xf32>,
        %get3A_409 = vector.shape_cast %get3A_408 : vector<1x1x16xf32> to vector<16xf32>
        %get3A_410 = arith.constant 1 : i32
        %get3A_411 = arith.index_cast %get3A_410 : i32 to index
        %get3A_412 = arith.index_cast %scan3A_324 : i32 to index
        %get3A_413 = arith.constant 64 : index
        %get3A_414 = tpu.vector_load %arg9[%get3A_411, %get3A_412, %get3A_413] {strides = array<i32>} : memref<2x96x128xf32, #tpu.memory_space<vmem>>, vector<1x1x16xf32>,
        %get3A_415 = vector.shape_cast %get3A_414 : vector<1x1x16xf32> to vector<16xf32>
        %mul3A_416 = arith.mulf %get3A_409, %get3A_415 : vector<16xf32>
        %swap3A_417 = arith.constant 1 : i32
        %swap3A_418 = arith.index_cast %swap3A_417 : i32 to index
        %swap3A_419 = arith.index_cast %scan3A_324 : i32 to index
        %swap3A_420 = arith.constant 64 : index
        %swap3A_421 = tpu.vector_load %arg10[%swap3A_418, %swap3A_419, %swap3A_420] {strides = array<i32>} : memref<2x96x128xf32, #tpu.memory_space<vmem>>, vector<1x1x16xf32>,
        %swap3A_422 = vector.shape_cast %swap3A_421 : vector<1x1x16xf32> to vector<16xf32>
        %swap3A_423 = vector.shape_cast %mul3A_416 : vector<16xf32> to vector<1x1x16xf32>
        tpu.vector_store %arg10[%swap3A_418, %swap3A_419, %swap3A_420], %swap3A_423 {strides = array<i32>} : memref<2x96x128xf32, #tpu.memory_space<vmem>>, vector<1x1x16xf32>,
        %get3A_424 = arith.constant 1 : i32
        %get3A_425 = arith.index_cast %get3A_424 : i32 to index
        %get3A_426 = arith.index_cast %scan3A_324 : i32 to index
        %get3A_427 = arith.constant 80 : index
        %get3A_428 = tpu.vector_load %arg10[%get3A_425, %get3A_426, %get3A_427] {strides = array<i32>} : memref<2x96x128xf32, #tpu.memory_space<vmem>>, vector<1x1x16xf32>,
        %get3A_429 = vector.shape_cast %get3A_428 : vector<1x1x16xf32> to vector<16xf32>
        %get3A_430 = arith.constant 1 : i32
        %get3A_431 = arith.index_cast %get3A_430 : i32 to index
        %get3A_432 = arith.index_cast %scan3A_324 : i32 to index
        %get3A_433 = arith.constant 80 : index
        %get3A_434 = tpu.vector_load %arg9[%get3A_431, %get3A_432, %get3A_433] {strides = array<i32>} : memref<2x96x128xf32, #tpu.memory_space<vmem>>, vector<1x1x16xf32>,
        %get3A_435 = vector.shape_cast %get3A_434 : vector<1x1x16xf32> to vector<16xf32>
        %mul3A_436 = arith.mulf %get3A_429, %get3A_435 : vector<16xf32>
        %swap3A_437 = arith.constant 1 : i32
        %swap3A_438 = arith.index_cast %swap3A_437 : i32 to index
        %swap3A_439 = arith.index_cast %scan3A_324 : i32 to index
        %swap3A_440 = arith.constant 80 : index
        %swap3A_441 = tpu.vector_load %arg10[%swap3A_438, %swap3A_439, %swap3A_440] {strides = array<i32>} : memref<2x96x128xf32, #tpu.memory_space<vmem>>, vector<1x1x16xf32>,
        %swap3A_442 = vector.shape_cast %swap3A_441 : vector<1x1x16xf32> to vector<16xf32>
        %swap3A_443 = vector.shape_cast %mul3A_436 : vector<16xf32> to vector<1x1x16xf32>
        tpu.vector_store %arg10[%swap3A_438, %swap3A_439, %swap3A_440], %swap3A_443 {strides = array<i32>} : memref<2x96x128xf32, #tpu.memory_space<vmem>>, vector<1x1x16xf32>,
        %get3A_444 = arith.constant 1 : i32
        %get3A_445 = arith.index_cast %get3A_444 : i32 to index
        %get3A_446 = arith.index_cast %scan3A_324 : i32 to index
        %get3A_447 = arith.constant 96 : index
        %get3A_448 = tpu.vector_load %arg10[%get3A_445, %get3A_446, %get3A_447] {strides = array<i32>} : memref<2x96x128xf32, #tpu.memory_space<vmem>>, vector<1x1x16xf32>,
        %get3A_449 = vector.shape_cast %get3A_448 : vector<1x1x16xf32> to vector<16xf32>
        %get3A_450 = arith.constant 1 : i32
        %get3A_451 = arith.index_cast %get3A_450 : i32 to index
        %get3A_452 = arith.index_cast %scan3A_324 : i32 to index
        %get3A_453 = arith.constant 96 : index
        %get3A_454 = tpu.vector_load %arg9[%get3A_451, %get3A_452, %get3A_453] {strides = array<i32>} : memref<2x96x128xf32, #tpu.memory_space<vmem>>, vector<1x1x16xf32>,
        %get3A_455 = vector.shape_cast %get3A_454 : vector<1x1x16xf32> to vector<16xf32>
        %mul3A_456 = arith.mulf %get3A_449, %get3A_455 : vector<16xf32>
        %swap3A_457 = arith.constant 1 : i32
        %swap3A_458 = arith.index_cast %swap3A_457 : i32 to index
        %swap3A_459 = arith.index_cast %scan3A_324 : i32 to index
        %swap3A_460 = arith.constant 96 : index
        %swap3A_461 = tpu.vector_load %arg10[%swap3A_458, %swap3A_459, %swap3A_460] {strides = array<i32>} : memref<2x96x128xf32, #tpu.memory_space<vmem>>, vector<1x1x16xf32>,
        %swap3A_462 = vector.shape_cast %swap3A_461 : vector<1x1x16xf32> to vector<16xf32>
        %swap3A_463 = vector.shape_cast %mul3A_456 : vector<16xf32> to vector<1x1x16xf32>
        tpu.vector_store %arg10[%swap3A_458, %swap3A_459, %swap3A_460], %swap3A_463 {strides = array<i32>} : memref<2x96x128xf32, #tpu.memory_space<vmem>>, vector<1x1x16xf32>,
        %get3A_464 = arith.constant 1 : i32
        %get3A_465 = arith.index_cast %get3A_464 : i32 to index
        %get3A_466 = arith.index_cast %scan3A_324 : i32 to index
        %get3A_467 = arith.constant 112 : index
        %get3A_468 = tpu.vector_load %arg10[%get3A_465, %get3A_466, %get3A_467] {strides = array<i32>} : memref<2x96x128xf32, #tpu.memory_space<vmem>>, vector<1x1x16xf32>,
        %get3A_469 = vector.shape_cast %get3A_468 : vector<1x1x16xf32> to vector<16xf32>
        %get3A_470 = arith.constant 1 : i32
        %get3A_471 = arith.index_cast %get3A_470 : i32 to index
        %get3A_472 = arith.index_cast %scan3A_324 : i32 to index
        %get3A_473 = arith.constant 112 : index
        %get3A_474 = tpu.vector_load %arg9[%get3A_471, %get3A_472, %get3A_473] {strides = array<i32>} : memref<2x96x128xf32, #tpu.memory_space<vmem>>, vector<1x1x16xf32>,
        %get3A_475 = vector.shape_cast %get3A_474 : vector<1x1x16xf32> to vector<16xf32>
        %mul3A_476 = arith.mulf %get3A_469, %get3A_475 : vector<16xf32>
        %swap3A_477 = arith.constant 1 : i32
        %swap3A_478 = arith.index_cast %swap3A_477 : i32 to index
        %swap3A_479 = arith.index_cast %scan3A_324 : i32 to index
        %swap3A_480 = arith.constant 112 : index
        %swap3A_481 = tpu.vector_load %arg10[%swap3A_478, %swap3A_479, %swap3A_480] {strides = array<i32>} : memref<2x96x128xf32, #tpu.memory_space<vmem>>, vector<1x1x16xf32>,
        %swap3A_482 = vector.shape_cast %swap3A_481 : vector<1x1x16xf32> to vector<16xf32>
        %swap3A_483 = vector.shape_cast %mul3A_476 : vector<16xf32> to vector<1x1x16xf32>
        tpu.vector_store %arg10[%swap3A_478, %swap3A_479, %swap3A_480], %swap3A_483 {strides = array<i32>} : memref<2x96x128xf32, #tpu.memory_space<vmem>>, vector<1x1x16xf32>,
        %scan3A_484 = arith.constant 0 : i32
        scf.yield %scan3A_484 : i32
      }
      %scan3A_313 = arith.constant 96 : i32
      %run_scoped3A_314 = arith.constant 1 : i32
      %run_scoped3A_315 = arith.constant 1 : i32
      "tpu.region"() ({
        %run_scoped3A_324 = tpu.sem_alloc : memref<!tpu.dma_semaphore, #tpu.memory_space<semaphore_mem>>
        %dma_start3A_325 = arith.constant 0 : i32
        %dma_start3A_326 = arith.constant 0 : i32
        %dma_start3A_327 = tpu.memref_slice %arg10[%run_scoped3A_314, %dma_start3A_325, %dma_start3A_326] : memref<2x96x128xf32, #tpu.memory_space<vmem>> -> memref<1x96x128xf32, #tpu.memory_space<vmem>>
        %dma_start3A_328 = tpu.memref_squeeze %dma_start3A_327 : memref<1x96x128xf32, #tpu.memory_space<vmem>> -> memref<96x128xf32, #tpu.memory_space<vmem>>
        %dma_start3A_329 = arith.constant 0 : i32
        %dma_start3A_330 = tpu.memref_slice %arg8[%run_scoped3A_315, %dma_start3A_329] : memref<2x96xi32, #tpu.memory_space<vmem>> -> memref<1x96xi32, #tpu.memory_space<vmem>>
        %dma_start3A_331 = tpu.memref_squeeze %dma_start3A_330 : memref<1x96xi32, #tpu.memory_space<vmem>> -> memref<96xi32, #tpu.memory_space<vmem>>
        %dma_start3A_332 = arith.constant 0 : i32
        %dma_start3A_333 = arith.constant 0 : i32
        %dma_start3A_334 = tpu.memref_slice %arg11[%dma_start3A_332, %dma_start3A_333] : memref<10112x128xf32, #tpu.memory_space<vmem_shared>> -> memref<10112x128xf32, #tpu.memory_space<vmem_shared>>
        tpu.enqueue_indirect_dma source(%dma_start3A_328 : memref<96x128xf32, #tpu.memory_space<vmem>>) target(%dma_start3A_334 : memref<10112x128xf32, #tpu.memory_space<vmem_shared>>) offsets(%dma_start3A_331 : memref<96xi32, #tpu.memory_space<vmem>>) semaphore(%run_scoped3A_324 : memref<!tpu.dma_semaphore, #tpu.memory_space<semaphore_mem>>) {add = true}
        %dma_wait3A_335 = arith.constant 0 : i32
        %dma_wait3A_336 = arith.constant 0 : i32
        %dma_wait3A_337 = tpu.memref_slice %arg10[%run_scoped3A_314, %dma_wait3A_335, %dma_wait3A_336] : memref<2x96x128xf32, #tpu.memory_space<vmem>> -> memref<1x96x128xf32, #tpu.memory_space<vmem>>
        %dma_wait3A_338 = tpu.memref_squeeze %dma_wait3A_337 : memref<1x96x128xf32, #tpu.memory_space<vmem>> -> memref<96x128xf32, #tpu.memory_space<vmem>>
        %dma_wait3A_339 = arith.constant 0 : i32
        %dma_wait3A_340 = tpu.memref_slice %arg8[%run_scoped3A_315, %dma_wait3A_339] : memref<2x96xi32, #tpu.memory_space<vmem>> -> memref<1x96xi32, #tpu.memory_space<vmem>>
        %dma_wait3A_341 = tpu.memref_squeeze %dma_wait3A_340 : memref<1x96xi32, #tpu.memory_space<vmem>> -> memref<96xi32, #tpu.memory_space<vmem>>
        %dma_wait3A_342 = arith.constant 0 : i32
        %dma_wait3A_343 = arith.constant 0 : i32
        %dma_wait3A_344 = tpu.memref_slice %arg11[%dma_wait3A_342, %dma_wait3A_343] : memref<10112x128xf32, #tpu.memory_space<vmem_shared>> -> memref<10112x128xf32, #tpu.memory_space<vmem_shared>>
        tpu.wait_indirect_dma semaphore(%run_scoped3A_324 : memref<!tpu.dma_semaphore, #tpu.memory_space<semaphore_mem>>) src(%dma_wait3A_338 : memref<96x128xf32, #tpu.memory_space<vmem>>) dst(%dma_wait3A_344 : memref<10112x128xf32, #tpu.memory_space<vmem_shared>>)
        tpu.yield
      }) : () -> ()
      %add3A_316 = arith.constant 2 : i32
      %add3A_317 = arith.addi %add3A_254, %add3A_316 : i32
      %lt3A_318 = arith.constant 106 : i32
      %lt3A_319 = arith.cmpi slt, %add3A_317, %lt3A_318 : i32
      %convert_element_type3A_320 = arith.extui %lt3A_319 : i1 to i32
      %cond3A_321 = arith.constant 0 : i32
      %cond3A_322 = arith.cmpi ne, %convert_element_type3A_320, %cond3A_321 : i32
      scf.if %cond3A_322 {
        %add3A_324 = arith.constant 2 : i32
        %add3A_325 = arith.addi %add3A_254, %add3A_324 : i32
        %add3A_326 = arith.addi %mul3A_2, %add3A_325 : i32
        %dma_start3A_327 = arith.constant 1 : i32
        %dma_start3A_328 = arith.constant 0 : i32
        %dma_start3A_329 = tpu.memref_slice %arg7[%dma_start3A_327, %dma_start3A_328] : memref<2x96xi32, #tpu.memory_space<vmem>> -> memref<1x96xi32, #tpu.memory_space<vmem>>
        %dma_start3A_330 = tpu.memref_squeeze %dma_start3A_329 : memref<1x96xi32, #tpu.memory_space<vmem>> -> memref<96xi32, #tpu.memory_space<vmem>>
        %dma_start3A_331 = arith.constant 0 : i32
        %dma_start3A_332 = tpu.memref_slice %arg4[%add3A_326, %dma_start3A_331] : memref<3392x96xi32, #tpu.memory_space<hbm>> -> memref<1x96xi32, #tpu.memory_space<hbm>>
        %dma_start3A_333 = tpu.memref_squeeze %dma_start3A_332 : memref<1x96xi32, #tpu.memory_space<hbm>> -> memref<96xi32, #tpu.memory_space<hbm>>
        %dma_start3A_334 = arith.constant 0 : i32
        %dma_start3A_335 = tpu.memref_slice %arg7[%dma_start3A_327, %dma_start3A_334] : memref<2x96xi32, #tpu.memory_space<vmem>> -> memref<1x96xi32, #tpu.memory_space<vmem>>
        %dma_start3A_336 = tpu.memref_squeeze %dma_start3A_335 : memref<1x96xi32, #tpu.memory_space<vmem>> -> memref<96xi32, #tpu.memory_space<vmem>>
        %dma_start3A_337 = arith.constant 0 : i32
        %dma_start3A_338 = tpu.memref_slice %arg4[%add3A_326, %dma_start3A_337] : memref<3392x96xi32, #tpu.memory_space<hbm>> -> memref<1x96xi32, #tpu.memory_space<hbm>>
        %dma_start3A_339 = tpu.memref_squeeze %dma_start3A_338 : memref<1x96xi32, #tpu.memory_space<hbm>> -> memref<96xi32, #tpu.memory_space<hbm>>
        tpu.enqueue_dma source(%dma_start3A_339 : memref<96xi32, #tpu.memory_space<hbm>>) target(%dma_start3A_336 : memref<96xi32, #tpu.memory_space<vmem>>) target_semaphore(%arg15 : memref<!tpu.dma_semaphore, #tpu.memory_space<semaphore_mem>>)
        %add3A_340 = arith.addi %mul3A_2, %add3A_325 : i32
        %dma_start3A_341 = arith.constant 1 : i32
        %dma_start3A_342 = arith.constant 0 : i32
        %dma_start3A_343 = tpu.memref_slice %arg8[%dma_start3A_341, %dma_start3A_342] : memref<2x96xi32, #tpu.memory_space<vmem>> -> memref<1x96xi32, #tpu.memory_space<vmem>>
        %dma_start3A_344 = tpu.memref_squeeze %dma_start3A_343 : memref<1x96xi32, #tpu.memory_space<vmem>> -> memref<96xi32, #tpu.memory_space<vmem>>
        %dma_start3A_345 = arith.constant 0 : i32
        %dma_start3A_346 = tpu.memref_slice %arg5[%add3A_340, %dma_start3A_345] : memref<3392x96xi32, #tpu.memory_space<hbm>> -> memref<1x96xi32, #tpu.memory_space<hbm>>
        %dma_start3A_347 = tpu.memref_squeeze %dma_start3A_346 : memref<1x96xi32, #tpu.memory_space<hbm>> -> memref<96xi32, #tpu.memory_space<hbm>>
        %dma_start3A_348 = arith.constant 0 : i32
        %dma_start3A_349 = tpu.memref_slice %arg8[%dma_start3A_341, %dma_start3A_348] : memref<2x96xi32, #tpu.memory_space<vmem>> -> memref<1x96xi32, #tpu.memory_space<vmem>>
        %dma_start3A_350 = tpu.memref_squeeze %dma_start3A_349 : memref<1x96xi32, #tpu.memory_space<vmem>> -> memref<96xi32, #tpu.memory_space<vmem>>
        %dma_start3A_351 = arith.constant 0 : i32
        %dma_start3A_352 = tpu.memref_slice %arg5[%add3A_340, %dma_start3A_351] : memref<3392x96xi32, #tpu.memory_space<hbm>> -> memref<1x96xi32, #tpu.memory_space<hbm>>
        %dma_start3A_353 = tpu.memref_squeeze %dma_start3A_352 : memref<1x96xi32, #tpu.memory_space<hbm>> -> memref<96xi32, #tpu.memory_space<hbm>>
        tpu.enqueue_dma source(%dma_start3A_353 : memref<96xi32, #tpu.memory_space<hbm>>) target(%dma_start3A_350 : memref<96xi32, #tpu.memory_space<vmem>>) target_semaphore(%arg15 : memref<!tpu.dma_semaphore, #tpu.memory_space<semaphore_mem>>)
      } else {
      }
      %scan3A_323 = arith.constant 0 : i32
      scf.yield %scan3A_323 : i32
    }
    %scan3A_164 = arith.constant 53 : i32
    %barrier3A_165 = arith.constant 0 : index
    tpu.barrier barrier_id(%barrier3A_165)
    %add3A_166 = arith.constant 0 : i32
    %add3A_167 = arith.addi %mul3A_10, %add3A_166 : i32
    "tpu.region"() ({
      %run_scoped3A_180 = tpu.sem_alloc : memref<!tpu.dma_semaphore, #tpu.memory_space<semaphore_mem>>
      %dma_start3A_181 = arith.constant 0 : i32
      %dma_start3A_182 = tpu.memref_slice %arg6[%arg0, %add3A_167, %dma_start3A_181] : memref<2x10240x128xf32, #tpu.memory_space<hbm>> -> memref<1x96x128xf32, #tpu.memory_space<hbm>>
      %dma_start3A_183 = tpu.memref_squeeze %dma_start3A_182 : memref<1x96x128xf32, #tpu.memory_space<hbm>> -> memref<96x128xf32, #tpu.memory_space<hbm>>
      %dma_start3A_184 = arith.constant 0 : i32
      %dma_start3A_185 = tpu.memref_slice %arg11[%add3A_167, %dma_start3A_184] : memref<10112x128xf32, #tpu.memory_space<vmem_shared>> -> memref<96x128xf32, #tpu.memory_space<vmem_shared>>
      tpu.enqueue_dma source(%dma_start3A_185 : memref<96x128xf32, #tpu.memory_space<vmem_shared>>) target(%dma_start3A_183 : memref<96x128xf32, #tpu.memory_space<hbm>>) target_semaphore(%run_scoped3A_180 : memref<!tpu.dma_semaphore, #tpu.memory_space<semaphore_mem>>)
      %dma_wait3A_186 = arith.constant 0 : i32
      %dma_wait3A_187 = tpu.memref_slice %arg6[%arg0, %add3A_167, %dma_wait3A_186] : memref<2x10240x128xf32, #tpu.memory_space<hbm>> -> memref<1x96x128xf32, #tpu.memory_space<hbm>>
      %dma_wait3A_188 = tpu.memref_squeeze %dma_wait3A_187 : memref<1x96x128xf32, #tpu.memory_space<hbm>> -> memref<96x128xf32, #tpu.memory_space<hbm>>
      %dma_wait3A_189 = arith.constant 0 : i32
      %dma_wait3A_190 = tpu.memref_slice %arg11[%add3A_167, %dma_wait3A_189] : memref<10112x128xf32, #tpu.memory_space<vmem_shared>> -> memref<96x128xf32, #tpu.memory_space<vmem_shared>>
      tpu.wait_dma2 semaphore(%run_scoped3A_180 : memref<!tpu.dma_semaphore, #tpu.memory_space<semaphore_mem>>) src(%dma_wait3A_190 : memref<96x128xf32, #tpu.memory_space<vmem_shared>>) dst(%dma_wait3A_188 : memref<96x128xf32, #tpu.memory_space<hbm>>)
      tpu.yield
    }) : () -> ()
    %add3A_168 = arith.constant 96 : i32
    %add3A_169 = arith.addi %mul3A_10, %add3A_168 : i32
    "tpu.region"() ({
      %run_scoped3A_180 = tpu.sem_alloc : memref<!tpu.dma_semaphore, #tpu.memory_space<semaphore_mem>>
      %dma_start3A_181 = arith.constant 0 : i32
      %dma_start3A_182 = tpu.memref_slice %arg6[%arg0, %add3A_169, %dma_start3A_181] : memref<2x10240x128xf32, #tpu.memory_space<hbm>> -> memref<1x96x128xf32, #tpu.memory_space<hbm>>
      %dma_start3A_183 = tpu.memref_squeeze %dma_start3A_182 : memref<1x96x128xf32, #tpu.memory_space<hbm>> -> memref<96x128xf32, #tpu.memory_space<hbm>>
      %dma_start3A_184 = arith.constant 0 : i32
      %dma_start3A_185 = tpu.memref_slice %arg11[%add3A_169, %dma_start3A_184] : memref<10112x128xf32, #tpu.memory_space<vmem_shared>> -> memref<96x128xf32, #tpu.memory_space<vmem_shared>>
      tpu.enqueue_dma source(%dma_start3A_185 : memref<96x128xf32, #tpu.memory_space<vmem_shared>>) target(%dma_start3A_183 : memref<96x128xf32, #tpu.memory_space<hbm>>) target_semaphore(%run_scoped3A_180 : memref<!tpu.dma_semaphore, #tpu.memory_space<semaphore_mem>>)
      %dma_wait3A_186 = arith.constant 0 : i32
      %dma_wait3A_187 = tpu.memref_slice %arg6[%arg0, %add3A_169, %dma_wait3A_186] : memref<2x10240x128xf32, #tpu.memory_space<hbm>> -> memref<1x96x128xf32, #tpu.memory_space<hbm>>
      %dma_wait3A_188 = tpu.memref_squeeze %dma_wait3A_187 : memref<1x96x128xf32, #tpu.memory_space<hbm>> -> memref<96x128xf32, #tpu.memory_space<hbm>>
      %dma_wait3A_189 = arith.constant 0 : i32
      %dma_wait3A_190 = tpu.memref_slice %arg11[%add3A_169, %dma_wait3A_189] : memref<10112x128xf32, #tpu.memory_space<vmem_shared>> -> memref<96x128xf32, #tpu.memory_space<vmem_shared>>
      tpu.wait_dma2 semaphore(%run_scoped3A_180 : memref<!tpu.dma_semaphore, #tpu.memory_space<semaphore_mem>>) src(%dma_wait3A_190 : memref<96x128xf32, #tpu.memory_space<vmem_shared>>) dst(%dma_wait3A_188 : memref<96x128xf32, #tpu.memory_space<hbm>>)
      tpu.yield
    }) : () -> ()
    %add3A_170 = arith.constant 192 : i32
    %add3A_171 = arith.addi %mul3A_10, %add3A_170 : i32
    "tpu.region"() ({
      %run_scoped3A_180 = tpu.sem_alloc : memref<!tpu.dma_semaphore, #tpu.memory_space<semaphore_mem>>
      %dma_start3A_181 = arith.constant 0 : i32
      %dma_start3A_182 = tpu.memref_slice %arg6[%arg0, %add3A_171, %dma_start3A_181] : memref<2x10240x128xf32, #tpu.memory_space<hbm>> -> memref<1x96x128xf32, #tpu.memory_space<hbm>>
      %dma_start3A_183 = tpu.memref_squeeze %dma_start3A_182 : memref<1x96x128xf32, #tpu.memory_space<hbm>> -> memref<96x128xf32, #tpu.memory_space<hbm>>
      %dma_start3A_184 = arith.constant 0 : i32
      %dma_start3A_185 = tpu.memref_slice %arg11[%add3A_171, %dma_start3A_184] : memref<10112x128xf32, #tpu.memory_space<vmem_shared>> -> memref<96x128xf32, #tpu.memory_space<vmem_shared>>
      tpu.enqueue_dma source(%dma_start3A_185 : memref<96x128xf32, #tpu.memory_space<vmem_shared>>) target(%dma_start3A_183 : memref<96x128xf32, #tpu.memory_space<hbm>>) target_semaphore(%run_scoped3A_180 : memref<!tpu.dma_semaphore, #tpu.memory_space<semaphore_mem>>)
      %dma_wait3A_186 = arith.constant 0 : i32
      %dma_wait3A_187 = tpu.memref_slice %arg6[%arg0, %add3A_171, %dma_wait3A_186] : memref<2x10240x128xf32, #tpu.memory_space<hbm>> -> memref<1x96x128xf32, #tpu.memory_space<hbm>>
      %dma_wait3A_188 = tpu.memref_squeeze %dma_wait3A_187 : memref<1x96x128xf32, #tpu.memory_space<hbm>> -> memref<96x128xf32, #tpu.memory_space<hbm>>
      %dma_wait3A_189 = arith.constant 0 : i32
      %dma_wait3A_190 = tpu.memref_slice %arg11[%add3A_171, %dma_wait3A_189] : memref<10112x128xf32, #tpu.memory_space<vmem_shared>> -> memref<96x128xf32, #tpu.memory_space<vmem_shared>>
      tpu.wait_dma2 semaphore(%run_scoped3A_180 : memref<!tpu.dma_semaphore, #tpu.memory_space<semaphore_mem>>) src(%dma_wait3A_190 : memref<96x128xf32, #tpu.memory_space<vmem_shared>>) dst(%dma_wait3A_188 : memref<96x128xf32, #tpu.memory_space<hbm>>)
      tpu.yield
    }) : () -> ()
    %add3A_172 = arith.constant 288 : i32
    %add3A_173 = arith.addi %mul3A_10, %add3A_172 : i32
    "tpu.region"() ({
      %run_scoped3A_180 = tpu.sem_alloc : memref<!tpu.dma_semaphore, #tpu.memory_space<semaphore_mem>>
      %dma_start3A_181 = arith.constant 0 : i32
      %dma_start3A_182 = tpu.memref_slice %arg6[%arg0, %add3A_173, %dma_start3A_181] : memref<2x10240x128xf32, #tpu.memory_space<hbm>> -> memref<1x96x128xf32, #tpu.memory_space<hbm>>
      %dma_start3A_183 = tpu.memref_squeeze %dma_start3A_182 : memref<1x96x128xf32, #tpu.memory_space<hbm>> -> memref<96x128xf32, #tpu.memory_space<hbm>>
      %dma_start3A_184 = arith.constant 0 : i32
      %dma_start3A_185 = tpu.memref_slice %arg11[%add3A_173, %dma_start3A_184] : memref<10112x128xf32, #tpu.memory_space<vmem_shared>> -> memref<96x128xf32, #tpu.memory_space<vmem_shared>>
      tpu.enqueue_dma source(%dma_start3A_185 : memref<96x128xf32, #tpu.memory_space<vmem_shared>>) target(%dma_start3A_183 : memref<96x128xf32, #tpu.memory_space<hbm>>) target_semaphore(%run_scoped3A_180 : memref<!tpu.dma_semaphore, #tpu.memory_space<semaphore_mem>>)
      %dma_wait3A_186 = arith.constant 0 : i32
      %dma_wait3A_187 = tpu.memref_slice %arg6[%arg0, %add3A_173, %dma_wait3A_186] : memref<2x10240x128xf32, #tpu.memory_space<hbm>> -> memref<1x96x128xf32, #tpu.memory_space<hbm>>
      %dma_wait3A_188 = tpu.memref_squeeze %dma_wait3A_187 : memref<1x96x128xf32, #tpu.memory_space<hbm>> -> memref<96x128xf32, #tpu.memory_space<hbm>>
      %dma_wait3A_189 = arith.constant 0 : i32
      %dma_wait3A_190 = tpu.memref_slice %arg11[%add3A_173, %dma_wait3A_189] : memref<10112x128xf32, #tpu.memory_space<vmem_shared>> -> memref<96x128xf32, #tpu.memory_space<vmem_shared>>
      tpu.wait_dma2 semaphore(%run_scoped3A_180 : memref<!tpu.dma_semaphore, #tpu.memory_space<semaphore_mem>>) src(%dma_wait3A_190 : memref<96x128xf32, #tpu.memory_space<vmem_shared>>) dst(%dma_wait3A_188 : memref<96x128xf32, #tpu.memory_space<hbm>>)
      tpu.yield
    }) : () -> ()
    %add3A_174 = arith.constant 384 : i32
    %add3A_175 = arith.addi %mul3A_10, %add3A_174 : i32
    "tpu.region"() ({
      %run_scoped3A_180 = tpu.sem_alloc : memref<!tpu.dma_semaphore, #tpu.memory_space<semaphore_mem>>
      %dma_start3A_181 = arith.constant 0 : i32
      %dma_start3A_182 = tpu.memref_slice %arg6[%arg0, %add3A_175, %dma_start3A_181] : memref<2x10240x128xf32, #tpu.memory_space<hbm>> -> memref<1x96x128xf32, #tpu.memory_space<hbm>>
      %dma_start3A_183 = tpu.memref_squeeze %dma_start3A_182 : memref<1x96x128xf32, #tpu.memory_space<hbm>> -> memref<96x128xf32, #tpu.memory_space<hbm>>
      %dma_start3A_184 = arith.constant 0 : i32
      %dma_start3A_185 = tpu.memref_slice %arg11[%add3A_175, %dma_start3A_184] : memref<10112x128xf32, #tpu.memory_space<vmem_shared>> -> memref<96x128xf32, #tpu.memory_space<vmem_shared>>
      tpu.enqueue_dma source(%dma_start3A_185 : memref<96x128xf32, #tpu.memory_space<vmem_shared>>) target(%dma_start3A_183 : memref<96x128xf32, #tpu.memory_space<hbm>>) target_semaphore(%run_scoped3A_180 : memref<!tpu.dma_semaphore, #tpu.memory_space<semaphore_mem>>)
      %dma_wait3A_186 = arith.constant 0 : i32
      %dma_wait3A_187 = tpu.memref_slice %arg6[%arg0, %add3A_175, %dma_wait3A_186] : memref<2x10240x128xf32, #tpu.memory_space<hbm>> -> memref<1x96x128xf32, #tpu.memory_space<hbm>>
      %dma_wait3A_188 = tpu.memref_squeeze %dma_wait3A_187 : memref<1x96x128xf32, #tpu.memory_space<hbm>> -> memref<96x128xf32, #tpu.memory_space<hbm>>
      %dma_wait3A_189 = arith.constant 0 : i32
      %dma_wait3A_190 = tpu.memref_slice %arg11[%add3A_175, %dma_wait3A_189] : memref<10112x128xf32, #tpu.memory_space<vmem_shared>> -> memref<96x128xf32, #tpu.memory_space<vmem_shared>>
      tpu.wait_dma2 semaphore(%run_scoped3A_180 : memref<!tpu.dma_semaphore, #tpu.memory_space<semaphore_mem>>) src(%dma_wait3A_190 : memref<96x128xf32, #tpu.memory_space<vmem_shared>>) dst(%dma_wait3A_188 : memref<96x128xf32, #tpu.memory_space<hbm>>)
      tpu.yield
    }) : () -> ()
    %add3A_176 = arith.constant 480 : i32
    %add3A_177 = arith.addi %mul3A_10, %add3A_176 : i32
    "tpu.region"() ({
      %run_scoped3A_180 = tpu.sem_alloc : memref<!tpu.dma_semaphore, #tpu.memory_space<semaphore_mem>>
      %dma_start3A_181 = arith.constant 0 : i32
      %dma_start3A_182 = tpu.memref_slice %arg6[%arg0, %add3A_177, %dma_start3A_181] : memref<2x10240x128xf32, #tpu.memory_space<hbm>> -> memref<1x96x128xf32, #tpu.memory_space<hbm>>
      %dma_start3A_183 = tpu.memref_squeeze %dma_start3A_182 : memref<1x96x128xf32, #tpu.memory_space<hbm>> -> memref<96x128xf32, #tpu.memory_space<hbm>>
      %dma_start3A_184 = arith.constant 0 : i32
      %dma_start3A_185 = tpu.memref_slice %arg11[%add3A_177, %dma_start3A_184] : memref<10112x128xf32, #tpu.memory_space<vmem_shared>> -> memref<96x128xf32, #tpu.memory_space<vmem_shared>>
      tpu.enqueue_dma source(%dma_start3A_185 : memref<96x128xf32, #tpu.memory_space<vmem_shared>>) target(%dma_start3A_183 : memref<96x128xf32, #tpu.memory_space<hbm>>) target_semaphore(%run_scoped3A_180 : memref<!tpu.dma_semaphore, #tpu.memory_space<semaphore_mem>>)
      %dma_wait3A_186 = arith.constant 0 : i32
      %dma_wait3A_187 = tpu.memref_slice %arg6[%arg0, %add3A_177, %dma_wait3A_186] : memref<2x10240x128xf32, #tpu.memory_space<hbm>> -> memref<1x96x128xf32, #tpu.memory_space<hbm>>
      %dma_wait3A_188 = tpu.memref_squeeze %dma_wait3A_187 : memref<1x96x128xf32, #tpu.memory_space<hbm>> -> memref<96x128xf32, #tpu.memory_space<hbm>>
      %dma_wait3A_189 = arith.constant 0 : i32
      %dma_wait3A_190 = tpu.memref_slice %arg11[%add3A_177, %dma_wait3A_189] : memref<10112x128xf32, #tpu.memory_space<vmem_shared>> -> memref<96x128xf32, #tpu.memory_space<vmem_shared>>
      tpu.wait_dma2 semaphore(%run_scoped3A_180 : memref<!tpu.dma_semaphore, #tpu.memory_space<semaphore_mem>>) src(%dma_wait3A_190 : memref<96x128xf32, #tpu.memory_space<vmem_shared>>) dst(%dma_wait3A_188 : memref<96x128xf32, #tpu.memory_space<hbm>>)
      tpu.yield
    }) : () -> ()
    %add3A_178 = arith.constant 576 : i32
    %add3A_179 = arith.addi %mul3A_10, %add3A_178 : i32
    "tpu.region"() ({
      %run_scoped3A_180 = tpu.sem_alloc : memref<!tpu.dma_semaphore, #tpu.memory_space<semaphore_mem>>
      %dma_start3A_181 = arith.constant 0 : i32
      %dma_start3A_182 = tpu.memref_slice %arg6[%arg0, %add3A_179, %dma_start3A_181] : memref<2x10240x128xf32, #tpu.memory_space<hbm>> -> memref<1x56x128xf32, #tpu.memory_space<hbm>>
      %dma_start3A_183 = tpu.memref_squeeze %dma_start3A_182 : memref<1x56x128xf32, #tpu.memory_space<hbm>> -> memref<56x128xf32, #tpu.memory_space<hbm>>
      %dma_start3A_184 = arith.constant 0 : i32
      %dma_start3A_185 = tpu.memref_slice %arg11[%add3A_179, %dma_start3A_184] : memref<10112x128xf32, #tpu.memory_space<vmem_shared>> -> memref<56x128xf32, #tpu.memory_space<vmem_shared>>
      tpu.enqueue_dma source(%dma_start3A_185 : memref<56x128xf32, #tpu.memory_space<vmem_shared>>) target(%dma_start3A_183 : memref<56x128xf32, #tpu.memory_space<hbm>>) target_semaphore(%run_scoped3A_180 : memref<!tpu.dma_semaphore, #tpu.memory_space<semaphore_mem>>)
      %dma_wait3A_186 = arith.constant 0 : i32
      %dma_wait3A_187 = tpu.memref_slice %arg6[%arg0, %add3A_179, %dma_wait3A_186] : memref<2x10240x128xf32, #tpu.memory_space<hbm>> -> memref<1x56x128xf32, #tpu.memory_space<hbm>>
      %dma_wait3A_188 = tpu.memref_squeeze %dma_wait3A_187 : memref<1x56x128xf32, #tpu.memory_space<hbm>> -> memref<56x128xf32, #tpu.memory_space<hbm>>
      %dma_wait3A_189 = arith.constant 0 : i32
      %dma_wait3A_190 = tpu.memref_slice %arg11[%add3A_179, %dma_wait3A_189] : memref<10112x128xf32, #tpu.memory_space<vmem_shared>> -> memref<56x128xf32, #tpu.memory_space<vmem_shared>>
      tpu.wait_dma2 semaphore(%run_scoped3A_180 : memref<!tpu.dma_semaphore, #tpu.memory_space<semaphore_mem>>) src(%dma_wait3A_190 : memref<56x128xf32, #tpu.memory_space<vmem_shared>>) dst(%dma_wait3A_188 : memref<56x128xf32, #tpu.memory_space<hbm>>)
      tpu.yield
    }) : () -> ()
    return
  }
}

module attributes {stable_mosaic.version = 14 : i64} {
  func.func @_filter_body(%arg0: i32, %arg1: memref<512x16xf32, #tpu.memory_space<vmem>>, %arg2: memref<16x128xf32, #tpu.memory_space<vmem>>, %arg3: memref<1x128xf32, #tpu.memory_space<vmem>>, %arg4: memref<128x128xf32, #tpu.memory_space<vmem>>, %arg5: memref<1x128xf32, #tpu.memory_space<vmem>>, %arg6: memref<512x128xf32, #tpu.memory_space<vmem>>) attributes {dimension_semantics = [#tpu.dimension_semantics<arbitrary>], iteration_bounds = array<i64: 636>, scalar_prefetch = 0 : i64, scratch_operands = 0 : i64, tpu.core_type = #tpu.core_type<tc>, window_params = [{transform_indices = @transform_0, window_bounds = array<i64: 512, 16>}, {pipeline_mode = #tpu.pipeline_mode<synchronous>, transform_indices = @transform_1, window_bounds = array<i64: 16, 128>}, {pipeline_mode = #tpu.pipeline_mode<synchronous>, transform_indices = @transform_2, window_bounds = array<i64: 1, 128>}, {pipeline_mode = #tpu.pipeline_mode<synchronous>, transform_indices = @transform_3, window_bounds = array<i64: 128, 128>}, {pipeline_mode = #tpu.pipeline_mode<synchronous>, transform_indices = @transform_4, window_bounds = array<i64: 1, 128>}, {transform_indices = @transform_5, window_bounds = array<i64: 512, 128>}]} {
    %get3A = arith.constant 0 : index
    %get3A_0 = arith.constant 0 : index
    %get3A_1 = vector.load %arg1[%get3A, %get3A_0] : memref<512x16xf32, #tpu.memory_space<vmem>>, vector<512x16xf32>
    %get3A_2 = arith.constant 0 : index
    %get3A_3 = arith.constant 0 : index
    %get3A_4 = vector.load %arg2[%get3A_2, %get3A_3] : memref<16x128xf32, #tpu.memory_space<vmem>>, vector<16x128xf32>
    %dot_general3A = arith.constant dense<0.000000e+00> : vector<512x128xf32>
    %dot_general3A_5 = tpu.matmul %get3A_1, %get3A_4, %dot_general3A {dimension_numbers = #tpu.dot_dimension_numbers<[1], [0], [0], [1], [0, 0, 1, 1], [], []>, transpose_lhs_hint = false} : vector<512x16xf32>, vector<16x128xf32>, vector<512x128xf32> -> vector<512x128xf32>
    %get3A_6 = arith.constant 0 : index
    %get3A_7 = arith.constant 0 : index
    %get3A_8 = vector.load %arg3[%get3A_6, %get3A_7] : memref<1x128xf32, #tpu.memory_space<vmem>>, vector<1x128xf32>
    %add3A = vector.broadcast %get3A_8 : vector<1x128xf32> to vector<512x128xf32>
    %add3A_9 = arith.addf %dot_general3A_5, %add3A : vector<512x128xf32>
    %max3A = arith.constant 0.000000e+00 : f32
    %max3A_10 = vector.broadcast %max3A : f32 to vector<512x128xf32>
    %max3A_11 = arith.maximumf %add3A_9, %max3A_10 : vector<512x128xf32>
    %get3A_12 = arith.constant 0 : index
    %get3A_13 = arith.constant 0 : index
    %get3A_14 = vector.load %arg4[%get3A_12, %get3A_13] : memref<128x128xf32, #tpu.memory_space<vmem>>, vector<128x128xf32>
    %dot_general3A_15 = arith.constant dense<0.000000e+00> : vector<512x128xf32>
    %dot_general3A_16 = tpu.matmul %max3A_11, %get3A_14, %dot_general3A_15 {dimension_numbers = #tpu.dot_dimension_numbers<[1], [0], [0], [1], [0, 0, 1, 1], [], []>, transpose_lhs_hint = false} : vector<512x128xf32>, vector<128x128xf32>, vector<512x128xf32> -> vector<512x128xf32>
    %get3A_17 = arith.constant 0 : index
    %get3A_18 = arith.constant 0 : index
    %get3A_19 = vector.load %arg5[%get3A_17, %get3A_18] : memref<1x128xf32, #tpu.memory_space<vmem>>, vector<1x128xf32>
    %add3A_20 = vector.broadcast %get3A_19 : vector<1x128xf32> to vector<512x128xf32>
    %add3A_21 = arith.addf %dot_general3A_16, %add3A_20 : vector<512x128xf32>
    %swap3A = arith.constant 0 : index
    %swap3A_22 = arith.constant 0 : index
    %swap3A_23 = vector.load %arg6[%swap3A, %swap3A_22] : memref<512x128xf32, #tpu.memory_space<vmem>>, vector<512x128xf32>
    tpu.vector_store %arg6[%swap3A, %swap3A_22], %add3A_21 {strides = array<i32>} : memref<512x128xf32, #tpu.memory_space<vmem>>, vector<512x128xf32>,
    return
  }
  func.func @transform_0(%arg0: i32) -> (i32, i32) {
    %c0_i32 = arith.constant 0 : i32
    %c0_i32_0 = arith.constant 0 : i32
    return %arg0, %c0_i32 : i32, i32
  }
  func.func @transform_1(%arg0: i32) -> (i32, i32) {
    %c0_i32 = arith.constant 0 : i32
    %c0_i32_0 = arith.constant 0 : i32
    %c0_i32_1 = arith.constant 0 : i32
    return %c0_i32, %c0_i32_0 : i32, i32
  }
  func.func @transform_2(%arg0: i32) -> (i32, i32) {
    %c0_i32 = arith.constant 0 : i32
    %c0_i32_0 = arith.constant 0 : i32
    %c0_i32_1 = arith.constant 0 : i32
    return %c0_i32, %c0_i32_0 : i32, i32
  }
  func.func @transform_3(%arg0: i32) -> (i32, i32) {
    %c0_i32 = arith.constant 0 : i32
    %c0_i32_0 = arith.constant 0 : i32
    %c0_i32_1 = arith.constant 0 : i32
    return %c0_i32, %c0_i32_0 : i32, i32
  }
  func.func @transform_4(%arg0: i32) -> (i32, i32) {
    %c0_i32 = arith.constant 0 : i32
    %c0_i32_0 = arith.constant 0 : i32
    %c0_i32_1 = arith.constant 0 : i32
    return %c0_i32, %c0_i32_0 : i32, i32
  }
  func.func @transform_5(%arg0: i32) -> (i32, i32) {
    %c0_i32 = arith.constant 0 : i32
    %c0_i32_0 = arith.constant 0 : i32
    return %arg0, %c0_i32 : i32, i32
  }
}

module attributes {stable_mosaic.version = 14 : i64} {
  func.func @_gru_body(%arg0: i32, %arg1: memref<2x256x128xf32, #tpu.memory_space<vmem>>, %arg2: memref<2x256x128xf32, #tpu.memory_space<vmem>>, %arg3: memref<256x128xf32, #tpu.memory_space<vmem>>, %arg4: memref<128x384xf32, #tpu.memory_space<vmem>>, %arg5: memref<128x384xf32, #tpu.memory_space<vmem>>, %arg6: memref<1x384xf32, #tpu.memory_space<vmem>>, %arg7: memref<1x384xf32, #tpu.memory_space<vmem>>, %arg8: memref<256x128xf32, #tpu.memory_space<vmem>>) attributes {dimension_semantics = [#tpu.dimension_semantics<arbitrary>], iteration_bounds = array<i64: 40>, scalar_prefetch = 0 : i64, scratch_operands = 0 : i64, tpu.core_type = #tpu.core_type<tc>, window_params = [{transform_indices = @transform_0, window_bounds = array<i64: 2, 256, 128>}, {transform_indices = @transform_1, window_bounds = array<i64: 2, 256, 128>}, {transform_indices = @transform_2, window_bounds = array<i64: 256, 128>}, {pipeline_mode = #tpu.pipeline_mode<synchronous>, transform_indices = @transform_3, window_bounds = array<i64: 128, 384>}, {pipeline_mode = #tpu.pipeline_mode<synchronous>, transform_indices = @transform_4, window_bounds = array<i64: 128, 384>}, {pipeline_mode = #tpu.pipeline_mode<synchronous>, transform_indices = @transform_5, window_bounds = array<i64: 1, 384>}, {pipeline_mode = #tpu.pipeline_mode<synchronous>, transform_indices = @transform_6, window_bounds = array<i64: 1, 384>}, {transform_indices = @transform_7, window_bounds = array<i64: 256, 128>}]} {
    %get3A = arith.constant 0 : index
    %get3A_0 = arith.constant 0 : index
    %get3A_1 = arith.constant 0 : index
    %get3A_2 = vector.load %arg1[%get3A, %get3A_0, %get3A_1] : memref<2x256x128xf32, #tpu.memory_space<vmem>>, vector<1x256x128xf32>
    %get3A_3 = vector.shape_cast %get3A_2 : vector<1x256x128xf32> to vector<256x128xf32>
    %get3A_4 = arith.constant 1 : index
    %get3A_5 = arith.constant 0 : index
    %get3A_6 = arith.constant 0 : index
    %get3A_7 = vector.load %arg1[%get3A_4, %get3A_5, %get3A_6] : memref<2x256x128xf32, #tpu.memory_space<vmem>>, vector<1x256x128xf32>
    %get3A_8 = vector.shape_cast %get3A_7 : vector<1x256x128xf32> to vector<256x128xf32>
    %add3A = arith.addf %get3A_3, %get3A_8 : vector<256x128xf32>
    %get3A_9 = arith.constant 0 : index
    %get3A_10 = arith.constant 0 : index
    %get3A_11 = arith.constant 0 : index
    %get3A_12 = vector.load %arg2[%get3A_9, %get3A_10, %get3A_11] : memref<2x256x128xf32, #tpu.memory_space<vmem>>, vector<1x256x1xf32>
    %get3A_13 = vector.shape_cast %get3A_12 : vector<1x256x1xf32> to vector<256x1xf32>
    %get3A_14 = arith.constant 1 : index
    %get3A_15 = arith.constant 0 : index
    %get3A_16 = arith.constant 0 : index
    %get3A_17 = vector.load %arg2[%get3A_14, %get3A_15, %get3A_16] : memref<2x256x128xf32, #tpu.memory_space<vmem>>, vector<1x256x1xf32>
    %get3A_18 = vector.shape_cast %get3A_17 : vector<1x256x1xf32> to vector<256x1xf32>
    %add3A_19 = arith.addf %get3A_13, %get3A_18 : vector<256x1xf32>
    %max3A = arith.constant 1.000000e+00 : f32
    %max3A_20 = vector.broadcast %max3A : f32 to vector<256x1xf32>
    %max3A_21 = arith.maximumf %add3A_19, %max3A_20 : vector<256x1xf32>
    %div3A = vector.broadcast %max3A_21 : vector<256x1xf32> to vector<256x128xf32>
    %div3A_22 = arith.divf %add3A, %div3A : vector<256x128xf32>
    %get3A_23 = arith.constant 0 : index
    %get3A_24 = arith.constant 0 : index
    %get3A_25 = vector.load %arg3[%get3A_23, %get3A_24] : memref<256x128xf32, #tpu.memory_space<vmem>>, vector<256x128xf32>
    %get3A_26 = arith.constant 0 : index
    %get3A_27 = arith.constant 0 : index
    %get3A_28 = vector.load %arg4[%get3A_26, %get3A_27] : memref<128x384xf32, #tpu.memory_space<vmem>>, vector<128x384xf32>
    %dot_general3A = arith.constant dense<0.000000e+00> : vector<256x384xf32>
    %dot_general3A_29 = tpu.matmul %div3A_22, %get3A_28, %dot_general3A {dimension_numbers = #tpu.dot_dimension_numbers<[1], [0], [0], [1], [0, 0, 1, 1], [], []>, transpose_lhs_hint = false} : vector<256x128xf32>, vector<128x384xf32>, vector<256x384xf32> -> vector<256x384xf32>
    %get3A_30 = arith.constant 0 : index
    %get3A_31 = arith.constant 0 : index
    %get3A_32 = vector.load %arg6[%get3A_30, %get3A_31] : memref<1x384xf32, #tpu.memory_space<vmem>>, vector<1x384xf32>
    %add3A_33 = vector.broadcast %get3A_32 : vector<1x384xf32> to vector<256x384xf32>
    %add3A_34 = arith.addf %dot_general3A_29, %add3A_33 : vector<256x384xf32>
    %get3A_35 = arith.constant 0 : index
    %get3A_36 = arith.constant 0 : index
    %get3A_37 = vector.load %arg5[%get3A_35, %get3A_36] : memref<128x384xf32, #tpu.memory_space<vmem>>, vector<128x384xf32>
    %dot_general3A_38 = arith.constant dense<0.000000e+00> : vector<256x384xf32>
    %dot_general3A_39 = tpu.matmul %get3A_25, %get3A_37, %dot_general3A_38 {dimension_numbers = #tpu.dot_dimension_numbers<[1], [0], [0], [1], [0, 0, 1, 1], [], []>, transpose_lhs_hint = false} : vector<256x128xf32>, vector<128x384xf32>, vector<256x384xf32> -> vector<256x384xf32>
    %get3A_40 = arith.constant 0 : index
    %get3A_41 = arith.constant 0 : index
    %get3A_42 = vector.load %arg7[%get3A_40, %get3A_41] : memref<1x384xf32, #tpu.memory_space<vmem>>, vector<1x384xf32>
    %add3A_43 = vector.broadcast %get3A_42 : vector<1x384xf32> to vector<256x384xf32>
    %add3A_44 = arith.addf %dot_general3A_39, %add3A_43 : vector<256x384xf32>
    %slice3A = vector.extract_strided_slice %add3A_34 {offsets = [0, 0], sizes = [256, 128], strides = [1, 1]} : vector<256x384xf32> to vector<256x128xf32>
    %slice3A_45 = vector.extract_strided_slice %add3A_44 {offsets = [0, 0], sizes = [256, 128], strides = [1, 1]} : vector<256x384xf32> to vector<256x128xf32>
    %add3A_46 = arith.addf %slice3A, %slice3A_45 : vector<256x128xf32>
    %logistic3A = arith.negf %add3A_46 : vector<256x128xf32>
    %logistic3A_47 = math.exp %logistic3A : vector<256x128xf32>
    %logistic3A_48 = arith.constant 1.000000e+00 : f32
    %logistic3A_49 = vector.broadcast %logistic3A_48 : f32 to vector<256x128xf32>
    %logistic3A_50 = arith.addf %logistic3A_49, %logistic3A_47 : vector<256x128xf32>
    %logistic3A_51 = arith.divf %logistic3A_49, %logistic3A_50 : vector<256x128xf32>
    %slice3A_52 = vector.extract_strided_slice %add3A_34 {offsets = [0, 128], sizes = [256, 128], strides = [1, 1]} : vector<256x384xf32> to vector<256x128xf32>
    %slice3A_53 = vector.extract_strided_slice %add3A_44 {offsets = [0, 128], sizes = [256, 128], strides = [1, 1]} : vector<256x384xf32> to vector<256x128xf32>
    %add3A_54 = arith.addf %slice3A_52, %slice3A_53 : vector<256x128xf32>
    %logistic3A_55 = arith.negf %add3A_54 : vector<256x128xf32>
    %logistic3A_56 = math.exp %logistic3A_55 : vector<256x128xf32>
    %logistic3A_57 = arith.constant 1.000000e+00 : f32
    %logistic3A_58 = vector.broadcast %logistic3A_57 : f32 to vector<256x128xf32>
    %logistic3A_59 = arith.addf %logistic3A_58, %logistic3A_56 : vector<256x128xf32>
    %logistic3A_60 = arith.divf %logistic3A_58, %logistic3A_59 : vector<256x128xf32>
    %slice3A_61 = vector.extract_strided_slice %add3A_34 {offsets = [0, 256], sizes = [256, 128], strides = [1, 1]} : vector<256x384xf32> to vector<256x128xf32>
    %slice3A_62 = vector.extract_strided_slice %add3A_44 {offsets = [0, 256], sizes = [256, 128], strides = [1, 1]} : vector<256x384xf32> to vector<256x128xf32>
    %mul3A = arith.mulf %logistic3A_51, %slice3A_62 : vector<256x128xf32>
    %add3A_63 = arith.addf %slice3A_61, %mul3A : vector<256x128xf32>
    %tanh3A = math.tanh %add3A_63 : vector<256x128xf32>
    %sub3A = arith.constant 1.000000e+00 : f32
    %sub3A_64 = vector.broadcast %sub3A : f32 to vector<256x128xf32>
    %sub3A_65 = arith.subf %sub3A_64, %logistic3A_60 : vector<256x128xf32>
    %mul3A_66 = arith.mulf %sub3A_65, %tanh3A : vector<256x128xf32>
    %mul3A_67 = arith.mulf %logistic3A_60, %get3A_25 : vector<256x128xf32>
    %add3A_68 = arith.addf %mul3A_66, %mul3A_67 : vector<256x128xf32>
    %swap3A = arith.constant 0 : index
    %swap3A_69 = arith.constant 0 : index
    %swap3A_70 = vector.load %arg8[%swap3A, %swap3A_69] : memref<256x128xf32, #tpu.memory_space<vmem>>, vector<256x128xf32>
    tpu.vector_store %arg8[%swap3A, %swap3A_69], %add3A_68 {strides = array<i32>} : memref<256x128xf32, #tpu.memory_space<vmem>>, vector<256x128xf32>,
    return
  }
  func.func @transform_0(%arg0: i32) -> (i32, i32, i32) {
    %c0_i32 = arith.constant 0 : i32
    %c0_i32_0 = arith.constant 0 : i32
    %c0_i32_1 = arith.constant 0 : i32
    return %c0_i32, %arg0, %c0_i32_0 : i32, i32, i32
  }
  func.func @transform_1(%arg0: i32) -> (i32, i32, i32) {
    %c0_i32 = arith.constant 0 : i32
    %c0_i32_0 = arith.constant 0 : i32
    %c0_i32_1 = arith.constant 0 : i32
    return %c0_i32, %arg0, %c0_i32_0 : i32, i32, i32
  }
  func.func @transform_2(%arg0: i32) -> (i32, i32) {
    %c0_i32 = arith.constant 0 : i32
    %c0_i32_0 = arith.constant 0 : i32
    return %arg0, %c0_i32 : i32, i32
  }
  func.func @transform_3(%arg0: i32) -> (i32, i32) {
    %c0_i32 = arith.constant 0 : i32
    %c0_i32_0 = arith.constant 0 : i32
    %c0_i32_1 = arith.constant 0 : i32
    return %c0_i32, %c0_i32_0 : i32, i32
  }
  func.func @transform_4(%arg0: i32) -> (i32, i32) {
    %c0_i32 = arith.constant 0 : i32
    %c0_i32_0 = arith.constant 0 : i32
    %c0_i32_1 = arith.constant 0 : i32
    return %c0_i32, %c0_i32_0 : i32, i32
  }
  func.func @transform_5(%arg0: i32) -> (i32, i32) {
    %c0_i32 = arith.constant 0 : i32
    %c0_i32_0 = arith.constant 0 : i32
    %c0_i32_1 = arith.constant 0 : i32
    return %c0_i32, %c0_i32_0 : i32, i32
  }
  func.func @transform_6(%arg0: i32) -> (i32, i32) {
    %c0_i32 = arith.constant 0 : i32
    %c0_i32_0 = arith.constant 0 : i32
    %c0_i32_1 = arith.constant 0 : i32
    return %c0_i32, %c0_i32_0 : i32, i32
  }
  func.func @transform_7(%arg0: i32) -> (i32, i32) {
    %c0_i32 = arith.constant 0 : i32
    %c0_i32_0 = arith.constant 0 : i32
    return %arg0, %c0_i32 : i32, i32
  }
}

</mosaic_0001>

<sc_bundles>
// kernel: closed_call.9.cloned.1.call-start
scs
__scs_entry_jumppad:
0x0: {  	(pc) =	sbr.rel $0x88, $3  }
0x1: {  	(tag) =	ssettag $0x0;
	lr =	simm.s32 $0x1  }
0x2: {  	[smem:$0x3F96] =	sst lr;
	_ =	strace $0xD0000000  }
0x3: {  	_ = 	snop  }
0x4: {  	_ = 	snop  }
0x5: {  	_ = 	snop  }
0x6: {  	_ = 	snop  }
0x7: {  	_ = 	snop  }
__scs_overlays_trampoline_lowered:
0x8: {  	[smem:$0x3FA5] =	sst s0  }
0x9: {  	[smem:$0x3FA6] =	sst s1  }
0xa: {  	[smem:$0x3FA7] =	sst s2  }
0xb: {  	[smem:$0x3FA8] =	sst s3  }
0xc: {  	[smem:$0x3FA9] =	sst s4  }
0xd: {  	[smem:$0x3FAA] =	sst s5  }
0xe: {  	[smem:$0x3FAB] =	sst s6  }
0xf: {  	[smem:$0x3FAC] =	sst s7  }
0x10: {  	[smem:$0x3FAD] =	sst s8  }
0x11: {  	[smem:$0x3FAE] =	sst s9;
	s0 =	simm.s32 @!p0 $0x0  }
0x12: {  	s1 =	sld [smem:$0x3F94];
	s0 =	simm.s32 @p0 $0x1  }
0x13: {  	[smem:$0x3FAF] =	sst s0;
	s0 =	simm.s32 @!p1 $0x0  }
0x14: {  	s2 =	sld [smem:$0x3F93];
	s0 =	simm.s32 @p1 $0x1  }
0x15: {  	[smem:$0x3FB0] =	sst s0;
	s0 =	simm.s32 @!p2 $0x0  }
0x16: {  	s3 =	sld [smem:$0x3FDB];
	s0 =	simm.s32 @p2 $0x1  }
0x17: {  	s4 =	simm.s32 $0x1BF5;
	[smem:$0x3FB2] =	sst s0  }
0x18: {  	s0 =	sld [smem:$0x3F95];
	_ =	swait.ge [sflag:s4], $0x0  }
0x19: {  	s7 =	sld [smem:$0x3F96]  }
0x1a: {  	s8 =	sadd.s32 $0xFFFFE003, lr  }
0x1b: {  	s9 =	sadd.s32 $0xFFFFFEF7, lr;
	s5 =	simm.s32 $0xFFFFFFFF;
	p2 =	slt.u32 s8, $0xFFFFF086  }
0x1c: {  	p1 =	slt.u32 s9, $0xF7A;
	s5 =	simm.s32 @!p2 $0x0  }
0x1d: {  	s5 =	simm.s32 @p1 $0x1;
	p0 =	seq.s32 s7, s2  }
0x1e: {  	s7 =	smul.u32 @!p0 $0xF7A, s2;
	p2 =	seq.s32 @!p0 s5, $0x0  }
0x1f: {  	s9 =	smul.u32 $0xF7A, s1;
	s8 =	simm.s32 @!p0 $0x1BF5;
	p2 =	por !p2, p0  }
0x20: {  	[sflag:s8] =	ssyncset.s32 @!p0 $0xFFFFF086;
	s6 =	sadd.s32 @!p0 s3, s7;
	s7 =	simm.s32 @!p0 $0x108  }
0x21: {  	s3 =	sadd.s32 s3, s9;
	s6 =	sadd.s32 @!p0 $0x88, s6;
	s7 =	simm.s32 @p2 $0x1082  }
0x22: {  	[simem:s7], [sflag:s8] =	dma.local @!p0 [hbm:s6], $0xF7A  }
0x23: {  	s9 =	sor.u32 $0xD0000000, s2;
	s6 =	simm.s32 $0x108;
	_ =	swait.ge @!p0 [sflag:s8], $0x0  }
0x24: {  	s3 =	sadd.s32 $0x88, s3;
	s6 =	simm.s32 @!p1 $0x1082;
	[sflag:s4] =	ssyncset.s32 $0xFFFFF086  }
0x25: {  	[simem:s6], [sflag:s4] =	dma.local [hbm:s3], $0xF7A  }
0x26: {  	[smem:$0x3F96] =	sst s1;
	(tag) =	ssettag s2;
	_ =	strace s9  }
0x27: {  	s1 =	sld [smem:$0x3FA6]  }
0x28: {  	s2 =	sld [smem:$0x3FA7]  }
0x29: {  	s4 =	sld [smem:$0x3FA9]  }
0x2a: {  	p0 =	seq.s32 s5, $0x0;
	s5 =	sld [smem:$0x3FAA]  }
0x2b: {  	s6 =	sld [smem:$0x3FAB]  }
0x2c: {  	s7 =	sld [smem:$0x3FAC]  }
0x2d: {  	s3 =	simm.s32 $0x108;
	s8 =	sld [smem:$0x3FAD]  }
0x2e: {  	s3 =	simm.s32 @!p0 $0x1082;
	s9 =	sld [smem:$0x3FAE]  }
0x2f: {  	lr =	sadd.s32 s0, s3;
	s0 =	sld [smem:$0x3FA5]  }
0x30: {  	s3 =	sld [smem:$0x3FA8]  }
0x31: {  	[smem:$0x3FB1] =	sst s10  }
0x32: {  	s10 =	sld [smem:$0x3FAF];
	_ =	sdelay $0x3  }
0x33: {  	p0 =	seq.s32 s10, $0x1;
	s10 =	sld [smem:$0x3FB1];
	_ =	sdelay $0x3  }
0x34: {  	[smem:$0x3FB1] =	sst s10  }
0x35: {  	s10 =	sld [smem:$0x3FB0];
	_ =	sdelay $0x3  }
0x36: {  	p1 =	seq.s32 s10, $0x1;
	s10 =	sld [smem:$0x3FB1];
	_ =	sdelay $0x3  }
0x37: {  	[smem:$0x3FB1] =	sst s10  }
0x38: {  	s10 =	sld [smem:$0x3FB2]  }
0x39: {  	_ = 	snop;
	(pc) =	sbr.ind lr, $3  }
0x3a: {  	_ = 	snop  }
0x3b: {  	_ = 	snop  }
0x3c: {  	p2 =	seq.s32 s10, $0x1;
	s10 =	sld [smem:$0x3FB1]  }
0x3d: {  	_ =	shalt  }
0x3e: {  	_ =	shalt  }
0x3f: {  	_ =	shalt  }
0x40: {  	_ =	shalt  }
0x41: {  	_ =	shalt  }
0x42: {  	_ =	shalt  }
0x43: {  	_ =	shalt  }
0x44: {  	_ =	shalt  }
0x45: {  	_ =	shalt  }
0x46: {  	_ =	shalt  }
0x47: {  	_ =	shalt  }
0x48: {  	_ =	shalt  }
0x49: {  	_ =	shalt  }
0x4a: {  	_ =	shalt  }
0x4b: {  	_ =	shalt  }
0x4c: {  	_ =	shalt  }
0x4d: {  	_ =	shalt  }
0x4e: {  	_ =	shalt  }
0x4f: {  	_ =	shalt  }
0x50: {  	_ =	shalt  }
0x51: {  	_ =	shalt  }
0x52: {  	_ =	shalt  }
0x53: {  	_ =	shalt  }
0x54: {  	_ =	shalt  }
0x55: {  	_ =	shalt  }
0x56: {  	_ =	shalt  }
0x57: {  	_ =	shalt  }
0x58: {  	_ =	shalt  }
0x59: {  	_ =	shalt  }
0x5a: {  	_ =	shalt  }
0x5b: {  	_ =	shalt  }
0x5c: {  	_ =	shalt  }
0x5d: {  	_ =	shalt  }
0x5e: {  	_ =	shalt  }
0x5f: {  	_ =	shalt  }
0x60: {  	_ =	shalt  }
0x61: {  	_ =	shalt  }
0x62: {  	_ =	shalt  }
0x63: {  	_ =	shalt  }
0x64: {  	_ =	shalt  }
0x65: {  	_ =	shalt  }
0x66: {  	_ =	shalt  }
0x67: {  	_ =	shalt  }
0x68: {  	_ =	shalt  }
0x69: {  	_ =	shalt  }
0x6a: {  	_ =	shalt  }
0x6b: {  	_ =	shalt  }
0x6c: {  	_ =	shalt  }
0x6d: {  	_ =	shalt  }
0x6e: {  	_ =	shalt  }
0x6f: {  	_ =	shalt  }
0x70: {  	_ =	shalt  }
0x71: {  	_ =	shalt  }
0x72: {  	_ =	shalt  }
0x73: {  	_ =	shalt  }
0x74: {  	_ =	shalt  }
0x75: {  	_ =	shalt  }
0x76: {  	_ =	shalt  }
0x77: {  	_ =	shalt  }
0x78: {  	_ =	shalt  }
0x79: {  	_ =	shalt  }
0x7a: {  	_ =	shalt  }
0x7b: {  	_ =	shalt  }
0x7c: {  	_ =	shalt  }
0x7d: {  	_ =	shalt  }
0x7e: {  	_ =	shalt  }
0x7f: {  	_ =	shalt  }
0x80: {  	_ =	shalt  }
0x81: {  	_ =	shalt  }
0x82: {  	_ =	shalt  }
0x83: {  	_ =	shalt  }
0x84: {  	_ =	shalt  }
0x85: {  	_ =	shalt  }
0x86: {  	_ =	shalt  }
0x87: {  	_ =	shalt  }
.Lfunc_end0:
.L_simem_size_0:
called_computation_lowered:
.L_overlay_start_0:
0x88: {  	s2 =	sld [smem:$0x3FD9]  }
0x89: {  	s3 =	sld [smem:$0x3FFE];
	_ =	sdelay $0x1  }
0x8a: {  	s1 =	srdreg.scid  }
0x8b: {  	s0 =	sand.u32 $0x1, s1  }
0x8c: {  	s17 =	sshll.u32 s0, $0xA;
	s2 =	sadd.s32 s3, s2  }
0x8d: {  	s2 =	sadd.s32 s2, s17  }
0x8e: {  	[smem:$0x3FBD] =	sst s2  }
0x8f: {  	_ = 	snop  }
0x90: {  	s2 =	sld [smem:$0x3FD0];
	(tm) =	ssettm $0x1  }
0x91: {  	s18 =	sld [smem:$0x3FFB];
	_ =	sdelay $0x3  }
0x92: {  	_ =	strace s18  }
0x93: {  	s3 =	sld [smem:$0x3FFC];
	_ =	sdelay $0x3  }
0x94: {  	_ =	strace s3  }
0x95: {  	s3 =	sld [smem:$0x3FFD];
	_ =	sdelay $0x3  }
0x96: {  	_ =	strace s3  }
0x97: {  	_ =	strace $0x8FFFFFFF  }
0x98: {  	s19 =	sld [smem:$0x3FDB];
	_ =	sdelay $0x1  }
0x99: {  	s4 =	simm.s32 $_scs_section_size  }
0x9a: {  	s5 =	simm.s32 $_size__tile_overlayer_lowered;
	s6 =	simm.s32 $_tile_overlayer_lowered  }
0x9b: {  	s22 =	simm.s32 $0x1BFF;
	s21 =	sshll.u32 s6, $0x1;
	s3 =	sadd.s32 s4, s19  }
0x9c: {  	s7 =	simm.s32 $0x0;
	s20 =	sshll.u32 s5, $0x1;
	s5 =	sadd.s32 s21, s3  }
0x9d: {  	[timem:s7], [sflag:s22] =	dma.local [hbm:s5], s20  }
0x9e: {  	_ =	swait.ge [sflag:s22], s20  }
0x9f: {  	s4 =	ssub.s32 $0x0, s20;
	[sflag:s22] =	ssyncset.done $0x0  }
0xa0: {  	[sflag:s22] =	ssyncadd.s32 s4;
	_ =	sdelay $0x1  }
0xa1: {  	s23 =	simm.s32 $0x1B8B  }
0xa2: {  	_ =	swait.ge [sflag:s23], $0x1  }
0xa3: {  	[sflag:s23] =	ssyncset.done $0x0  }
0xa4: {  	s25 =	simm.s32 $0x1B8E;
	s24 =	sld [smem:$0x3FFE];
	[sflag:s23] =	ssyncadd.s32 $0xFFFFFFFF  }
0xa5: {  	s26 =	simm.s32 $execute0_lowered;
	[smem:$0x3FD2] =	sst s25  }
0xa6: {  	s5 =	sshll.u32 s26, $0x1;
	_ =	strace $0x80000049;
	[dreg:$0x1] =	wrdreg $0xFFFFFFFF  }
0xa7: {  	s28 =	simm.s32 $_size_execute0_lowered;
	s3 =	sadd.s32 s3, s5;
	[dreg:$0x0] =	wrdreg $0x0  }
0xa8: {  	s5 =	sshll.u32 s28, $0x1;
	[dreg:$0x2] =	wrdreg s3  }
0xa9: {  	[dreg:$0x3] =	wrdreg s5  }
0xaa: {  	[dreg:$0x4] =	wrdreg $0xC0  }
0xab: {  	_ =	task [dreg:s7], $0x5FFFF  }
0xac: {  	[dreg:$0x1] =	wrdreg $0xFFFFFFFF  }
0xad: {  	[dreg:$0x0] =	wrdreg $0x60  }
0xae: {  	[dreg:$0x2] =	wrdreg s24  }
0xaf: {  	[dreg:$0x3] =	wrdreg s2  }
0xb0: {  	[dreg:$0x4] =	wrdreg $0xC2000  }
0xb1: {  	[dreg:$0x5] =	wrdreg $0x9  }
0xb2: {  	_ =	task.clear_ibuf [dreg:s7], $0x6FFFF;
	_ =	strace $0x90000049  }
0xb3: {  	s29 =	simm.s32 $0x9;
	_ =	strace $0x8000004B  }
0xb4: {  	_ =	swait.ge [sflag:s29], $0x1  }
0xb5: {  	[sflag:s29] =	ssyncadd.s32 $0xFFFFFFFF  }
0xb6: {  	_ =	strace $0x9000004B  }
0xb7: {  	_ =	sfence  }
0xb8: {  	s30 =	sld [smem:$0x0];
	_ =	sdelay $0x2  }
0xb9: {  	s31 =	sshll.u32 s1, $0xD;
	s1 =	sshrl.u32 s1, $0x2  }
0xba: {  	s3 =	sand.u32 $0x4000, s31;
	s1 =	sadd.s32 s1, s30  }
0xbb: {  	s0 =	sor.u32 s3, s0;
	s1 =	sshll.u32 s1, $0x11  }
0xbc: {  	s0 =	sor.u32 s1, s0  }
0xbd: {  	s0 =	sadd.s32 $0x8F2B, s0  }
0xbe: {  	[sflag:s0] =	ssyncadd.remote.s32 $0x1  }
0xbf: {  	_ =	sfence.sel $0xFFFF  }
0xc0: {  	[dreg:$0x0] =	wrdreg $0xFFFFFFFF;
	(pc) =	sbr.abs _section_cstart, $3  }
0xc1: {  	[dreg:$0x1] =	wrdreg $0xFFFFFFFF  }
0xc2: {  	_ =	task.clear_ibuf [dreg:s7], $0x2FFFF;
	_ =	strace $0x9FFFFFFF  }
0xc3: {  	(tm) =	ssettm $0x7FFFFFFF  }
tec
execute0_lowered:
.L_overlay_start_1:
0x0: {  	(tag) =	ssettag $0x1  }
0x1: {  	s0 =	rddreg [dreg:$0x0]  }
0x2: {  	s1 =	rddreg [dreg:$0x1]  }
0x3: {  	s2 =	rddreg [dreg:$0x2];
	s3 =	simm.s32 $0x0;
	s4 =	srdreg.scid  }
0x4: {  	s18 =	stileid.u32;
	s31 =	simm.s32 $0x60;
	[smem:$0x7FF] =	sst s3  }
0x5: {  	s5 =	sadd.s32 $0x6B000, s0;
	s6 =	sadd.s32 $0xA5FC00, s0;
	s9 =	smul.u32 $0x4F000, s18  }
0x6: {  	s4 =	sand.u32 $0x1, s4;
	s7 =	sadd.s32 $0x5DC00, s0;
	s12 =	smul.u32 $0x13C00, s18  }
0x7: {  	s0 =	sadd.s32 $0x93000, s0;
	_ =	strace $0x8000004A;
	s8 =	ssub.s32 $0x2, s4  }
0x8: {  	s11 =	sshll.u32 s4, $0x4;
	s4 =	smul.u32 $0x140000, s4;
	s10 =	sshrl.u32 s8, $0x1  }
0x9: {  	s9 =	sshrl.u32 s9, $0x2;
	s14 =	sadd.s32 $0x6000, s12;
	s15 =	sadd.s32 $0x9000, s12  }
0xa: {  	s16 =	sadd.s32 $0xC000, s12;
	s17 =	sadd.s32 $0xF000, s12;
	s8 =	ssub.s32 s8, s10  }
0xb: {  	s10 =	sor.u32 s18, s11;
	s11 =	sadd.s32 $0x3000, s12;
	s18 =	sshll.u32 s18, $0x8  }
0xc: {  	s19 =	sadd.s32 s12, s4;
	s12 =	sadd.s32 $0x12000, s12;
	s13 =	smul.u32 $0x3500, s10  }
0xd: {  	s20 =	sadd.s32 s4, s14;
	s23 =	sadd.s32 s4, s16;
	s24 =	sadd.s32 s4, s17  }
0xe: {  	s18 =	sand.u32 $0x300, s18;
	s26 =	sshrl.u32 s19, $0x3;
	s13 =	sand.u32 $0x7FC00, s13  }
0xf: {  	s19 =	sadd.s32 s4, s11;
	s13 =	sor.u32 s18, s13;
	s18 =	sadd.s32 s0, s26  }
0x10: {  	s26 =	smul.u32 $0x6A, s10;
	[dreg:$0x4] =	wrdreg s18;
	s18 =	sshrl.u32 s19, $0x3  }
0x11: {  	s19 =	sshrl.u32 s20, $0x3;
	s20 =	sadd.s32 s4, s15;
	s4 =	sadd.s32 s4, s12  }
0x12: {  	s18 =	sadd.s32 s0, s18;
	s21 =	sadd.s32 s0, s19;
	s22 =	sshrl.u32 s20, $0x3  }
0x13: {  	s19 =	sshrl.u32 s24, $0x3;
	s20 =	sadd.s32 s11, s2;
	[dreg:$0x5] =	wrdreg s18  }
0x14: {  	s11 =	sadd.s32 s16, s2;
	s16 =	sadd.s32 s12, s2;
	[dreg:$0x6] =	wrdreg s21  }
0x15: {  	s28 =	sor.u32 $0x1, s26;
	s29 =	sadd.s32 $0x2, s26;
	[dreg:$0xf] =	wrdreg s11  }
0x16: {  	s30 =	sadd.s32 $0x3, s26;
	s26 =	smax.u32 s8, $0x1;
	[dreg:$0x11] =	wrdreg s16  }
0x17: {  	s4 =	sshrl.u32 s4, $0x3;
	s8 =	simm.s32 $0x100;
	[dreg:$0x17] =	wrdreg s26  }
0x18: {  	s12 =	simm.s32 $0x30;
	s18 =	sadd.s32 s0, s22;
	[dreg:$0xc] =	wrdreg s20  }
0x19: {  	s25 =	sadd.s32 s0, s19;
	s19 =	sadd.s32 s9, s2;
	[dreg:$0x7] =	wrdreg s18  }
0x1a: {  	s21 =	sadd.s32 s14, s2;
	s9 =	sadd.s32 s15, s2;
	[dreg:$0x9] =	wrdreg s25  }
0x1b: {  	s14 =	sadd.s32 s17, s2;
	s15 =	sshrl.u32 s13, $0x3;
	[dreg:$0xe] =	wrdreg s9  }
0x1c: {  	s17 =	smul.u32 $0x27C00, s10;
	s10 =	simm.s32 $0x180;
	[dreg:$0x10] =	wrdreg s14  }
0x1d: {  	s13 =	simm.s32 $0x6200;
	s26 =	simm.s32 $0x1;
	[dreg:$0xb] =	wrdreg s19  }
0x1e: {  	s18 =	sshrl.u32 s23, $0x3;
	s22 =	sadd.s32 s7, s15;
	[dreg:$0xd] =	wrdreg s21  }
0x1f: {  	s16 =	simm.s32 $0x0;
	s18 =	sadd.s32 s0, s18;
	[dreg:$0x12] =	wrdreg s22  }
0x20: {  	s9 =	simm.s32 $0x80;
	s0 =	sadd.s32 s0, s4;
	[dreg:$0x8] =	wrdreg s18  }
0x21: {  	s14 =	simm.s32 $0x4;
	s4 =	sadd.s32 s1, s15;
	[dreg:$0xa] =	wrdreg s0  }
.Ltmp0:
0x22: {  	s25 =	sadd.s32 s6, s17;
	[dreg:$0x13] =	wrdreg s4;
	(pc) =	sbr.rel .LBB2_1-.Ltmp0, $4  }
0x23: {  	s22 =	simm.s32 $0x3200;
	s18 =	sor.u32 $0x10, s15;
	[dreg:$0x16] =	wrdreg s25  }
0x24: {  	s4 =	simm.s32 $0x5;
	s25 =	simm.s32 $0xAA00;
	s23 =	sadd.s32 s7, s18  }
0x25: {  	s15 =	simm.s32 $0x2;
	s24 =	sadd.s32 s1, s18;
	[dreg:$0x14] =	wrdreg s23  }
0x26: {  	v0 =	vimm.f32 $0.0e+00;
	[dreg:$0x15] =	wrdreg s24;
	s23 =	simm.s32 $0x9200;
	s24 =	simm.s32 $0xB0  }
.LBB2_10:
0x27: {  	s0 =	stileid.u32;
	[bflag:$0x0] =	sbarrier.arrive $0xFFFF  }
0x28: {  	s0 =	sshll.u32 s0, $0x6;
	s19 =	rddreg [dreg:$0xb]  }
0x29: {  	s17 =	rddreg [dreg:$0x4];
	s0 =	sor.u32 $0x1C05, s0;
	s11 =	sshrl.u32 s19, $0x3  }
0x2a: {  	[hbm:s17], [sflag:s0] =	dma.local [spmem:s11], $0x600  }
0x2b: {  	_ =	swait.ge [sflag:s4], $0x600  }
0x2c: {  	[sflag:s4] =	ssyncset.done $0x0;
	s20 =	rddreg [dreg:$0xc]  }
0x2d: {  	s21 =	rddreg [dreg:$0x5];
	[sflag:s4] =	ssyncadd.s32 $0xFFFFFA00;
	s18 =	sshrl.u32 s20, $0x3  }
0x2e: {  	[hbm:s21], [sflag:s0] =	dma.local [spmem:s18], $0x600  }
0x2f: {  	_ =	swait.ge [sflag:s4], $0x600  }
0x30: {  	[sflag:s4] =	ssyncset.done $0x0;
	s21 =	rddreg [dreg:$0xd]  }
0x31: {  	s18 =	rddreg [dreg:$0x6];
	[sflag:s4] =	ssyncadd.s32 $0xFFFFFA00;
	s17 =	sshrl.u32 s21, $0x3  }
0x32: {  	[hbm:s18], [sflag:s0] =	dma.local [spmem:s17], $0x600  }
0x33: {  	_ =	swait.ge [sflag:s4], $0x600  }
0x34: {  	[sflag:s4] =	ssyncset.done $0x0;
	s17 =	rddreg [dreg:$0xe]  }
0x35: {  	s18 =	rddreg [dreg:$0x7];
	[sflag:s4] =	ssyncadd.s32 $0xFFFFFA00;
	s11 =	sshrl.u32 s17, $0x3  }
0x36: {  	[hbm:s18], [sflag:s0] =	dma.local [spmem:s11], $0x600  }
0x37: {  	_ =	swait.ge [sflag:s4], $0x600  }
0x38: {  	[sflag:s4] =	ssyncset.done $0x0;
	s17 =	rddreg [dreg:$0xf]  }
0x39: {  	s18 =	rddreg [dreg:$0x8];
	[sflag:s4] =	ssyncadd.s32 $0xFFFFFA00;
	s11 =	sshrl.u32 s17, $0x3  }
0x3a: {  	[hbm:s18], [sflag:s0] =	dma.local [spmem:s11], $0x600  }
0x3b: {  	_ =	swait.ge [sflag:s4], $0x600  }
0x3c: {  	[sflag:s4] =	ssyncset.done $0x0;
	s17 =	rddreg [dreg:$0x10]  }
0x3d: {  	s18 =	rddreg [dreg:$0x9];
	[sflag:s4] =	ssyncadd.s32 $0xFFFFFA00;
	s11 =	sshrl.u32 s17, $0x3  }
0x3e: {  	[hbm:s18], [sflag:s0] =	dma.local [spmem:s11], $0x600  }
0x3f: {  	_ =	swait.ge [sflag:s4], $0x600  }
0x40: {  	[sflag:s4] =	ssyncset.done $0x0;
	s17 =	rddreg [dreg:$0x11]  }
0x41: {  	s18 =	rddreg [dreg:$0xa];
	[sflag:s4] =	ssyncadd.s32 $0xFFFFFA00;
	s11 =	sshrl.u32 s17, $0x3  }
0x42: {  	[hbm:s18], [sflag:s0] =	dma.local [spmem:s11], $0x380  }
0x43: {  	_ =	swait.ge [sflag:s4], $0x380  }
0x44: {  	s16 =	sadd.s32 $0x1, s16;
	s18 =	rddreg [dreg:$0x17]  }
0x45: {  	p0 =	sne.s32 s16, s18  }
.Ltmp1:
0x46: {  	_ = 	snop;
	(pc) =	sbr.rel @!p0 .LBB2_11-.Ltmp1, $3  }
0x47: {  	_ =	sdelay $0x1  }
0x48: {  	[sflag:s4] =	ssyncset.done $0x0  }
0x49: {  	[sflag:s4] =	ssyncadd.s32 $0xFFFFFC80  }
.LBB2_1:
0x4a: {  	s17 =	simm.s32 $0x0;
	s18 =	simm.s32 $0x200  }
.LBB2_2:
0x4b: {  	p0 =	sne.s32 s18, $0xBE00;
	[tilespmem:s17+$0x270] =	vst v0  }
0x4c: {  	[tilespmem:s17+$0x200] =	vst v0  }
0x4d: {  	[tilespmem:s17+$0x210] =	vst v0  }
.Ltmp2:
0x4e: {  	[tilespmem:s17+$0x220] =	vst v0;
	(pc) =	sbr.rel @p0 .LBB2_2-.Ltmp2, $4  }
0x4f: {  	[tilespmem:s17+$0x230] =	vst v0  }
0x50: {  	[tilespmem:s17+$0x240] =	vst v0  }
0x51: {  	[tilespmem:s17+$0x250] =	vst v0  }
0x52: {  	[tilespmem:s17+$0x260] =	vst v0;
	s17 =	sshra.s32 s18, $0x2;
	s18 =	sadd.s32 $0x200, s18  }
0x53: {  	[tilespmem:s17+$0x270] =	vst v0  }
0x54: {  	[tilespmem:s17+$0x200] =	vst v0  }
0x55: {  	[tilespmem:s17+$0x210] =	vst v0  }
0x56: {  	[tilespmem:s17+$0x220] =	vst v0  }
0x57: {  	[tilespmem:s17+$0x230] =	vst v0  }
0x58: {  	[tilespmem:s17+$0x240] =	vst v0  }
0x59: {  	[tilespmem:s17+$0x250] =	vst v0  }
0x5a: {  	[tilespmem:s17+$0x260] =	vst v0;
	s11 =	simm.s32 $0x200  }
0x5b: {  	[spmem:s19] =	stream.linear.scatter [tilespmem:s11], [sflag:$0x5], $0x3000, $0x38;
	[tilespmem:$0x1FE00] =	vst v63  }
0x5c: {  	_ =	swait.ge [sflag:s4], $0x3000  }
0x5d: {  	[sflag:s4] =	ssyncset.done $0x0  }
0x5e: {  	[sflag:s4] =	ssyncadd.s32 $0xFFFFD000  }
0x5f: {  	[spmem:s20] =	stream.linear.scatter [tilespmem:s11], [sflag:$0x5], $0x3000, $0x38;
	[tilespmem:$0x1FE00] =	vst v63  }
0x60: {  	_ =	swait.ge [sflag:s4], $0x3000  }
0x61: {  	[sflag:s4] =	ssyncset.done $0x0  }
0x62: {  	[sflag:s4] =	ssyncadd.s32 $0xFFFFD000  }
0x63: {  	[spmem:s21] =	stream.linear.scatter [tilespmem:s11], [sflag:$0x5], $0x3000, $0x38;
	[tilespmem:$0x1FE00] =	vst v63  }
0x64: {  	_ =	swait.ge [sflag:s4], $0x3000  }
0x65: {  	[sflag:s4] =	ssyncset.done $0x0  }
0x66: {  	s0 =	rddreg [dreg:$0xe];
	[sflag:s4] =	ssyncadd.s32 $0xFFFFD000  }
0x67: {  	[spmem:s0] =	stream.linear.scatter [tilespmem:s11], [sflag:$0x5], $0x3000, $0x38;
	[tilespmem:$0x1FE00] =	vst v63  }
0x68: {  	_ =	swait.ge [sflag:s4], $0x3000  }
0x69: {  	[sflag:s4] =	ssyncset.done $0x0  }
0x6a: {  	s21 =	rddreg [dreg:$0xf];
	[sflag:s4] =	ssyncadd.s32 $0xFFFFD000  }
0x6b: {  	[spmem:s21] =	stream.linear.scatter [tilespmem:s11], [sflag:$0x5], $0x3000, $0x38;
	[tilespmem:$0x1FE00] =	vst v63  }
0x6c: {  	_ =	swait.ge [sflag:s4], $0x3000  }
0x6d: {  	[sflag:s4] =	ssyncset.done $0x0  }
0x6e: {  	s17 =	rddreg [dreg:$0x10];
	[sflag:s4] =	ssyncadd.s32 $0xFFFFD000  }
0x6f: {  	[spmem:s17] =	stream.linear.scatter [tilespmem:s11], [sflag:$0x5], $0x3000, $0x38;
	[tilespmem:$0x1FE00] =	vst v63  }
0x70: {  	_ =	swait.ge [sflag:s4], $0x3000  }
0x71: {  	[sflag:s4] =	ssyncset.done $0x0  }
0x72: {  	s18 =	rddreg [dreg:$0x11];
	[sflag:s4] =	ssyncadd.s32 $0xFFFFD000  }
0x73: {  	[spmem:s18] =	stream.linear.scatter [tilespmem:s11], [sflag:$0x5], $0x1C00, $0x38;
	[tilespmem:$0x1FE00] =	vst v63  }
0x74: {  	_ =	swait.ge [sflag:s4], $0x1C00  }
0x75: {  	[sflag:s4] =	ssyncset.done $0x0  }
0x76: {  	[sflag:s4] =	ssyncadd.s32 $0xFFFFE400  }
0x77: {  	[bflag:$0x0] =	sbarrier.arrive $0xFFFF  }
0x78: {  	s17 =	simm.s32 $0x0;
	s19 =	rddreg [dreg:$0x12]  }
0x79: {  	[tilespmem:s17], [sflag:$0x3] =	stream.linear.gather [hbm4b:s19+s17], $0x80, $0x38;
	[tilespmem:$0x1FE00] =	vst v63  }
0x7a: {  	s20 =	rddreg [dreg:$0x13]  }
0x7b: {  	[tilespmem:s8], [sflag:$0x3] =	stream.linear.gather [hbm4b:s20+s17], $0x80, $0x38;
	[tilespmem:$0x1FE00] =	vst v63  }
0x7c: {  	s21 =	rddreg [dreg:$0x14]  }
0x7d: {  	[tilespmem:s9], [sflag:$0x4] =	stream.linear.gather [hbm4b:s21+s17], $0x80, $0x38;
	[tilespmem:$0x1FE00] =	vst v63  }
0x7e: {  	s18 =	rddreg [dreg:$0x15];
	s19 =	simm.s32 $0x3  }
0x7f: {  	[tilespmem:s10], [sflag:$0x4] =	stream.linear.gather [hbm4b:s18+s17], $0x80, $0x38;
	[tilespmem:$0x1FE00] =	vst v63  }
0x80: {  	_ =	swait.ge [sflag:s19], $0x80  }
0x81: {  	[sflag:s19] =	ssyncset.done $0x0  }
0x82: {  	[sflag:s19] =	ssyncadd.s32 $0xFFFFFF80  }
0x83: {  	_ =	swait.ge [sflag:s19], $0x80  }
0x84: {  	[sflag:s19] =	ssyncset.done $0x0  }
0x85: {  	s20 =	rddreg [dreg:$0x16];
	[sflag:s19] =	ssyncadd.s32 $0xFFFFFF80  }
0x86: {  	[tilespmem:s11], [sflag:$0x1] =	stream.linear.gather [hbm4b:s20+s17], $0x3000, $0x38;
	[tilespmem:$0x1FE00] =	vst v63  }
0x87: {  	_ = 	snop  }
0x88: {  	[tilespmem:s13], [sflag:$0x1] =	stream.indirect.gather [hbm4b:s5+s12], $0x80, s17, s12, $0xb8;
	[tilespmem:$0x1FE00] =	vst v63  }
0x89: {  	s21 =	simm.s32 $0x7A00;
	s18 =	simm.s32 $0x0  }
0x8a: {  	[tilespmem:s21], [sflag:$0x1] =	stream.indirect.gather [hbm4b:s5+s12], $0x80, s12, s12, $0xb8;
	[tilespmem:$0x1FE00] =	vst v63  }
.LBB2_4:
0x8b: {  	_ =	swait.ge [sflag:s14], $0x80  }
0x8c: {  	s19 =	sshll.u32 s18, $0x1;
	[sflag:s14] =	ssyncset.done $0x0  }
0x8d: {  	s20 =	sadd.s32 s19, s28;
	[sflag:s14] =	ssyncadd.s32 $0xFFFFFF80  }
0x8e: {  	s20 =	smul.u32 $0x600, s20;
	_ =	swait.ge [sflag:s14], $0x80  }
0x8f: {  	[sflag:s14] =	ssyncset.done $0x0  }
0x90: {  	s20 =	sadd.s32 s6, s20;
	[sflag:s14] =	ssyncadd.s32 $0xFFFFFF80  }
0x91: {  	[tilespmem:s22], [sflag:$0x2] =	stream.linear.gather [hbm4b:s20+s17], $0x3000, $0x38;
	[tilespmem:$0x1FE00] =	vst v63  }
0x92: {  	_ = 	snop  }
0x93: {  	[tilespmem:s23], [sflag:$0x2] =	stream.indirect.gather [hbm4b:s5+s12], $0x80, s9, s12, $0xb8;
	[tilespmem:$0x1FE00] =	vst v63  }
0x94: {  	_ = 	snop  }
0x95: {  	[tilespmem:s25], [sflag:$0x2] =	stream.indirect.gather [hbm4b:s5+s12], $0x80, s24, s12, $0xb8;
	[tilespmem:$0x1FE00] =	vst v63  }
0x96: {  	_ =	swait.ge [sflag:s26], $0x3000  }
0x97: {  	[sflag:s26] =	ssyncset.done $0x0  }
0x98: {  	[sflag:s26] =	ssyncadd.s32 $0xFFFFD000  }
0x99: {  	_ =	swait.ge [sflag:s26], $0x1800  }
0x9a: {  	[sflag:s26] =	ssyncset.done $0x0  }
0x9b: {  	[sflag:s26] =	ssyncadd.s32 $0xFFFFE800  }
0x9c: {  	_ =	swait.ge [sflag:s26], $0x1800  }
0x9d: {  	[sflag:s26] =	ssyncset.done $0x0  }
0x9e: {  	s20 =	simm.s32 $0x0;
	[sflag:s26] =	ssyncadd.s32 $0xFFFFE800  }
0x9f: {  	v8 =	vld [tilespmem:s20+$0x200]  }
0xa0: {  	v12 =	vld [tilespmem:s20+$0x210]  }
0xa1: {  	v6 =	vld [tilespmem:s20+$0x220]  }
0xa2: {  	v5 =	vld [tilespmem:s20+$0x230]  }
0xa3: {  	v4 =	vld [tilespmem:s20+$0x240]  }
0xa4: {  	v3 =	vld [tilespmem:s20+$0x250]  }
0xa5: {  	v2 =	vld [tilespmem:s20+$0x260]  }
0xa6: {  	v1 =	vld [tilespmem:s20+$0x270]  }
0xa7: {  	v13 =	vld [tilespmem:s20+$0x6200]  }
0xa8: {  	v14 =	vld [tilespmem:s20+$0x6210]  }
0xa9: {  	v11 =	vld [tilespmem:s20+$0x6220]  }
0xaa: {  	v10 =	vld [tilespmem:s20+$0x6230]  }
0xab: {  	v9 =	vld [tilespmem:s20+$0x6240]  }
0xac: {  	v7 =	vld [tilespmem:s20+$0x6250];
	v13 =	vmul.f32 v8, v13  }
0xad: {  	s21 =	simm.s32 $0x200;
	v12 =	vmul.f32 v12, v14;
	v8 =	vld [tilespmem:s20+$0x6260]  }
.LBB2_5:
0xae: {  	s11 =	sshra.s32 s21, $0x2;
	p0 =	sne.s32 s21, $0xBE00;
	[tilespmem:s20+$0x6200] =	vst v13;
	v6 =	vmul.f32 v6, v11;
	v11 =	vld [tilespmem:s20+$0x6270]  }
0xaf: {  	v13 =	vld [tilespmem:s11+$0x200];
	[tilespmem:s20+$0x6210] =	vst v12;
	v5 =	vmul.f32 v5, v10  }
0xb0: {  	v12 =	vld [tilespmem:s11+$0x210];
	[tilespmem:s20+$0x6220] =	vst v6;
	v4 =	vmul.f32 v4, v9  }
0xb1: {  	v6 =	vld [tilespmem:s11+$0x220];
	[tilespmem:s20+$0x6230] =	vst v5;
	v3 =	vmul.f32 v3, v7  }
0xb2: {  	v5 =	vld [tilespmem:s11+$0x230];
	[tilespmem:s20+$0x6240] =	vst v4;
	v2 =	vmul.f32 v2, v8  }
0xb3: {  	v4 =	vld [tilespmem:s11+$0x240];
	[tilespmem:s20+$0x6250] =	vst v3;
	v1 =	vmul.f32 v1, v11  }
0xb4: {  	v3 =	vld [tilespmem:s11+$0x250];
	[tilespmem:s20+$0x6260] =	vst v2  }
0xb5: {  	v2 =	vld [tilespmem:s11+$0x260];
	[tilespmem:s20+$0x6270] =	vst v1;
	s20 =	smov.u32 s11  }
0xb6: {  	v1 =	vld [tilespmem:s20+$0x270]  }
0xb7: {  	v7 =	vld [tilespmem:s20+$0x6200]  }
0xb8: {  	v8 =	vld [tilespmem:s20+$0x6210]  }
.Ltmp3:
0xb9: {  	v11 =	vld [tilespmem:s20+$0x6220];
	(pc) =	sbr.rel @p0 .LBB2_5-.Ltmp3, $4  }
0xba: {  	v10 =	vld [tilespmem:s20+$0x6230]  }
0xbb: {  	v9 =	vld [tilespmem:s20+$0x6240]  }
0xbc: {  	v13 =	vmul.f32 v13, v7;
	v7 =	vld [tilespmem:s20+$0x6250]  }
0xbd: {  	s21 =	sadd.s32 $0x200, s21;
	v12 =	vmul.f32 v12, v8;
	v8 =	vld [tilespmem:s20+$0x6260]  }
0xbe: {  	[tilespmem:s20+$0x6200] =	vst v13;
	v6 =	vmul.f32 v6, v11;
	v11 =	vld [tilespmem:s20+$0x6270]  }
0xbf: {  	[tilespmem:s20+$0x6210] =	vst v12;
	v5 =	vmul.f32 v5, v10  }
0xc0: {  	[tilespmem:s20+$0x6220] =	vst v6;
	v4 =	vmul.f32 v4, v9  }
0xc1: {  	[tilespmem:s20+$0x6230] =	vst v5;
	v3 =	vmul.f32 v3, v7  }
0xc2: {  	[tilespmem:s20+$0x6240] =	vst v4;
	v2 =	vmul.f32 v2, v8  }
0xc3: {  	[tilespmem:s20+$0x6250] =	vst v3;
	v1 =	vmul.f32 v1, v11  }
0xc4: {  	p0 =	seq.s32 s18, $0x34;
	[tilespmem:s20+$0x6260] =	vst v2  }
0xc5: {  	s11 =	sadd.s32 @!p0 s19, s29;
	[tilespmem:s20+$0x6270] =	vst v1  }
0xc6: {  	[spmem:s2] =	stream.indirect.scatter.add.f32 [tilespmem:s13], [sflag:$0x5], $0x80, s8, s31, $0xb8;
	[tilespmem:$0x1FE00] =	vst v63  }
0xc7: {  	s20 =	sshll.u32 @!p0 s11, $0x4;
	_ =	swait.ge [sflag:s4], $0x3000  }
0xc8: {  	s20 =	sand.u32 @!p0 $0xFFFFFE0, s20;
	[sflag:s4] =	ssyncset.done $0x0  }
0xc9: {  	s0 =	simm.s32 @!p0 $0x0;
	s21 =	sadd.s32 @!p0 s7, s20;
	[sflag:s4] =	ssyncadd.s32 $0xFFFFD000  }
0xca: {  	[tilespmem:s0], [sflag:$0x3] =	stream.linear.gather @!p0 [hbm4b:s21+s0], $0x80, $0x38;
	[tilespmem:$0x1FE00] =	vst v63  }
0xcb: {  	s20 =	sadd.s32 @!p0 s1, s20;
	s21 =	simm.s32 @!p0 $0x100  }
0xcc: {  	[tilespmem:s21], [sflag:$0x3] =	stream.linear.gather @!p0 [hbm4b:s20+s0], $0x80, $0x38;
	[tilespmem:$0x1FE00] =	vst v63  }
0xcd: {  	s20 =	simm.s32 @!p0 $0x3  }
0xce: {  	_ =	swait.ge @!p0 [sflag:s20], $0x80  }
0xcf: {  	[sflag:s20] =	ssyncset.done @!p0 $0x0  }
0xd0: {  	[sflag:s20] =	ssyncadd.s32 @!p0 $0xFFFFFF80  }
0xd1: {  	s11 =	smul.u32 @!p0 $0x600, s11;
	_ =	swait.ge @!p0 [sflag:s20], $0x80  }
0xd2: {  	[sflag:s20] =	ssyncset.done @!p0 $0x0  }
0xd3: {  	s11 =	sadd.s32 @!p0 s6, s11;
	[sflag:s20] =	ssyncadd.s32 @!p0 $0xFFFFFF80;
	s20 =	simm.s32 @!p0 $0x200  }
0xd4: {  	[tilespmem:s20], [sflag:$0x1] =	stream.linear.gather @!p0 [hbm4b:s11+s0], $0x3000, $0x38;
	[tilespmem:$0x1FE00] =	vst v63  }
0xd5: {  	s11 =	simm.s32 @!p0 $0x30;
	s20 =	simm.s32 @!p0 $0x6200  }
0xd6: {  	[tilespmem:s20], [sflag:$0x1] =	stream.indirect.gather @!p0 [hbm4b:s5+s11], $0x80, s0, s11, $0xb8;
	[tilespmem:$0x1FE00] =	vst v63  }
0xd7: {  	s0 =	simm.s32 @!p0 $0x7A00  }
0xd8: {  	[tilespmem:s0], [sflag:$0x1] =	stream.indirect.gather @!p0 [hbm4b:s5+s11], $0x80, s11, s11, $0xb8;
	[tilespmem:$0x1FE00] =	vst v63  }
0xd9: {  	_ =	swait.ge [sflag:s15], $0x3000  }
0xda: {  	[sflag:s15] =	ssyncset.done $0x0  }
0xdb: {  	[sflag:s15] =	ssyncadd.s32 $0xFFFFD000  }
0xdc: {  	_ =	swait.ge [sflag:s15], $0x1800  }
0xdd: {  	[sflag:s15] =	ssyncset.done $0x0  }
0xde: {  	[sflag:s15] =	ssyncadd.s32 $0xFFFFE800  }
0xdf: {  	_ =	swait.ge [sflag:s15], $0x1800  }
0xe0: {  	[sflag:s15] =	ssyncset.done $0x0  }
0xe1: {  	s20 =	simm.s32 $0x0;
	[sflag:s15] =	ssyncadd.s32 $0xFFFFE800  }
0xe2: {  	v8 =	vld [tilespmem:s20+$0x3200]  }
0xe3: {  	v12 =	vld [tilespmem:s20+$0x3210]  }
0xe4: {  	v6 =	vld [tilespmem:s20+$0x3220]  }
0xe5: {  	v5 =	vld [tilespmem:s20+$0x3230]  }
0xe6: {  	v4 =	vld [tilespmem:s20+$0x3240]  }
0xe7: {  	v3 =	vld [tilespmem:s20+$0x3250]  }
0xe8: {  	v2 =	vld [tilespmem:s20+$0x3260]  }
0xe9: {  	v1 =	vld [tilespmem:s20+$0x3270]  }
0xea: {  	v13 =	vld [tilespmem:s20+$0x9200]  }
0xeb: {  	v14 =	vld [tilespmem:s20+$0x9210]  }
0xec: {  	v11 =	vld [tilespmem:s20+$0x9220]  }
0xed: {  	v10 =	vld [tilespmem:s20+$0x9230]  }
0xee: {  	v9 =	vld [tilespmem:s20+$0x9240]  }
0xef: {  	v7 =	vld [tilespmem:s20+$0x9250];
	v13 =	vmul.f32 v8, v13  }
0xf0: {  	s21 =	simm.s32 $0x200;
	v12 =	vmul.f32 v12, v14;
	v8 =	vld [tilespmem:s20+$0x9260]  }
.LBB2_7:
0xf1: {  	s0 =	sshra.s32 s21, $0x2;
	p1 =	sne.s32 s21, $0xBE00;
	[tilespmem:s20+$0x9200] =	vst v13;
	v6 =	vmul.f32 v6, v11;
	v11 =	vld [tilespmem:s20+$0x9270]  }
0xf2: {  	v13 =	vld [tilespmem:s0+$0x3200];
	[tilespmem:s20+$0x9210] =	vst v12;
	v5 =	vmul.f32 v5, v10  }
0xf3: {  	v12 =	vld [tilespmem:s0+$0x3210];
	[tilespmem:s20+$0x9220] =	vst v6;
	v4 =	vmul.f32 v4, v9  }
0xf4: {  	v6 =	vld [tilespmem:s0+$0x3220];
	[tilespmem:s20+$0x9230] =	vst v5;
	v3 =	vmul.f32 v3, v7  }
0xf5: {  	v5 =	vld [tilespmem:s0+$0x3230];
	[tilespmem:s20+$0x9240] =	vst v4;
	v2 =	vmul.f32 v2, v8  }
0xf6: {  	v4 =	vld [tilespmem:s0+$0x3240];
	[tilespmem:s20+$0x9250] =	vst v3;
	v1 =	vmul.f32 v1, v11  }
0xf7: {  	v3 =	vld [tilespmem:s0+$0x3250];
	[tilespmem:s20+$0x9260] =	vst v2  }
0xf8: {  	v2 =	vld [tilespmem:s0+$0x3260];
	[tilespmem:s20+$0x9270] =	vst v1;
	s20 =	smov.u32 s0  }
0xf9: {  	v1 =	vld [tilespmem:s20+$0x3270]  }
0xfa: {  	v7 =	vld [tilespmem:s20+$0x9200]  }
0xfb: {  	v8 =	vld [tilespmem:s20+$0x9210]  }
.Ltmp4:
0xfc: {  	v11 =	vld [tilespmem:s20+$0x9220];
	(pc) =	sbr.rel @p1 .LBB2_7-.Ltmp4, $4  }
0xfd: {  	v10 =	vld [tilespmem:s20+$0x9230]  }
0xfe: {  	v9 =	vld [tilespmem:s20+$0x9240]  }
0xff: {  	v13 =	vmul.f32 v13, v7;
	v7 =	vld [tilespmem:s20+$0x9250]  }
0x100: {  	s21 =	sadd.s32 $0x200, s21;
	v12 =	vmul.f32 v12, v8;
	v8 =	vld [tilespmem:s20+$0x9260]  }
0x101: {  	[tilespmem:s20+$0x9200] =	vst v13;
	v6 =	vmul.f32 v6, v11;
	v63 =	vld [tilespmem:s20+$0x9270]  }
0x102: {  	[tilespmem:s20+$0x9210] =	vst v12;
	v5 =	vmul.f32 v5, v10  }
0x103: {  	[tilespmem:s20+$0x9220] =	vst v6;
	v4 =	vmul.f32 v4, v9  }
0x104: {  	[tilespmem:s20+$0x9230] =	vst v5;
	v3 =	vmul.f32 v3, v7  }
0x105: {  	[tilespmem:s20+$0x9240] =	vst v4;
	v2 =	vmul.f32 v2, v8  }
0x106: {  	[tilespmem:s20+$0x9250] =	vst v3;
	v1 =	vmul.f32 v1, v63  }
0x107: {  	[tilespmem:s20+$0x9260] =	vst v2  }
.Ltmp5:
0x108: {  	[tilespmem:s20+$0x9270] =	vst v1;
	(pc) =	sbr.rel @p0 .LBB2_10-.Ltmp5, $4  }
0x109: {  	[spmem:s2] =	stream.indirect.scatter.add.f32 [tilespmem:s23], [sflag:$0x5], $0x80, s10, s31, $0xb8;
	[tilespmem:$0x1FE00] =	vst v63  }
0x10a: {  	_ =	swait.ge [sflag:s4], $0x3000  }
0x10b: {  	[sflag:s4] =	ssyncset.done $0x0  }
0x10c: {  	[sflag:s4] =	ssyncadd.s32 $0xFFFFD000  }
0x10d: {  	s0 =	sadd.s32 s19, s30  }
0x10e: {  	s0 =	sshll.u32 s0, $0x4  }
.Ltmp6:
0x10f: {  	s0 =	sand.u32 $0xFFFFFF0, s0;
	(pc) =	sbr.rel .LBB2_4-.Ltmp6, $4  }
0x110: {  	s11 =	sadd.s32 s7, s0  }
0x111: {  	[tilespmem:s9], [sflag:$0x4] =	stream.linear.gather [hbm4b:s11+s3], $0x80, $0x38;
	[tilespmem:$0x1FE00] =	vst v63  }
0x112: {  	s18 =	sadd.s32 $0x1, s18;
	s0 =	sadd.s32 s1, s0  }
0x113: {  	[tilespmem:s10], [sflag:$0x4] =	stream.linear.gather [hbm4b:s0+s3], $0x80, $0x38;
	[tilespmem:$0x1FE00] =	vst v63  }
.LBB2_11:
0x114: {  	_ =	sfence.sel $0x180000  }
0x115: {  	[bflag:$0x0] =	sbarrier.arrive $0xFFFF  }
0x116: {  	_ =	strace $0x9000004A  }
0x117: {  	s0 =	stileid.u32;
	[bflag:$0x2] =	sbarrier.arrive $0xFFFF  }
0x118: {  	p0 =	sne.s32 s0, $0x0;
	s0 =	rddreg [dreg:$0x3]  }
0x119: {  	s0 =	sadd.s32 @!p0 $0x100000, s0  }
0x11a: {  	[sflag:s0] =	ssyncadd.tile.s32 @!p0 $0x1;
	_ =	shalt  }
.Lfunc_end2:
_tile_overlayer_lowered:
.L_overlay_start_2:
0x11b: {  	(tag) =	ssettag $0x2  }
0x11c: {  	s0 =	rddreg [dreg:$0x0];
	s2 =	stileid.u32  }
0x11d: {  	s1 =	rddreg [dreg:$0x1];
	p0 =	sne.s32 s2, $0x0  }
0x11e: {  	s3 =	rddreg [dreg:$0x2];
	[bflag:$0x3] =	sbarrier.arrive $0xFFFF;
	s2 =	simm.s32 @!p0 $0x1C05  }
0x11f: {  	[timem:s3], [sflag:s2] =	dma.local @!p0 [hbm:s0], s1  }
0x120: {  	s0 =	simm.s32 @!p0 $0x5  }
0x121: {  	_ =	swait.ge @!p0 [sflag:s0], s1  }
0x122: {  	s1 =	ssub.s32 @!p0 $0x0, s1;
	[sflag:s0] =	ssyncset.done @!p0 $0x0  }
0x123: {  	[sflag:s0] =	ssyncadd.s32 @!p0 s1  }
0x124: {  	[bflag:$0x3] =	sbarrier.arrive $0xFFFF  }
0x125: {  	_ =	shalt  }

// kernel: kernel.4.cloned.1.call-start
scs
__scs_entry_jumppad:
0x0: {  	(pc) =	sbr.rel $0x88, $3  }
0x1: {  	(tag) =	ssettag $0x0;
	lr =	simm.s32 $0x1  }
0x2: {  	[smem:$0x3F96] =	sst lr;
	_ =	strace $0xD0000000  }
0x3: {  	_ = 	snop  }
0x4: {  	_ = 	snop  }
0x5: {  	_ = 	snop  }
0x6: {  	_ = 	snop  }
0x7: {  	_ = 	snop  }
__scs_overlays_trampoline_lowered:
0x8: {  	[smem:$0x3FA5] =	sst s0  }
0x9: {  	[smem:$0x3FA6] =	sst s1  }
0xa: {  	[smem:$0x3FA7] =	sst s2  }
0xb: {  	[smem:$0x3FA8] =	sst s3  }
0xc: {  	[smem:$0x3FA9] =	sst s4  }
0xd: {  	[smem:$0x3FAA] =	sst s5  }
0xe: {  	[smem:$0x3FAB] =	sst s6  }
0xf: {  	[smem:$0x3FAC] =	sst s7  }
0x10: {  	[smem:$0x3FAD] =	sst s8  }
0x11: {  	[smem:$0x3FAE] =	sst s9;
	s0 =	simm.s32 @!p0 $0x0  }
0x12: {  	s1 =	sld [smem:$0x3F94];
	s0 =	simm.s32 @p0 $0x1  }
0x13: {  	[smem:$0x3FAF] =	sst s0;
	s0 =	simm.s32 @!p1 $0x0  }
0x14: {  	s2 =	sld [smem:$0x3F93];
	s0 =	simm.s32 @p1 $0x1  }
0x15: {  	[smem:$0x3FB0] =	sst s0;
	s0 =	simm.s32 @!p2 $0x0  }
0x16: {  	s3 =	sld [smem:$0x3FDB];
	s0 =	simm.s32 @p2 $0x1  }
0x17: {  	s4 =	simm.s32 $0x1BF5;
	[smem:$0x3FB2] =	sst s0  }
0x18: {  	s0 =	sld [smem:$0x3F95];
	_ =	swait.ge [sflag:s4], $0x0  }
0x19: {  	s7 =	sld [smem:$0x3F96]  }
0x1a: {  	s8 =	sadd.s32 $0xFFFFE003, lr  }
0x1b: {  	s9 =	sadd.s32 $0xFFFFFEF7, lr;
	s5 =	simm.s32 $0xFFFFFFFF;
	p2 =	slt.u32 s8, $0xFFFFF086  }
0x1c: {  	p1 =	slt.u32 s9, $0xF7A;
	s5 =	simm.s32 @!p2 $0x0  }
0x1d: {  	s5 =	simm.s32 @p1 $0x1;
	p0 =	seq.s32 s7, s2  }
0x1e: {  	s7 =	smul.u32 @!p0 $0xF7A, s2;
	p2 =	seq.s32 @!p0 s5, $0x0  }
0x1f: {  	s9 =	smul.u32 $0xF7A, s1;
	s8 =	simm.s32 @!p0 $0x1BF5;
	p2 =	por !p2, p0  }
0x20: {  	[sflag:s8] =	ssyncset.s32 @!p0 $0xFFFFF086;
	s6 =	sadd.s32 @!p0 s3, s7;
	s7 =	simm.s32 @!p0 $0x108  }
0x21: {  	s3 =	sadd.s32 s3, s9;
	s6 =	sadd.s32 @!p0 $0x88, s6;
	s7 =	simm.s32 @p2 $0x1082  }
0x22: {  	[simem:s7], [sflag:s8] =	dma.local @!p0 [hbm:s6], $0xF7A  }
0x23: {  	s9 =	sor.u32 $0xD0000000, s2;
	s6 =	simm.s32 $0x108;
	_ =	swait.ge @!p0 [sflag:s8], $0x0  }
0x24: {  	s3 =	sadd.s32 $0x88, s3;
	s6 =	simm.s32 @!p1 $0x1082;
	[sflag:s4] =	ssyncset.s32 $0xFFFFF086  }
0x25: {  	[simem:s6], [sflag:s4] =	dma.local [hbm:s3], $0xF7A  }
0x26: {  	[smem:$0x3F96] =	sst s1;
	(tag) =	ssettag s2;
	_ =	strace s9  }
0x27: {  	s1 =	sld [smem:$0x3FA6]  }
0x28: {  	s2 =	sld [smem:$0x3FA7]  }
0x29: {  	s4 =	sld [smem:$0x3FA9]  }
0x2a: {  	p0 =	seq.s32 s5, $0x0;
	s5 =	sld [smem:$0x3FAA]  }
0x2b: {  	s6 =	sld [smem:$0x3FAB]  }
0x2c: {  	s7 =	sld [smem:$0x3FAC]  }
0x2d: {  	s3 =	simm.s32 $0x108;
	s8 =	sld [smem:$0x3FAD]  }
0x2e: {  	s3 =	simm.s32 @!p0 $0x1082;
	s9 =	sld [smem:$0x3FAE]  }
0x2f: {  	lr =	sadd.s32 s0, s3;
	s0 =	sld [smem:$0x3FA5]  }
0x30: {  	s3 =	sld [smem:$0x3FA8]  }
0x31: {  	[smem:$0x3FB1] =	sst s10  }
0x32: {  	s10 =	sld [smem:$0x3FAF];
	_ =	sdelay $0x3  }
0x33: {  	p0 =	seq.s32 s10, $0x1;
	s10 =	sld [smem:$0x3FB1];
	_ =	sdelay $0x3  }
0x34: {  	[smem:$0x3FB1] =	sst s10  }
0x35: {  	s10 =	sld [smem:$0x3FB0];
	_ =	sdelay $0x3  }
0x36: {  	p1 =	seq.s32 s10, $0x1;
	s10 =	sld [smem:$0x3FB1];
	_ =	sdelay $0x3  }
0x37: {  	[smem:$0x3FB1] =	sst s10  }
0x38: {  	s10 =	sld [smem:$0x3FB2]  }
0x39: {  	_ = 	snop;
	(pc) =	sbr.ind lr, $3  }
0x3a: {  	_ = 	snop  }
0x3b: {  	_ = 	snop  }
0x3c: {  	p2 =	seq.s32 s10, $0x1;
	s10 =	sld [smem:$0x3FB1]  }
0x3d: {  	_ =	shalt  }
0x3e: {  	_ =	shalt  }
0x3f: {  	_ =	shalt  }
0x40: {  	_ =	shalt  }
0x41: {  	_ =	shalt  }
0x42: {  	_ =	shalt  }
0x43: {  	_ =	shalt  }
0x44: {  	_ =	shalt  }
0x45: {  	_ =	shalt  }
0x46: {  	_ =	shalt  }
0x47: {  	_ =	shalt  }
0x48: {  	_ =	shalt  }
0x49: {  	_ =	shalt  }
0x4a: {  	_ =	shalt  }
0x4b: {  	_ =	shalt  }
0x4c: {  	_ =	shalt  }
0x4d: {  	_ =	shalt  }
0x4e: {  	_ =	shalt  }
0x4f: {  	_ =	shalt  }
0x50: {  	_ =	shalt  }
0x51: {  	_ =	shalt  }
0x52: {  	_ =	shalt  }
0x53: {  	_ =	shalt  }
0x54: {  	_ =	shalt  }
0x55: {  	_ =	shalt  }
0x56: {  	_ =	shalt  }
0x57: {  	_ =	shalt  }
0x58: {  	_ =	shalt  }
0x59: {  	_ =	shalt  }
0x5a: {  	_ =	shalt  }
0x5b: {  	_ =	shalt  }
0x5c: {  	_ =	shalt  }
0x5d: {  	_ =	shalt  }
0x5e: {  	_ =	shalt  }
0x5f: {  	_ =	shalt  }
0x60: {  	_ =	shalt  }
0x61: {  	_ =	shalt  }
0x62: {  	_ =	shalt  }
0x63: {  	_ =	shalt  }
0x64: {  	_ =	shalt  }
0x65: {  	_ =	shalt  }
0x66: {  	_ =	shalt  }
0x67: {  	_ =	shalt  }
0x68: {  	_ =	shalt  }
0x69: {  	_ =	shalt  }
0x6a: {  	_ =	shalt  }
0x6b: {  	_ =	shalt  }
0x6c: {  	_ =	shalt  }
0x6d: {  	_ =	shalt  }
0x6e: {  	_ =	shalt  }
0x6f: {  	_ =	shalt  }
0x70: {  	_ =	shalt  }
0x71: {  	_ =	shalt  }
0x72: {  	_ =	shalt  }
0x73: {  	_ =	shalt  }
0x74: {  	_ =	shalt  }
0x75: {  	_ =	shalt  }
0x76: {  	_ =	shalt  }
0x77: {  	_ =	shalt  }
0x78: {  	_ =	shalt  }
0x79: {  	_ =	shalt  }
0x7a: {  	_ =	shalt  }
0x7b: {  	_ =	shalt  }
0x7c: {  	_ =	shalt  }
0x7d: {  	_ =	shalt  }
0x7e: {  	_ =	shalt  }
0x7f: {  	_ =	shalt  }
0x80: {  	_ =	shalt  }
0x81: {  	_ =	shalt  }
0x82: {  	_ =	shalt  }
0x83: {  	_ =	shalt  }
0x84: {  	_ =	shalt  }
0x85: {  	_ =	shalt  }
0x86: {  	_ =	shalt  }
0x87: {  	_ =	shalt  }
.Lfunc_end0:
.L_simem_size_0:
called_computation.1_lowered:
.L_overlay_start_0:
0x88: {  	s2 =	sld [smem:$0x3FD9]  }
0x89: {  	s3 =	sld [smem:$0x3FFE];
	_ =	sdelay $0x1  }
0x8a: {  	s1 =	srdreg.scid  }
0x8b: {  	s0 =	sand.u32 $0x1, s1  }
0x8c: {  	s17 =	sshll.u32 s0, $0xA;
	s2 =	sadd.s32 s3, s2  }
0x8d: {  	s2 =	sadd.s32 s2, s17  }
0x8e: {  	[smem:$0x3FBD] =	sst s2  }
0x8f: {  	_ = 	snop  }
0x90: {  	s2 =	sld [smem:$0x3FD0];
	(tm) =	ssettm $0x1  }
0x91: {  	s18 =	sld [smem:$0x3FFB];
	_ =	sdelay $0x3  }
0x92: {  	_ =	strace s18  }
0x93: {  	s3 =	sld [smem:$0x3FFC];
	_ =	sdelay $0x3  }
0x94: {  	_ =	strace s3  }
0x95: {  	s3 =	sld [smem:$0x3FFD];
	_ =	sdelay $0x3  }
0x96: {  	_ =	strace s3  }
0x97: {  	_ =	strace $0x8FFFFFFF  }
0x98: {  	s19 =	sld [smem:$0x3FDB];
	_ =	sdelay $0x1  }
0x99: {  	s4 =	simm.s32 $_scs_section_size  }
0x9a: {  	s5 =	simm.s32 $_size__tile_overlayer_lowered;
	s6 =	simm.s32 $_tile_overlayer_lowered  }
0x9b: {  	s22 =	simm.s32 $0x1BFF;
	s21 =	sshll.u32 s6, $0x1;
	s3 =	sadd.s32 s4, s19  }
0x9c: {  	s7 =	simm.s32 $0x0;
	s20 =	sshll.u32 s5, $0x1;
	s5 =	sadd.s32 s21, s3  }
0x9d: {  	[timem:s7], [sflag:s22] =	dma.local [hbm:s5], s20  }
0x9e: {  	_ =	swait.ge [sflag:s22], s20  }
0x9f: {  	s4 =	ssub.s32 $0x0, s20;
	[sflag:s22] =	ssyncset.done $0x0  }
0xa0: {  	[sflag:s22] =	ssyncadd.s32 s4;
	_ =	sdelay $0x1  }
0xa1: {  	s23 =	simm.s32 $0x1B8B  }
0xa2: {  	_ =	swait.ge [sflag:s23], $0x1  }
0xa3: {  	[sflag:s23] =	ssyncset.done $0x0  }
0xa4: {  	s25 =	simm.s32 $0x1B8E;
	s24 =	sld [smem:$0x3FFE];
	[sflag:s23] =	ssyncadd.s32 $0xFFFFFFFF  }
0xa5: {  	s26 =	simm.s32 $execute0_lowered;
	[smem:$0x3FD2] =	sst s25  }
0xa6: {  	s5 =	sshll.u32 s26, $0x1;
	_ =	strace $0x80000046;
	[dreg:$0x1] =	wrdreg $0xFFFFFFFF  }
0xa7: {  	s28 =	simm.s32 $_size_execute0_lowered;
	s3 =	sadd.s32 s3, s5;
	[dreg:$0x0] =	wrdreg $0x0  }
0xa8: {  	s5 =	sshll.u32 s28, $0x1;
	[dreg:$0x2] =	wrdreg s3  }
0xa9: {  	[dreg:$0x3] =	wrdreg s5  }
0xaa: {  	[dreg:$0x4] =	wrdreg $0xC0  }
0xab: {  	_ =	task [dreg:s7], $0x5FFFF  }
0xac: {  	[dreg:$0x1] =	wrdreg $0xFFFFFFFF  }
0xad: {  	[dreg:$0x0] =	wrdreg $0x60  }
0xae: {  	[dreg:$0x2] =	wrdreg s2  }
0xaf: {  	[dreg:$0x3] =	wrdreg s24  }
0xb0: {  	[dreg:$0x4] =	wrdreg $0x60800  }
0xb1: {  	[dreg:$0x5] =	wrdreg $0x9  }
0xb2: {  	_ =	task.clear_ibuf [dreg:s7], $0x6FFFF;
	_ =	strace $0x90000046  }
0xb3: {  	s29 =	simm.s32 $0x9;
	_ =	strace $0x80000048  }
0xb4: {  	_ =	swait.ge [sflag:s29], $0x1  }
0xb5: {  	[sflag:s29] =	ssyncadd.s32 $0xFFFFFFFF  }
0xb6: {  	_ =	strace $0x90000048  }
0xb7: {  	_ =	sfence  }
0xb8: {  	s30 =	sld [smem:$0x0];
	_ =	sdelay $0x2  }
0xb9: {  	s31 =	sshll.u32 s1, $0xD;
	s1 =	sshrl.u32 s1, $0x2  }
0xba: {  	s3 =	sand.u32 $0x4000, s31;
	s1 =	sadd.s32 s1, s30  }
0xbb: {  	s0 =	sor.u32 s3, s0;
	s1 =	sshll.u32 s1, $0x11  }
0xbc: {  	s0 =	sor.u32 s1, s0  }
0xbd: {  	s0 =	sadd.s32 $0x8F2B, s0  }
0xbe: {  	[sflag:s0] =	ssyncadd.remote.s32 $0x1  }
0xbf: {  	_ =	sfence.sel $0xFFFF  }
0xc0: {  	[dreg:$0x0] =	wrdreg $0xFFFFFFFF;
	(pc) =	sbr.abs _section_cstart, $3  }
0xc1: {  	[dreg:$0x1] =	wrdreg $0xFFFFFFFF  }
0xc2: {  	_ =	task.clear_ibuf [dreg:s7], $0x2FFFF;
	_ =	strace $0x9FFFFFFF  }
0xc3: {  	(tm) =	ssettm $0x7FFFFFFF  }
tec
execute0_lowered:
.L_overlay_start_1:
0x0: {  	(tag) =	ssettag $0x1  }
0x1: {  	s19 =	rddreg [dreg:$0x0]  }
0x2: {  	s4 =	rddreg [dreg:$0x1]  }
0x3: {  	s2 =	rddreg [dreg:$0x2]  }
0x4: {  	s0 =	rddreg [dreg:$0x3];
	s1 =	stileid.u32  }
0x5: {  	s5 =	srdreg.scid;
	s3 =	simm.s32 $0x0;
	s6 =	smul.u32 $0x4F000, s1  }
0x6: {  	s24 =	simm.s32 $0x0;
	s16 =	sand.u32 $0x1, s5;
	s10 =	smul.u32 $0x13C00, s1  }
0x7: {  	[smem:$0x7FF] =	sst s3;
	s17 =	sadd.s32 $0xDA00, s4;
	s31 =	smul.u32 $0x6A0, s1  }
0x8: {  	s5 =	ssub.s32 $0x2, s16;
	_ =	strace $0x80000047;
	s21 =	smul.u32 $0x140000, s16  }
0x9: {  	s29 =	smul.u32 $0x6A00, s16;
	s7 =	sshrl.u32 s5, $0x1;
	s28 =	sshrl.u32 s6, $0x2  }
0xa: {  	s11 =	sadd.s32 $0x3000, s10;
	s13 =	sadd.s32 $0x6000, s10;
	s14 =	sadd.s32 $0x9000, s10  }
0xb: {  	s15 =	sadd.s32 $0xC000, s10;
	s20 =	sadd.s32 $0xF000, s10;
	s22 =	sadd.s32 $0x12000, s10  }
0xc: {  	s18 =	ssub.s32 s5, s7;
	s4 =	sadd.s32 s28, s2;
	s5 =	sadd.s32 s11, s2  }
0xd: {  	s6 =	sadd.s32 s13, s2;
	s7 =	sadd.s32 s14, s2;
	s8 =	sadd.s32 s15, s2  }
0xe: {  	s9 =	sadd.s32 s20, s2;
	s12 =	sadd.s32 s10, s21;
	s11 =	sadd.s32 s21, s11  }
0xf: {  	s10 =	sadd.s32 s22, s2;
	s13 =	sadd.s32 s21, s13;
	s14 =	sadd.s32 s21, s14  }
0x10: {  	s15 =	sadd.s32 s21, s15;
	s20 =	sadd.s32 s21, s20;
	s21 =	sadd.s32 s21, s22  }
0x11: {  	s19 =	sadd.s32 s29, s19;
	s22 =	simm.s32 $0x60;
	s12 =	sshrl.u32 s12, $0x3  }
0x12: {  	s23 =	sshrl.u32 s11, $0x3;
	s13 =	sshrl.u32 s13, $0x3;
	s14 =	sshrl.u32 s14, $0x3  }
0x13: {  	s15 =	sshrl.u32 s15, $0x3;
	s20 =	sshrl.u32 s20, $0x3;
	s30 =	sshrl.u32 s21, $0x3  }
0x14: {  	s18 =	smax.u32 s18, $0x1;
	s19 =	sadd.s32 s31, s19;
	s21 =	simm.s32 $0x1  }
0x15: {  	s11 =	sadd.s32 s17, s12;
	s12 =	sadd.s32 s17, s23;
	s13 =	sadd.s32 s17, s13  }
0x16: {  	s14 =	sadd.s32 s17, s14;
	s15 =	sadd.s32 s17, s15;
	s16 =	sadd.s32 s17, s20  }
0x17: {  	v0 =	vimm.f32 $1.000000000e+00;
	v1 =	vimm.f32 $0.0e+00;
	s17 =	sadd.s32 s17, s30;
	s20 =	simm.s32 $0x3080;
	s23 =	simm.s32 $0x80  }
.LBB2_1:
0x18: {  	s25 =	simm.s32 $0x0;
	s26 =	simm.s32 $0x200  }
.LBB2_2:
0x19: {  	p0 =	sne.s32 s26, $0xBE00;
	[tilespmem:s25+$0x30F0] =	vst v1  }
0x1a: {  	[tilespmem:s25+$0x80] =	vst v0  }
0x1b: {  	[tilespmem:s25+$0x3080] =	vst v1  }
0x1c: {  	[tilespmem:s25+$0x90] =	vst v0  }
0x1d: {  	[tilespmem:s25+$0x3090] =	vst v1  }
0x1e: {  	[tilespmem:s25+$0xA0] =	vst v0  }
0x1f: {  	[tilespmem:s25+$0x30A0] =	vst v1  }
0x20: {  	[tilespmem:s25+$0xB0] =	vst v0  }
0x21: {  	[tilespmem:s25+$0x30B0] =	vst v1  }
0x22: {  	[tilespmem:s25+$0xC0] =	vst v0  }
0x23: {  	[tilespmem:s25+$0x30C0] =	vst v1  }
.Ltmp0:
0x24: {  	[tilespmem:s25+$0xD0] =	vst v0;
	(pc) =	sbr.rel @p0 .LBB2_2-.Ltmp0, $4  }
0x25: {  	[tilespmem:s25+$0x30D0] =	vst v1  }
0x26: {  	[tilespmem:s25+$0xE0] =	vst v0  }
0x27: {  	[tilespmem:s25+$0x30E0] =	vst v1  }
0x28: {  	[tilespmem:s25+$0xF0] =	vst v0;
	s25 =	sshra.s32 s26, $0x2;
	s26 =	sadd.s32 $0x200, s26  }
0x29: {  	[tilespmem:s25+$0x30F0] =	vst v1  }
0x2a: {  	[tilespmem:s25+$0x80] =	vst v0  }
0x2b: {  	[tilespmem:s25+$0x3080] =	vst v1  }
0x2c: {  	[tilespmem:s25+$0x90] =	vst v0  }
0x2d: {  	[tilespmem:s25+$0x3090] =	vst v1  }
0x2e: {  	[tilespmem:s25+$0xA0] =	vst v0  }
0x2f: {  	[tilespmem:s25+$0x30A0] =	vst v1  }
0x30: {  	[tilespmem:s25+$0xB0] =	vst v0  }
0x31: {  	[tilespmem:s25+$0x30B0] =	vst v1  }
0x32: {  	[tilespmem:s25+$0xC0] =	vst v0  }
0x33: {  	[tilespmem:s25+$0x30C0] =	vst v1  }
0x34: {  	[tilespmem:s25+$0xD0] =	vst v0  }
0x35: {  	[tilespmem:s25+$0x30D0] =	vst v1  }
0x36: {  	[tilespmem:s25+$0xE0] =	vst v0  }
0x37: {  	[tilespmem:s25+$0x30E0] =	vst v1  }
0x38: {  	[tilespmem:s25+$0xF0] =	vst v0  }
0x39: {  	[spmem:s4] =	stream.linear.scatter [tilespmem:s20], [sflag:$0x1], $0x3000, $0x38;
	[tilespmem:$0x19C80] =	vst v63  }
0x3a: {  	_ =	swait.ge [sflag:s21], $0x3000  }
0x3b: {  	[sflag:s21] =	ssyncset.done $0x0  }
0x3c: {  	[sflag:s21] =	ssyncadd.s32 $0xFFFFD000  }
0x3d: {  	[spmem:s5] =	stream.linear.scatter [tilespmem:s20], [sflag:$0x1], $0x3000, $0x38;
	[tilespmem:$0x19C80] =	vst v63  }
0x3e: {  	_ =	swait.ge [sflag:s21], $0x3000  }
0x3f: {  	[sflag:s21] =	ssyncset.done $0x0  }
0x40: {  	[sflag:s21] =	ssyncadd.s32 $0xFFFFD000  }
0x41: {  	[spmem:s6] =	stream.linear.scatter [tilespmem:s20], [sflag:$0x1], $0x3000, $0x38;
	[tilespmem:$0x19C80] =	vst v63  }
0x42: {  	_ =	swait.ge [sflag:s21], $0x3000  }
0x43: {  	[sflag:s21] =	ssyncset.done $0x0  }
0x44: {  	[sflag:s21] =	ssyncadd.s32 $0xFFFFD000  }
0x45: {  	[spmem:s7] =	stream.linear.scatter [tilespmem:s20], [sflag:$0x1], $0x3000, $0x38;
	[tilespmem:$0x19C80] =	vst v63  }
0x46: {  	_ =	swait.ge [sflag:s21], $0x3000  }
0x47: {  	[sflag:s21] =	ssyncset.done $0x0  }
0x48: {  	[sflag:s21] =	ssyncadd.s32 $0xFFFFD000  }
0x49: {  	[spmem:s8] =	stream.linear.scatter [tilespmem:s20], [sflag:$0x1], $0x3000, $0x38;
	[tilespmem:$0x19C80] =	vst v63  }
0x4a: {  	_ =	swait.ge [sflag:s21], $0x3000  }
0x4b: {  	[sflag:s21] =	ssyncset.done $0x0  }
0x4c: {  	[sflag:s21] =	ssyncadd.s32 $0xFFFFD000  }
0x4d: {  	[spmem:s9] =	stream.linear.scatter [tilespmem:s20], [sflag:$0x1], $0x3000, $0x38;
	[tilespmem:$0x19C80] =	vst v63  }
0x4e: {  	_ =	swait.ge [sflag:s21], $0x3000  }
0x4f: {  	[sflag:s21] =	ssyncset.done $0x0  }
0x50: {  	[sflag:s21] =	ssyncadd.s32 $0xFFFFD000  }
0x51: {  	[spmem:s10] =	stream.linear.scatter [tilespmem:s20], [sflag:$0x1], $0x1C00, $0x38;
	[tilespmem:$0x19C80] =	vst v63  }
0x52: {  	_ =	swait.ge [sflag:s21], $0x1C00  }
0x53: {  	[sflag:s21] =	ssyncset.done $0x0  }
0x54: {  	[sflag:s21] =	ssyncadd.s32 $0xFFFFE400  }
0x55: {  	s31 =	sadd.s32 $0x0, s19;
	[bflag:$0x0] =	sbarrier.arrive $0xFFFF  }
0x56: {  	[tilespmem:s3], [sflag:$0x1] =	stream.linear.gather [hbm4b:s31+s3], $0x80, $0x38;
	[tilespmem:$0x19C80] =	vst v63  }
0x57: {  	_ =	swait.ge [sflag:s21], $0x80  }
0x58: {  	[sflag:s21] =	ssyncset.done $0x0  }
0x59: {  	[sflag:s21] =	ssyncadd.s32 $0xFFFFFF80  }
0x5a: {  	[spmem:s2] =	stream.indirect.scatter.add.f32 [tilespmem:s23], [sflag:$0x1], $0x80, s3, s22, $0xb8;
	[tilespmem:$0x19C80] =	vst v63  }
0x5b: {  	_ =	swait.ge [sflag:s21], $0x3000  }
0x5c: {  	s25 =	simm.s32 $0x10;
	s26 =	simm.s32 $0x20;
	[sflag:s21] =	ssyncset.done $0x0  }
.LBB2_4:
0x5d: {  	s28 =	sadd.s32 s25, s19  }
0x5e: {  	[sflag:s21] =	ssyncadd.s32 $0xFFFFD000;
	s25 =	smov.u32 s26;
	s29 =	sadd.s32 $0x10, s26  }
0x5f: {  	[tilespmem:s3], [sflag:$0x1] =	stream.linear.gather [hbm4b:s28+s3], $0x80, $0x38;
	[tilespmem:$0x19C80] =	vst v63  }
0x60: {  	p0 =	sne.s32 s26, $0x690;
	_ =	swait.ge [sflag:s21], $0x80  }
.Ltmp1:
0x61: {  	[sflag:s21] =	ssyncset.done $0x0;
	(pc) =	sbr.rel @p0 .LBB2_4-.Ltmp1, $4  }
0x62: {  	[sflag:s21] =	ssyncadd.s32 $0xFFFFFF80  }
0x63: {  	[spmem:s2] =	stream.indirect.scatter.add.f32 [tilespmem:s23], [sflag:$0x1], $0x80, s3, s22, $0xb8;
	[tilespmem:$0x19C80] =	vst v63  }
0x64: {  	_ =	swait.ge [sflag:s21], $0x3000  }
0x65: {  	s26 =	smov.u32 s29;
	[sflag:s21] =	ssyncset.done $0x0  }
0x66: {  	s25 =	sadd.s32 s25, s19;
	[sflag:s21] =	ssyncadd.s32 $0xFFFFD000  }
0x67: {  	[tilespmem:s3], [sflag:$0x1] =	stream.linear.gather [hbm4b:s25+s3], $0x80, $0x38;
	[tilespmem:$0x19C80] =	vst v63  }
0x68: {  	_ =	swait.ge [sflag:s21], $0x80  }
0x69: {  	[sflag:s21] =	ssyncset.done $0x0  }
0x6a: {  	[sflag:s21] =	ssyncadd.s32 $0xFFFFFF80  }
0x6b: {  	[spmem:s2] =	stream.indirect.scatter.add.f32 [tilespmem:s23], [sflag:$0x1], $0x80, s3, s22, $0xb8;
	[tilespmem:$0x19C80] =	vst v63  }
0x6c: {  	_ =	swait.ge [sflag:s21], $0x3000  }
0x6d: {  	[sflag:s21] =	ssyncset.done $0x0  }
0x6e: {  	s29 =	sshll.u32 s1, $0x6;
	[sflag:s21] =	ssyncadd.s32 $0xFFFFD000  }
0x6f: {  	s26 =	sshrl.u32 s4, $0x3;
	s25 =	sor.u32 $0x1C01, s29;
	[bflag:$0x0] =	sbarrier.arrive $0xFFFF  }
0x70: {  	[hbm:s11], [sflag:s25] =	dma.local [spmem:s26], $0x600  }
0x71: {  	_ =	swait.ge [sflag:s21], $0x600  }
0x72: {  	[sflag:s21] =	ssyncset.done $0x0  }
0x73: {  	s30 =	sshrl.u32 s5, $0x3;
	[sflag:s21] =	ssyncadd.s32 $0xFFFFFA00  }
0x74: {  	[hbm:s12], [sflag:s25] =	dma.local [spmem:s30], $0x600  }
0x75: {  	_ =	swait.ge [sflag:s21], $0x600  }
0x76: {  	[sflag:s21] =	ssyncset.done $0x0  }
0x77: {  	s31 =	sshrl.u32 s6, $0x3;
	[sflag:s21] =	ssyncadd.s32 $0xFFFFFA00  }
0x78: {  	[hbm:s13], [sflag:s25] =	dma.local [spmem:s31], $0x600  }
0x79: {  	_ =	swait.ge [sflag:s21], $0x600  }
0x7a: {  	[sflag:s21] =	ssyncset.done $0x0  }
0x7b: {  	s28 =	sshrl.u32 s7, $0x3;
	[sflag:s21] =	ssyncadd.s32 $0xFFFFFA00  }
0x7c: {  	[hbm:s14], [sflag:s25] =	dma.local [spmem:s28], $0x600  }
0x7d: {  	_ =	swait.ge [sflag:s21], $0x600  }
0x7e: {  	[sflag:s21] =	ssyncset.done $0x0  }
0x7f: {  	s29 =	sshrl.u32 s8, $0x3;
	[sflag:s21] =	ssyncadd.s32 $0xFFFFFA00  }
0x80: {  	[hbm:s15], [sflag:s25] =	dma.local [spmem:s29], $0x600  }
0x81: {  	_ =	swait.ge [sflag:s21], $0x600  }
0x82: {  	[sflag:s21] =	ssyncset.done $0x0  }
0x83: {  	s30 =	sshrl.u32 s9, $0x3;
	[sflag:s21] =	ssyncadd.s32 $0xFFFFFA00  }
0x84: {  	[hbm:s16], [sflag:s25] =	dma.local [spmem:s30], $0x600  }
0x85: {  	s24 =	sadd.s32 $0x1, s24;
	_ =	swait.ge [sflag:s21], $0x600  }
0x86: {  	p0 =	sne.s32 s24, s18;
	[sflag:s21] =	ssyncset.done $0x0  }
.Ltmp2:
0x87: {  	s31 =	sshrl.u32 s10, $0x3;
	[sflag:s21] =	ssyncadd.s32 $0xFFFFFA00;
	(pc) =	sbr.rel @p0 .LBB2_1-.Ltmp2, $4  }
0x88: {  	[hbm:s17], [sflag:s25] =	dma.local [spmem:s31], $0x380  }
0x89: {  	_ =	swait.ge [sflag:s21], $0x380  }
0x8a: {  	[sflag:s21] =	ssyncset.done $0x0  }
0x8b: {  	[sflag:s21] =	ssyncadd.s32 $0xFFFFFC80  }
0x8c: {  	_ =	sfence.sel $0x180000  }
0x8d: {  	[bflag:$0x0] =	sbarrier.arrive $0xFFFF  }
0x8e: {  	p0 =	sne.s32 s1, $0x0;
	_ =	strace $0x90000047  }
0x8f: {  	s0 =	sadd.s32 @!p0 $0x100000, s0;
	[bflag:$0x2] =	sbarrier.arrive $0xFFFF  }
0x90: {  	[sflag:s0] =	ssyncadd.tile.s32 @!p0 $0x1;
	_ =	shalt  }
.Lfunc_end2:
_tile_overlayer_lowered:
.L_overlay_start_2:
0x91: {  	(tag) =	ssettag $0x2  }
0x92: {  	s0 =	rddreg [dreg:$0x0];
	s2 =	stileid.u32  }
0x93: {  	s1 =	rddreg [dreg:$0x1];
	p0 =	sne.s32 s2, $0x0  }
0x94: {  	s3 =	rddreg [dreg:$0x2];
	[bflag:$0x3] =	sbarrier.arrive $0xFFFF;
	s2 =	simm.s32 @!p0 $0x1C01  }
0x95: {  	[timem:s3], [sflag:s2] =	dma.local @!p0 [hbm:s0], s1  }
0x96: {  	s0 =	simm.s32 @!p0 $0x1  }
0x97: {  	_ =	swait.ge @!p0 [sflag:s0], s1  }
0x98: {  	s1 =	ssub.s32 @!p0 $0x0, s1;
	[sflag:s0] =	ssyncset.done @!p0 $0x0  }
0x99: {  	[sflag:s0] =	ssyncadd.s32 @!p0 s1  }
0x9a: {  	[bflag:$0x3] =	sbarrier.arrive $0xFFFF  }
0x9b: {  	_ =	shalt  }

</sc_bundles>
